<compile_context>
chip_gen: v7x
topology: tpu7x:2x2x1
jax: 0.10.2.dev20260603
libtpu: 0.0.44.dev20260713+nightly
codegen_flags: <defaults>
</compile_context>

<pallas_src>
import functools

import jax
import jax.numpy as jnp
from jax import lax
from jax.experimental import pallas as pl
from jax.experimental.pallas import tpu as pltpu
from jax.experimental.pallas import tpu_sc as plsc

F32 = jnp.float32
I32 = jnp.int32

N_SUB = 16
SLICE = 256
GRP = 4
N_CLIQUES = 25000
ACC_ROWS = 25088
ZROWS = ACC_ROWS // N_SUB
FROWS = 1560
QW = 32
NBUF = 3


def _sc_segment_sums(xcT, xT, rt, ct2, ra, ca2):
    nsl_t = rt.shape[0] // N_SUB
    nsl_a = ra.shape[0] // N_SUB
    zeros = jnp.zeros((ACC_ROWS, QW), F32)
    mesh = plsc.VectorSubcoreMesh(core_axis_name="c", subcore_axis_name="s")

    @functools.partial(
        pl.kernel,
        out_type=(jax.ShapeDtypeStruct((4 * N_CLIQUES, QW), F32),
                  jax.ShapeDtypeStruct((4 * N_CLIQUES, QW), F32)),
        mesh=mesh,
        scratch_types=[
            pltpu.VMEM((2, GRP, SLICE), I32),
            pltpu.VMEM((2, GRP, SLICE), I32),
            pltpu.VMEM((NBUF, SLICE, QW), F32),
            pltpu.VMEM_SHARED((N_CLIQUES, QW), F32),
            pltpu.VMEM_SHARED((ACC_ROWS, QW), F32),
            pltpu.SemaphoreType.DMA((2,)),
            pltpu.SemaphoreType.DMA((2,)),
            pltpu.SemaphoreType.DMA((NBUF,)),
            pltpu.SemaphoreType.DMA((NBUF,)),
        ],
        compiler_params=pltpu.CompilerParams(use_tc_tiling_on_sc=False),
    )
    def k(xcT_ref, xT_ref, rt_ref, ct_ref, ra_ref, ca_ref,
          z_ref, out_t, out_a, rowv, colv, buf, tbl, acc,
          rstg, cstg, gat, sct):
        c = lax.axis_index("c")
        s = lax.axis_index("s")

        def phase(nsl, tabT, ridx_ref, cidx_ref, out, qq):
            tbase = s * FROWS
            pltpu.sync_copy(tabT.at[pl.ds(qq * N_CLIQUES + tbase, FROWS)],
                            tbl.at[pl.ds(tbase, FROWS)])

            @pl.when(s == N_SUB - 1)
            def _():
                tail = N_SUB * FROWS
                pltpu.sync_copy(
                    tabT.at[pl.ds(qq * N_CLIQUES + tail, N_CLIQUES - tail)],
                    tbl.at[pl.ds(tail, N_CLIQUES - tail)])

            pltpu.sync_copy(z_ref.at[pl.ds(s * ZROWS, ZROWS)],
                            acc.at[pl.ds(s * ZROWS, ZROWS)])
            plsc.subcore_barrier()

            def stage_fire(g, slot):
                pltpu.async_copy(cidx_ref.at[pl.ds(s * nsl + g * GRP, GRP)],
                                 colv.at[slot], cstg.at[slot])
                pltpu.async_copy(ridx_ref.at[pl.ds(s * nsl + g * GRP, GRP)],
                                 rowv.at[slot], rstg.at[slot])

            def stage_wait(g, slot):
                pltpu.make_async_copy(
                    ridx_ref.at[pl.ds(s * nsl + g * GRP, GRP)],
                    rowv.at[slot], rstg.at[slot]).wait()
                pltpu.make_async_copy(
                    cidx_ref.at[pl.ds(s * nsl + g * GRP, GRP)],
                    colv.at[slot], cstg.at[slot]).wait()

            def gather_fire(i):
                sg, j = lax.rem(i // GRP, 2), lax.rem(i, GRP)
                bs = lax.rem(i, NBUF)
                pltpu.async_copy(tbl.at[rowv.at[sg, j]], buf.at[bs],
                                 gat.at[bs])

            def gather_wait(i):
                sg, j = lax.rem(i // GRP, 2), lax.rem(i, GRP)
                bs = lax.rem(i, NBUF)
                pltpu.make_async_copy(tbl.at[rowv.at[sg, j]], buf.at[bs],
                                      gat.at[bs]).wait()

            def scatter_fire(i):
                sg, j = lax.rem(i // GRP, 2), lax.rem(i, GRP)
                bs = lax.rem(i, NBUF)
                pltpu.async_copy(buf.at[bs], acc.at[colv.at[sg, j]],
                                 sct.at[bs], add=True)

            def scatter_wait(i):
                sg, j = lax.rem(i // GRP, 2), lax.rem(i, GRP)
                bs = lax.rem(i, NBUF)
                pltpu.make_async_copy(buf.at[bs], acc.at[colv.at[sg, j]],
                                      sct.at[bs]).wait()

            stage_fire(0, 0)

            def body(i, carry):
                g = i // GRP
                j = lax.rem(i, GRP)

                @pl.when(j == 0)
                def _():
                    stage_wait(g, lax.rem(g, 2))

                @pl.when(i >= NBUF)
                def _():
                    scatter_wait(i - NBUF)

                gather_fire(i)

                @pl.when((j == NBUF - 1) & (i + GRP - NBUF + 1 < nsl))
                def _():
                    stage_fire(g + 1, lax.rem(g + 1, 2))

                @pl.when(i >= 1)
                def _():
                    gather_wait(i - 1)
                    scatter_fire(i - 1)

                return carry

            lax.fori_loop(0, nsl, body, 0)
            gather_wait(nsl - 1)
            scatter_fire(nsl - 1)
            for t in range(NBUF):
                scatter_wait(nsl - NBUF + t)
            plsc.subcore_barrier()

            base = s * FROWS
            pltpu.sync_copy(acc.at[pl.ds(base, FROWS)],
                            out.at[pl.ds(qq * N_CLIQUES + base, FROWS)])

            @pl.when(s == N_SUB - 1)
            def _():
                tail = N_SUB * FROWS
                pltpu.sync_copy(
                    acc.at[pl.ds(tail, N_CLIQUES - tail)],
                    out.at[pl.ds(qq * N_CLIQUES + tail, N_CLIQUES - tail)])

            plsc.subcore_barrier()

        for q in range(2):
            qq = 2 * c + q
            phase(nsl_t, xcT_ref, rt_ref, ct_ref, out_t, qq)
            phase(nsl_a, xT_ref, ra_ref, ca_ref, out_a, qq)

    return k(xcT, xT, rt, ct2, ra, ca2, zeros)


def _tc_mlps(seg_t, seg_a, x_clique, tb3, u,
             W11, b11, W12, b12, W21, b21, W22, b22, Ws1, bs1, Ws2, bs2):
    n = x_clique.shape[0]
    bm = 1000
    nblk = n // bm
    nb = u.shape[0]

    def body(st_ref, sa_ref, xc_ref, tb_ref, u_ref, w11, b11r, w12, b12r,
             w21, b21r, w22, b22r, ws1, bs1r, ws2, bs2r, out_ref):
        def dd(a, b):
            return lax.dot_general(a, b, (((1,), (1,)), ((), ())),
                                   preferred_element_type=F32)

        def qdot(seg_ref, w):
            acc = dd(seg_ref[0], w[:, :QW])
            for q in range(1, 4):
                acc = acc + dd(seg_ref[q], w[:, q * QW:(q + 1) * QW])
            return acc

        w11v, w12v, w21v, w22v, ws1v, ws2v = (
            w11[...], w12[...], w21[...], w22[...], ws1[...], ws2[...])
        h = jnp.maximum(qdot(st_ref, w11v) + b11r[0], 0.0)
        o1 = dd(h, w12v) + b12r[0]
        h2 = jnp.maximum(qdot(sa_ref, w21v) + b21r[0], 0.0)
        n1 = dd(h2, w22v) + b22r[0]
        tb = tb_ref[0, 0]
        oh = (tb[:, None] == lax.broadcasted_iota(I32, (bm, nb), 1)).astype(F32)
        ub = lax.dot_general(oh, u_ref[...], (((1,), (0,)), ((), ())),
                             preferred_element_type=F32)
        hs = jnp.maximum(
            dd(n1, ws1v[:, 0:128]) + dd(xc_ref[...], ws1v[:, 128:256])
            + dd(o1, ws1v[:, 256:384]) + dd(ub, ws1v[:, 384:512])
            + bs1r[0], 0.0)
        out_ref[...] = dd(hs, ws2v) + bs2r[0]

    def full(shape):
        return pl.BlockSpec(shape, lambda i: tuple(0 for _ in shape))

    specs = [
        pl.BlockSpec((4, bm, QW), lambda i: (0, i, 0)),
        pl.BlockSpec((4, bm, QW), lambda i: (0, i, 0)),
        pl.BlockSpec((bm, 128), lambda i: (i, 0)),
        pl.BlockSpec((1, 1, bm), lambda i: (i, 0, 0)),
        full((nb, 128)),
        full((128, 128)), full((1, 128)), full((128, 128)), full((1, 128)),
        full((128, 128)), full((1, 128)), full((128, 128)), full((1, 128)),
        full((128, 512)), full((1, 128)), full((128, 128)), full((1, 128)),
    ]
    return pl.pallas_call(
        body,
        grid=(nblk,),
        in_specs=specs,
        out_specs=pl.BlockSpec((bm, 128), lambda i: (i, 0)),
        out_shape=jax.ShapeDtypeStruct((n, 128), F32),
    )(seg_t, seg_a, x_clique, tb3, u,
      W11, b11.reshape(1, -1), W12, b12.reshape(1, -1),
      W21, b21.reshape(1, -1), W22, b22.reshape(1, -1),
      Ws1, bs1.reshape(1, -1), Ws2, bs2.reshape(1, -1))


def _pad_edges(row, col, chunk):
    e = row.shape[0]
    ep = ((e + chunk - 1) // chunk) * chunk
    pad = ep - e
    row_p = jnp.concatenate([row, jnp.zeros((pad,), I32)])
    trash = N_CLIQUES + (jnp.arange(pad, dtype=I32) % (ACC_ROWS - N_CLIQUES))
    col_p = jnp.concatenate([col, trash])
    return row_p.reshape(-1, SLICE), col_p.reshape(-1, SLICE)


def kernel(x, x_clique, tree_edge_index, atom2clique_index, u, tree_batch,
           W11, b11, W12, b12, W21, b21, W22, b22, Ws1, bs1, Ws2, bs2):
    n = x_clique.shape[0]
    rt = tree_edge_index[0].astype(I32)
    ct = tree_edge_index[1].astype(I32)
    ra = atom2clique_index[0].astype(I32)
    ca = atom2clique_index[1].astype(I32)

    chunk = N_SUB * SLICE * GRP
    rt2, ct2 = _pad_edges(rt, ct, chunk)
    ra2, ca2 = _pad_edges(ra, ca, chunk)

    xcT = x_clique.reshape(n, 4, QW).transpose(1, 0, 2).reshape(4 * n, QW)
    xT = x[:n].reshape(n, 4, QW).transpose(1, 0, 2).reshape(4 * n, QW)

    seg_t, seg_a = _sc_segment_sums(xcT, xT, rt2, ct2, ra2, ca2)

    tb3 = tree_batch.astype(I32).reshape(25, 1, 1000)
    return _tc_mlps(seg_t.reshape(4, n, QW), seg_a.reshape(4, n, QW),
                    x_clique, tb3, u,
                    W11, b11, W12, b12, W21, b21, W22, b22,
                    Ws1, bs1, Ws2, bs2)

# --- scband reference (transcript-rebuilt; emitter-appended) ---
"""Pipeline reference for scband-subgraph-model-ml2-31284541784577 (READ-ONLY COPY).

The authoritative reference and input builder live on the scoring server;
editing this copy changes nothing except your own understanding.
"""

import jax, jax.numpy as jnp
import numpy as np

N_ATOMS = 50000
N_CLIQUES = 25000
E_TREE = 400000
E_A2C = 100000
HID = 128
U_DIM = 128
IN_DIM = 3 * HID + U_DIM  # 512
OUT_DIM = 128
B = 64


def _linear_params(key, fan_in, fan_out):
    k1, k2 = jax.random.split(key)
    bound = 1.0 / np.sqrt(fan_in)
    W = jax.random.uniform(k1, (fan_out, fan_in), minval=-bound, maxval=bound, dtype=jnp.float32)
    b = jax.random.uniform(k2, (fan_out,), minval=-bound, maxval=bound, dtype=jnp.float32)
    return W, b


def setup_inputs(seed: int = 0) -> dict:
    key = jax.random.key(seed)
    ks = jax.random.split(key, 12)
    x = jax.random.normal(ks[0], (N_ATOMS, HID), dtype=jnp.float32)
    x_clique = jax.random.normal(ks[1], (N_CLIQUES, HID), dtype=jnp.float32)
    tree_edge_index = jax.random.randint(ks[2], (2, E_TREE), 0, N_CLIQUES, dtype=jnp.int64 if jax.config.jax_enable_x64 else jnp.int32)
    atom2clique_index = jax.random.randint(ks[3], (2, E_A2C), 0, N_CLIQUES, dtype=jnp.int64 if jax.config.jax_enable_x64 else jnp.int32)
    u = jax.random.normal(ks[4], (B, U_DIM), dtype=jnp.float32)
    tree_batch = jnp.sort(jax.random.randint(ks[5], (N_CLIQUES,), 0, B, dtype=jnp.int64 if jax.config.jax_enable_x64 else jnp.int32))
    W11, b11 = _linear_params(ks[6], HID, HID)
    W12, b12 = _linear_params(ks[7], HID, HID)
    W21, b21 = _linear_params(ks[8], HID, HID)
    W22, b22 = _linear_params(ks[9], HID, HID)
    Ws1, bs1 = _linear_params(ks[10], IN_DIM, HID)
    Ws2, bs2 = _linear_params(ks[11], HID, OUT_DIM)
    return {
        "x": x, "x_clique": x_clique,
        "tree_edge_index": tree_edge_index, "atom2clique_index": atom2clique_index,
        "u": u, "tree_batch": tree_batch,
        "W11": W11, "b11": b11, "W12": W12, "b12": b12,
        "W21": W21, "b21": b21, "W22": W22, "b22": b22,
        "Ws1": Ws1, "bs1": bs1, "Ws2": Ws2, "bs2": bs2,
    }


def _mlp(h, W1, b1, W2, b2):
    # dropout p=0.0 / eval mode -> identity
    h = jax.nn.relu(h @ W1.T + b1)
    return h @ W2.T + b2


def reference(x, x_clique, tree_edge_index, atom2clique_index, u, tree_batch,
              W11, b11, W12, b12, W21, b21, W22, b22, Ws1, bs1, Ws2, bs2):
    n_cliques = x_clique.shape[0]
    row, col = tree_edge_index[0], tree_edge_index[1]
    # scatter_sum(x_clique[row], col, dim=0, dim_size=n_cliques)
    out = jnp.zeros((n_cliques, x_clique.shape[1]), dtype=x_clique.dtype).at[col].add(x_clique[row])
    out = _mlp(out, W11, b11, W12, b12)
    row_assign, col_assign = atom2clique_index[0], atom2clique_index[1]
    node_info = jnp.zeros((n_cliques, x.shape[1]), dtype=x.dtype).at[col_assign].add(x[row_assign])
    node_info = _mlp(node_info, W21, b21, W22, b22)
    cat = jnp.concatenate([node_info, x_clique, out, u[tree_batch]], axis=1)
    return _mlp(cat, Ws1, bs1, Ws2, bs2)

if __name__ == "__main__":
    import jax
    _d = setup_inputs()
    print(jax.jit(kernel)(*tuple(_d.values())))

</pallas_src>

<mosaic_0001>
#map = affine_map<(d0, d1) -> (0, 0)>
module attributes {stable_mosaic.version = 14 : i64} {
  func.func @k(%arg0: i32, %arg1: i32, %arg2: memref<100000x32xf32, #tpu.memory_space<hbm>>, %arg3: memref<100000x32xf32, #tpu.memory_space<hbm>>, %arg4: memref<1600x256xi32, #tpu.memory_space<hbm>>, %arg5: memref<1600x256xi32, #tpu.memory_space<hbm>>, %arg6: memref<448x256xi32, #tpu.memory_space<hbm>>, %arg7: memref<448x256xi32, #tpu.memory_space<hbm>>, %arg8: memref<25088x32xf32, #tpu.memory_space<hbm>>, %arg9: memref<100000x32xf32, #tpu.memory_space<hbm>>, %arg10: memref<100000x32xf32, #tpu.memory_space<hbm>>, %arg11: memref<2x4x256xi32, #tpu.memory_space<vmem>>, %arg12: memref<2x4x256xi32, #tpu.memory_space<vmem>>, %arg13: memref<3x256x32xf32, #tpu.memory_space<vmem>>, %arg14: memref<25000x32xf32, #tpu.memory_space<vmem_shared>>, %arg15: memref<25088x32xf32, #tpu.memory_space<vmem_shared>>, %arg16: memref<2x!tpu.dma_semaphore, #tpu.memory_space<semaphore_mem>>, %arg17: memref<2x!tpu.dma_semaphore, #tpu.memory_space<semaphore_mem>>, %arg18: memref<3x!tpu.dma_semaphore, #tpu.memory_space<semaphore_mem>>, %arg19: memref<3x!tpu.dma_semaphore, #tpu.memory_space<semaphore_mem>>) attributes {dimension_semantics = [#tpu.dimension_semantics<core_parallel>, #tpu.dimension_semantics<subcore_parallel>], iteration_bounds = array<i64: 2, 16>, scalar_prefetch = 0 : i64, scratch_operands = 9 : i64, tpu.core_type = #tpu.core_type<sc_vector_subcore>, window_params = [{transform_indices = #map}, {transform_indices = #map}, {transform_indices = #map}, {transform_indices = #map}, {transform_indices = #map}, {transform_indices = #map}, {transform_indices = #map}, {transform_indices = #map}, {transform_indices = #map}]} {
    %mul3A = arith.constant 2 : i32
    %mul3A_0 = arith.muli %mul3A, %arg0 : i32
    %add3A = arith.constant 0 : i32
    %add3A_1 = arith.addi %mul3A_0, %add3A : i32
    %mul3A_2 = arith.constant 1560 : i32
    %mul3A_3 = arith.muli %arg1, %mul3A_2 : i32
    %mul3A_4 = arith.constant 25000 : i32
    %mul3A_5 = arith.muli %add3A_1, %mul3A_4 : i32
    %add3A_6 = arith.addi %mul3A_5, %mul3A_3 : i32
    "tpu.region"() ({
      %run_scoped3A = tpu.sem_alloc : memref<!tpu.dma_semaphore, #tpu.memory_space<semaphore_mem>>
      %dma_start3A_710 = arith.constant 0 : i32
      %dma_start3A_711 = tpu.memref_slice %arg14[%mul3A_3, %dma_start3A_710] : memref<25000x32xf32, #tpu.memory_space<vmem_shared>> -> memref<1560x32xf32, #tpu.memory_space<vmem_shared>>
      %dma_start3A_712 = arith.constant 0 : i32
      %dma_start3A_713 = tpu.memref_slice %arg2[%add3A_6, %dma_start3A_712] : memref<100000x32xf32, #tpu.memory_space<hbm>> -> memref<1560x32xf32, #tpu.memory_space<hbm>>
      tpu.enqueue_dma source(%dma_start3A_713 : memref<1560x32xf32, #tpu.memory_space<hbm>>) target(%dma_start3A_711 : memref<1560x32xf32, #tpu.memory_space<vmem_shared>>) target_semaphore(%run_scoped3A : memref<!tpu.dma_semaphore, #tpu.memory_space<semaphore_mem>>)
      %dma_wait3A_714 = arith.constant 0 : i32
      %dma_wait3A_715 = tpu.memref_slice %arg14[%mul3A_3, %dma_wait3A_714] : memref<25000x32xf32, #tpu.memory_space<vmem_shared>> -> memref<1560x32xf32, #tpu.memory_space<vmem_shared>>
      %dma_wait3A_716 = arith.constant 0 : i32
      %dma_wait3A_717 = tpu.memref_slice %arg2[%add3A_6, %dma_wait3A_716] : memref<100000x32xf32, #tpu.memory_space<hbm>> -> memref<1560x32xf32, #tpu.memory_space<hbm>>
      tpu.wait_dma2 semaphore(%run_scoped3A : memref<!tpu.dma_semaphore, #tpu.memory_space<semaphore_mem>>) src(%dma_wait3A_717 : memref<1560x32xf32, #tpu.memory_space<hbm>>) dst(%dma_wait3A_715 : memref<1560x32xf32, #tpu.memory_space<vmem_shared>>)
      tpu.yield
    }) : () -> ()
    %eq3A = arith.constant 15 : i32
    %eq3A_7 = arith.cmpi eq, %arg1, %eq3A : i32
    %convert_element_type3A = arith.extui %eq3A_7 : i1 to i32
    %cond3A = arith.constant 0 : i32
    %cond3A_8 = arith.cmpi ne, %convert_element_type3A, %cond3A : i32
    scf.if %cond3A_8 {
      %mul3A_710 = arith.constant 25000 : i32
      %mul3A_711 = arith.muli %add3A_1, %mul3A_710 : i32
      %add3A_712 = arith.constant 24960 : i32
      %add3A_713 = arith.addi %mul3A_711, %add3A_712 : i32
      "tpu.region"() ({
        %run_scoped3A = tpu.sem_alloc : memref<!tpu.dma_semaphore, #tpu.memory_space<semaphore_mem>>
        %dma_start3A_714 = arith.constant 24960 : i32
        %dma_start3A_715 = arith.constant 0 : i32
        %dma_start3A_716 = tpu.memref_slice %arg14[%dma_start3A_714, %dma_start3A_715] : memref<25000x32xf32, #tpu.memory_space<vmem_shared>> -> memref<40x32xf32, #tpu.memory_space<vmem_shared>>
        %dma_start3A_717 = arith.constant 0 : i32
        %dma_start3A_718 = tpu.memref_slice %arg2[%add3A_713, %dma_start3A_717] : memref<100000x32xf32, #tpu.memory_space<hbm>> -> memref<40x32xf32, #tpu.memory_space<hbm>>
        tpu.enqueue_dma source(%dma_start3A_718 : memref<40x32xf32, #tpu.memory_space<hbm>>) target(%dma_start3A_716 : memref<40x32xf32, #tpu.memory_space<vmem_shared>>) target_semaphore(%run_scoped3A : memref<!tpu.dma_semaphore, #tpu.memory_space<semaphore_mem>>)
        %dma_wait3A_719 = arith.constant 24960 : i32
        %dma_wait3A_720 = arith.constant 0 : i32
        %dma_wait3A_721 = tpu.memref_slice %arg14[%dma_wait3A_719, %dma_wait3A_720] : memref<25000x32xf32, #tpu.memory_space<vmem_shared>> -> memref<40x32xf32, #tpu.memory_space<vmem_shared>>
        %dma_wait3A_722 = arith.constant 0 : i32
        %dma_wait3A_723 = tpu.memref_slice %arg2[%add3A_713, %dma_wait3A_722] : memref<100000x32xf32, #tpu.memory_space<hbm>> -> memref<40x32xf32, #tpu.memory_space<hbm>>
        tpu.wait_dma2 semaphore(%run_scoped3A : memref<!tpu.dma_semaphore, #tpu.memory_space<semaphore_mem>>) src(%dma_wait3A_723 : memref<40x32xf32, #tpu.memory_space<hbm>>) dst(%dma_wait3A_721 : memref<40x32xf32, #tpu.memory_space<vmem_shared>>)
        tpu.yield
      }) : () -> ()
    } else {
    }
    %mul3A_9 = arith.constant 1568 : i32
    %mul3A_10 = arith.muli %arg1, %mul3A_9 : i32
    %mul3A_11 = arith.constant 1568 : i32
    %mul3A_12 = arith.muli %arg1, %mul3A_11 : i32
    "tpu.region"() ({
      %run_scoped3A = tpu.sem_alloc : memref<!tpu.dma_semaphore, #tpu.memory_space<semaphore_mem>>
      %dma_start3A_710 = arith.constant 0 : i32
      %dma_start3A_711 = tpu.memref_slice %arg15[%mul3A_12, %dma_start3A_710] : memref<25088x32xf32, #tpu.memory_space<vmem_shared>> -> memref<1568x32xf32, #tpu.memory_space<vmem_shared>>
      %dma_start3A_712 = arith.constant 0 : i32
      %dma_start3A_713 = tpu.memref_slice %arg8[%mul3A_10, %dma_start3A_712] : memref<25088x32xf32, #tpu.memory_space<hbm>> -> memref<1568x32xf32, #tpu.memory_space<hbm>>
      tpu.enqueue_dma source(%dma_start3A_713 : memref<1568x32xf32, #tpu.memory_space<hbm>>) target(%dma_start3A_711 : memref<1568x32xf32, #tpu.memory_space<vmem_shared>>) target_semaphore(%run_scoped3A : memref<!tpu.dma_semaphore, #tpu.memory_space<semaphore_mem>>)
      %dma_wait3A_714 = arith.constant 0 : i32
      %dma_wait3A_715 = tpu.memref_slice %arg15[%mul3A_12, %dma_wait3A_714] : memref<25088x32xf32, #tpu.memory_space<vmem_shared>> -> memref<1568x32xf32, #tpu.memory_space<vmem_shared>>
      %dma_wait3A_716 = arith.constant 0 : i32
      %dma_wait3A_717 = tpu.memref_slice %arg8[%mul3A_10, %dma_wait3A_716] : memref<25088x32xf32, #tpu.memory_space<hbm>> -> memref<1568x32xf32, #tpu.memory_space<hbm>>
      tpu.wait_dma2 semaphore(%run_scoped3A : memref<!tpu.dma_semaphore, #tpu.memory_space<semaphore_mem>>) src(%dma_wait3A_717 : memref<1568x32xf32, #tpu.memory_space<hbm>>) dst(%dma_wait3A_715 : memref<1568x32xf32, #tpu.memory_space<vmem_shared>>)
      tpu.yield
    }) : () -> ()
    %barrier3A = arith.constant 0 : index
    tpu.barrier barrier_id(%barrier3A)
    %mul3A_13 = arith.constant 100 : i32
    %mul3A_14 = arith.muli %arg1, %mul3A_13 : i32
    %add3A_15 = arith.constant 0 : i32
    %add3A_16 = arith.addi %mul3A_14, %add3A_15 : i32
    %dma_start3A = arith.constant 0 : i32
    %dma_start3A_17 = arith.constant 0 : i32
    %dma_start3A_18 = arith.constant 0 : i32
    %dma_start3A_19 = arith.constant 0 : i32
    %dma_start3A_20 = tpu.memref_slice %arg12[%dma_start3A, %dma_start3A_18, %dma_start3A_19] : memref<2x4x256xi32, #tpu.memory_space<vmem>> -> memref<1x4x256xi32, #tpu.memory_space<vmem>>
    %dma_start3A_21 = tpu.memref_squeeze %dma_start3A_20 : memref<1x4x256xi32, #tpu.memory_space<vmem>> -> memref<4x256xi32, #tpu.memory_space<vmem>>
    %dma_start3A_22 = arith.constant 0 : i32
    %dma_start3A_23 = tpu.memref_slice %arg5[%add3A_16, %dma_start3A_22] : memref<1600x256xi32, #tpu.memory_space<hbm>> -> memref<4x256xi32, #tpu.memory_space<hbm>>
    %dma_start3A_24 = tpu.memref_slice %arg17[%dma_start3A_17] : memref<2x!tpu.dma_semaphore, #tpu.memory_space<semaphore_mem>> -> memref<1x!tpu.dma_semaphore, #tpu.memory_space<semaphore_mem>>
    %dma_start3A_25 = tpu.memref_squeeze %dma_start3A_24 : memref<1x!tpu.dma_semaphore, #tpu.memory_space<semaphore_mem>> -> memref<!tpu.dma_semaphore, #tpu.memory_space<semaphore_mem>>
    %dma_start3A_26 = arith.constant 0 : i32
    %dma_start3A_27 = arith.constant 0 : i32
    %dma_start3A_28 = tpu.memref_slice %arg12[%dma_start3A, %dma_start3A_26, %dma_start3A_27] : memref<2x4x256xi32, #tpu.memory_space<vmem>> -> memref<1x4x256xi32, #tpu.memory_space<vmem>>
    %dma_start3A_29 = tpu.memref_squeeze %dma_start3A_28 : memref<1x4x256xi32, #tpu.memory_space<vmem>> -> memref<4x256xi32, #tpu.memory_space<vmem>>
    %dma_start3A_30 = arith.constant 0 : i32
    %dma_start3A_31 = tpu.memref_slice %arg5[%add3A_16, %dma_start3A_30] : memref<1600x256xi32, #tpu.memory_space<hbm>> -> memref<4x256xi32, #tpu.memory_space<hbm>>
    tpu.enqueue_dma source(%dma_start3A_31 : memref<4x256xi32, #tpu.memory_space<hbm>>) target(%dma_start3A_29 : memref<4x256xi32, #tpu.memory_space<vmem>>) target_semaphore(%dma_start3A_25 : memref<!tpu.dma_semaphore, #tpu.memory_space<semaphore_mem>>)
    %mul3A_32 = arith.constant 100 : i32
    %mul3A_33 = arith.muli %arg1, %mul3A_32 : i32
    %add3A_34 = arith.constant 0 : i32
    %add3A_35 = arith.addi %mul3A_33, %add3A_34 : i32
    %dma_start3A_36 = arith.constant 0 : i32
    %dma_start3A_37 = arith.constant 0 : i32
    %dma_start3A_38 = arith.constant 0 : i32
    %dma_start3A_39 = arith.constant 0 : i32
    %dma_start3A_40 = tpu.memref_slice %arg11[%dma_start3A_36, %dma_start3A_38, %dma_start3A_39] : memref<2x4x256xi32, #tpu.memory_space<vmem>> -> memref<1x4x256xi32, #tpu.memory_space<vmem>>
    %dma_start3A_41 = tpu.memref_squeeze %dma_start3A_40 : memref<1x4x256xi32, #tpu.memory_space<vmem>> -> memref<4x256xi32, #tpu.memory_space<vmem>>
    %dma_start3A_42 = arith.constant 0 : i32
    %dma_start3A_43 = tpu.memref_slice %arg4[%add3A_35, %dma_start3A_42] : memref<1600x256xi32, #tpu.memory_space<hbm>> -> memref<4x256xi32, #tpu.memory_space<hbm>>
    %dma_start3A_44 = tpu.memref_slice %arg16[%dma_start3A_37] : memref<2x!tpu.dma_semaphore, #tpu.memory_space<semaphore_mem>> -> memref<1x!tpu.dma_semaphore, #tpu.memory_space<semaphore_mem>>
    %dma_start3A_45 = tpu.memref_squeeze %dma_start3A_44 : memref<1x!tpu.dma_semaphore, #tpu.memory_space<semaphore_mem>> -> memref<!tpu.dma_semaphore, #tpu.memory_space<semaphore_mem>>
    %dma_start3A_46 = arith.constant 0 : i32
    %dma_start3A_47 = arith.constant 0 : i32
    %dma_start3A_48 = tpu.memref_slice %arg11[%dma_start3A_36, %dma_start3A_46, %dma_start3A_47] : memref<2x4x256xi32, #tpu.memory_space<vmem>> -> memref<1x4x256xi32, #tpu.memory_space<vmem>>
    %dma_start3A_49 = tpu.memref_squeeze %dma_start3A_48 : memref<1x4x256xi32, #tpu.memory_space<vmem>> -> memref<4x256xi32, #tpu.memory_space<vmem>>
    %dma_start3A_50 = arith.constant 0 : i32
    %dma_start3A_51 = tpu.memref_slice %arg4[%add3A_35, %dma_start3A_50] : memref<1600x256xi32, #tpu.memory_space<hbm>> -> memref<4x256xi32, #tpu.memory_space<hbm>>
    tpu.enqueue_dma source(%dma_start3A_51 : memref<4x256xi32, #tpu.memory_space<hbm>>) target(%dma_start3A_49 : memref<4x256xi32, #tpu.memory_space<vmem>>) target_semaphore(%dma_start3A_45 : memref<!tpu.dma_semaphore, #tpu.memory_space<semaphore_mem>>)
    %scan3A = arith.constant 0 : i32
    %scan3A_52 = arith.constant 0 : i32
    %scan3A_53 = arith.constant 100 : i32
    %scan3A_54 = arith.addi %scan3A_52, %scan3A_53 : i32
    %scan3A_55 = arith.constant 1 : i32
    scf.for %scan3A_710 = %scan3A_52 to %scan3A_54 step %scan3A_55  : i32 {
      %jit3A = arith.constant 4 : i32
      %div3A = arith.divsi %scan3A_710, %jit3A : i32
      %sign3A = arith.constant 0 : i32
      %sign3A_711 = arith.cmpi sgt, %scan3A_710, %sign3A : i32
      %sign3A_712 = arith.extui %sign3A_711 : i1 to i32
      %sign3A_713 = arith.constant 0 : i32
      %sign3A_714 = arith.cmpi slt, %scan3A_710, %sign3A_713 : i32
      %sign3A_715 = arith.extui %sign3A_714 : i1 to i32
      %sign3A_716 = arith.subi %sign3A_712, %sign3A_715 : i32
      %sign3A_717 = arith.constant 0 : i32
      %sign3A_718 = arith.cmpi sgt, %jit3A, %sign3A_717 : i32
      %sign3A_719 = arith.extui %sign3A_718 : i1 to i32
      %sign3A_720 = arith.constant 0 : i32
      %sign3A_721 = arith.cmpi slt, %jit3A, %sign3A_720 : i32
      %sign3A_722 = arith.extui %sign3A_721 : i1 to i32
      %sign3A_723 = arith.subi %sign3A_719, %sign3A_722 : i32
      %ne3A = arith.cmpi ne, %sign3A_716, %sign3A_723 : i32
      %rem3A_724 = arith.remsi %scan3A_710, %jit3A : i32
      %ne3A_725 = arith.constant 0 : i32
      %ne3A_726 = arith.cmpi ne, %rem3A_724, %ne3A_725 : i32
      %and3A = arith.andi %ne3A, %ne3A_726 : i1
      %sub3A = arith.constant 1 : i32
      %sub3A_727 = arith.subi %div3A, %sub3A : i32
      %select_n3A = arith.select %and3A, %sub3A_727, %div3A : i32
      %rem3A_728 = arith.constant 4 : i32
      %rem3A_729 = arith.remsi %scan3A_710, %rem3A_728 : i32
      %eq3A_730 = arith.constant 0 : i32
      %eq3A_731 = arith.cmpi eq, %rem3A_729, %eq3A_730 : i32
      %convert_element_type3A_732 = arith.extui %eq3A_731 : i1 to i32
      %cond3A_733 = arith.constant 0 : i32
      %cond3A_734 = arith.cmpi ne, %convert_element_type3A_732, %cond3A_733 : i32
      scf.if %cond3A_734 {
        %rem3A_799 = arith.constant 2 : i32
        %rem3A_800 = arith.remsi %select_n3A, %rem3A_799 : i32
        %mul3A_801 = arith.constant 100 : i32
        %mul3A_802 = arith.muli %arg1, %mul3A_801 : i32
        %mul3A_803 = arith.constant 4 : i32
        %mul3A_804 = arith.muli %select_n3A, %mul3A_803 : i32
        %add3A_805 = arith.addi %mul3A_802, %mul3A_804 : i32
        %dma_wait3A_806 = arith.constant 0 : i32
        %dma_wait3A_807 = arith.constant 0 : i32
        %dma_wait3A_808 = tpu.memref_slice %arg11[%rem3A_800, %dma_wait3A_806, %dma_wait3A_807] : memref<2x4x256xi32, #tpu.memory_space<vmem>> -> memref<1x4x256xi32, #tpu.memory_space<vmem>>
        %dma_wait3A_809 = tpu.memref_squeeze %dma_wait3A_808 : memref<1x4x256xi32, #tpu.memory_space<vmem>> -> memref<4x256xi32, #tpu.memory_space<vmem>>
        %dma_wait3A_810 = arith.constant 0 : i32
        %dma_wait3A_811 = tpu.memref_slice %arg4[%add3A_805, %dma_wait3A_810] : memref<1600x256xi32, #tpu.memory_space<hbm>> -> memref<4x256xi32, #tpu.memory_space<hbm>>
        %dma_wait3A_812 = tpu.memref_slice %arg16[%rem3A_800] : memref<2x!tpu.dma_semaphore, #tpu.memory_space<semaphore_mem>> -> memref<1x!tpu.dma_semaphore, #tpu.memory_space<semaphore_mem>>
        %dma_wait3A_813 = tpu.memref_squeeze %dma_wait3A_812 : memref<1x!tpu.dma_semaphore, #tpu.memory_space<semaphore_mem>> -> memref<!tpu.dma_semaphore, #tpu.memory_space<semaphore_mem>>
        %dma_wait3A_814 = arith.constant 0 : i32
        %dma_wait3A_815 = arith.constant 0 : i32
        %dma_wait3A_816 = tpu.memref_slice %arg11[%rem3A_800, %dma_wait3A_814, %dma_wait3A_815] : memref<2x4x256xi32, #tpu.memory_space<vmem>> -> memref<1x4x256xi32, #tpu.memory_space<vmem>>
        %dma_wait3A_817 = tpu.memref_squeeze %dma_wait3A_816 : memref<1x4x256xi32, #tpu.memory_space<vmem>> -> memref<4x256xi32, #tpu.memory_space<vmem>>
        %dma_wait3A_818 = arith.constant 0 : i32
        %dma_wait3A_819 = tpu.memref_slice %arg4[%add3A_805, %dma_wait3A_818] : memref<1600x256xi32, #tpu.memory_space<hbm>> -> memref<4x256xi32, #tpu.memory_space<hbm>>
        tpu.wait_dma2 semaphore(%dma_wait3A_813 : memref<!tpu.dma_semaphore, #tpu.memory_space<semaphore_mem>>) src(%dma_wait3A_819 : memref<4x256xi32, #tpu.memory_space<hbm>>) dst(%dma_wait3A_817 : memref<4x256xi32, #tpu.memory_space<vmem>>)
        %mul3A_820 = arith.constant 100 : i32
        %mul3A_821 = arith.muli %arg1, %mul3A_820 : i32
        %mul3A_822 = arith.constant 4 : i32
        %mul3A_823 = arith.muli %select_n3A, %mul3A_822 : i32
        %add3A_824 = arith.addi %mul3A_821, %mul3A_823 : i32
        %dma_wait3A_825 = arith.constant 0 : i32
        %dma_wait3A_826 = arith.constant 0 : i32
        %dma_wait3A_827 = tpu.memref_slice %arg12[%rem3A_800, %dma_wait3A_825, %dma_wait3A_826] : memref<2x4x256xi32, #tpu.memory_space<vmem>> -> memref<1x4x256xi32, #tpu.memory_space<vmem>>
        %dma_wait3A_828 = tpu.memref_squeeze %dma_wait3A_827 : memref<1x4x256xi32, #tpu.memory_space<vmem>> -> memref<4x256xi32, #tpu.memory_space<vmem>>
        %dma_wait3A_829 = arith.constant 0 : i32
        %dma_wait3A_830 = tpu.memref_slice %arg5[%add3A_824, %dma_wait3A_829] : memref<1600x256xi32, #tpu.memory_space<hbm>> -> memref<4x256xi32, #tpu.memory_space<hbm>>
        %dma_wait3A_831 = tpu.memref_slice %arg17[%rem3A_800] : memref<2x!tpu.dma_semaphore, #tpu.memory_space<semaphore_mem>> -> memref<1x!tpu.dma_semaphore, #tpu.memory_space<semaphore_mem>>
        %dma_wait3A_832 = tpu.memref_squeeze %dma_wait3A_831 : memref<1x!tpu.dma_semaphore, #tpu.memory_space<semaphore_mem>> -> memref<!tpu.dma_semaphore, #tpu.memory_space<semaphore_mem>>
        %dma_wait3A_833 = arith.constant 0 : i32
        %dma_wait3A_834 = arith.constant 0 : i32
        %dma_wait3A_835 = tpu.memref_slice %arg12[%rem3A_800, %dma_wait3A_833, %dma_wait3A_834] : memref<2x4x256xi32, #tpu.memory_space<vmem>> -> memref<1x4x256xi32, #tpu.memory_space<vmem>>
        %dma_wait3A_836 = tpu.memref_squeeze %dma_wait3A_835 : memref<1x4x256xi32, #tpu.memory_space<vmem>> -> memref<4x256xi32, #tpu.memory_space<vmem>>
        %dma_wait3A_837 = arith.constant 0 : i32
        %dma_wait3A_838 = tpu.memref_slice %arg5[%add3A_824, %dma_wait3A_837] : memref<1600x256xi32, #tpu.memory_space<hbm>> -> memref<4x256xi32, #tpu.memory_space<hbm>>
        tpu.wait_dma2 semaphore(%dma_wait3A_832 : memref<!tpu.dma_semaphore, #tpu.memory_space<semaphore_mem>>) src(%dma_wait3A_838 : memref<4x256xi32, #tpu.memory_space<hbm>>) dst(%dma_wait3A_836 : memref<4x256xi32, #tpu.memory_space<vmem>>)
      } else {
      }
      %ge3A = arith.constant 3 : i32
      %ge3A_735 = arith.cmpi sge, %scan3A_710, %ge3A : i32
      %convert_element_type3A_736 = arith.extui %ge3A_735 : i1 to i32
      %cond3A_737 = arith.constant 0 : i32
      %cond3A_738 = arith.cmpi ne, %convert_element_type3A_736, %cond3A_737 : i32
      scf.if %cond3A_738 {
        %sub3A_799 = arith.constant 3 : i32
        %sub3A_800 = arith.subi %scan3A_710, %sub3A_799 : i32
        %jit3A_801 = arith.constant 4 : i32
        %div3A_802 = arith.divsi %sub3A_800, %jit3A_801 : i32
        %sign3A_803 = arith.constant 0 : i32
        %sign3A_804 = arith.cmpi sgt, %sub3A_800, %sign3A_803 : i32
        %sign3A_805 = arith.extui %sign3A_804 : i1 to i32
        %sign3A_806 = arith.constant 0 : i32
        %sign3A_807 = arith.cmpi slt, %sub3A_800, %sign3A_806 : i32
        %sign3A_808 = arith.extui %sign3A_807 : i1 to i32
        %sign3A_809 = arith.subi %sign3A_805, %sign3A_808 : i32
        %sign3A_810 = arith.constant 0 : i32
        %sign3A_811 = arith.cmpi sgt, %jit3A_801, %sign3A_810 : i32
        %sign3A_812 = arith.extui %sign3A_811 : i1 to i32
        %sign3A_813 = arith.constant 0 : i32
        %sign3A_814 = arith.cmpi slt, %jit3A_801, %sign3A_813 : i32
        %sign3A_815 = arith.extui %sign3A_814 : i1 to i32
        %sign3A_816 = arith.subi %sign3A_812, %sign3A_815 : i32
        %ne3A_817 = arith.cmpi ne, %sign3A_809, %sign3A_816 : i32
        %rem3A_818 = arith.remsi %sub3A_800, %jit3A_801 : i32
        %ne3A_819 = arith.constant 0 : i32
        %ne3A_820 = arith.cmpi ne, %rem3A_818, %ne3A_819 : i32
        %and3A_821 = arith.andi %ne3A_817, %ne3A_820 : i1
        %sub3A_822 = arith.constant 1 : i32
        %sub3A_823 = arith.subi %div3A_802, %sub3A_822 : i32
        %select_n3A_824 = arith.select %and3A_821, %sub3A_823, %div3A_802 : i32
        %rem3A_825 = arith.constant 2 : i32
        %rem3A_826 = arith.remsi %select_n3A_824, %rem3A_825 : i32
        %rem3A_827 = arith.constant 4 : i32
        %rem3A_828 = arith.remsi %sub3A_800, %rem3A_827 : i32
        %rem3A_829 = arith.constant 3 : i32
        %rem3A_830 = arith.remsi %sub3A_800, %rem3A_829 : i32
        %dma_wait3A_831 = arith.constant 0 : i32
        %dma_wait3A_832 = arith.constant 0 : i32
        %dma_wait3A_833 = tpu.memref_slice %arg13[%rem3A_830, %dma_wait3A_831, %dma_wait3A_832] : memref<3x256x32xf32, #tpu.memory_space<vmem>> -> memref<1x256x32xf32, #tpu.memory_space<vmem>>
        %dma_wait3A_834 = tpu.memref_squeeze %dma_wait3A_833 : memref<1x256x32xf32, #tpu.memory_space<vmem>> -> memref<256x32xf32, #tpu.memory_space<vmem>>
        %dma_wait3A_835 = arith.constant 0 : i32
        %dma_wait3A_836 = tpu.memref_slice %arg12[%rem3A_826, %rem3A_828, %dma_wait3A_835] : memref<2x4x256xi32, #tpu.memory_space<vmem>> -> memref<1x1x256xi32, #tpu.memory_space<vmem>>
        %dma_wait3A_837 = tpu.memref_squeeze %dma_wait3A_836 : memref<1x1x256xi32, #tpu.memory_space<vmem>> -> memref<256xi32, #tpu.memory_space<vmem>>
        %dma_wait3A_838 = arith.constant 0 : i32
        %dma_wait3A_839 = arith.constant 0 : i32
        %dma_wait3A_840 = tpu.memref_slice %arg15[%dma_wait3A_838, %dma_wait3A_839] : memref<25088x32xf32, #tpu.memory_space<vmem_shared>> -> memref<25088x32xf32, #tpu.memory_space<vmem_shared>>
        %dma_wait3A_841 = tpu.memref_slice %arg19[%rem3A_830] : memref<3x!tpu.dma_semaphore, #tpu.memory_space<semaphore_mem>> -> memref<1x!tpu.dma_semaphore, #tpu.memory_space<semaphore_mem>>
        %dma_wait3A_842 = tpu.memref_squeeze %dma_wait3A_841 : memref<1x!tpu.dma_semaphore, #tpu.memory_space<semaphore_mem>> -> memref<!tpu.dma_semaphore, #tpu.memory_space<semaphore_mem>>
        tpu.wait_indirect_dma semaphore(%dma_wait3A_842 : memref<!tpu.dma_semaphore, #tpu.memory_space<semaphore_mem>>) src(%dma_wait3A_834 : memref<256x32xf32, #tpu.memory_space<vmem>>) dst(%dma_wait3A_840 : memref<25088x32xf32, #tpu.memory_space<vmem_shared>>)
      } else {
      }
      %jit3A_739 = arith.constant 4 : i32
      %div3A_740 = arith.divsi %scan3A_710, %jit3A_739 : i32
      %sign3A_741 = arith.constant 0 : i32
      %sign3A_742 = arith.cmpi sgt, %scan3A_710, %sign3A_741 : i32
      %sign3A_743 = arith.extui %sign3A_742 : i1 to i32
      %sign3A_744 = arith.constant 0 : i32
      %sign3A_745 = arith.cmpi slt, %scan3A_710, %sign3A_744 : i32
      %sign3A_746 = arith.extui %sign3A_745 : i1 to i32
      %sign3A_747 = arith.subi %sign3A_743, %sign3A_746 : i32
      %sign3A_748 = arith.constant 0 : i32
      %sign3A_749 = arith.cmpi sgt, %jit3A_739, %sign3A_748 : i32
      %sign3A_750 = arith.extui %sign3A_749 : i1 to i32
      %sign3A_751 = arith.constant 0 : i32
      %sign3A_752 = arith.cmpi slt, %jit3A_739, %sign3A_751 : i32
      %sign3A_753 = arith.extui %sign3A_752 : i1 to i32
      %sign3A_754 = arith.subi %sign3A_750, %sign3A_753 : i32
      %ne3A_755 = arith.cmpi ne, %sign3A_747, %sign3A_754 : i32
      %rem3A_756 = arith.remsi %scan3A_710, %jit3A_739 : i32
      %ne3A_757 = arith.constant 0 : i32
      %ne3A_758 = arith.cmpi ne, %rem3A_756, %ne3A_757 : i32
      %and3A_759 = arith.andi %ne3A_755, %ne3A_758 : i1
      %sub3A_760 = arith.constant 1 : i32
      %sub3A_761 = arith.subi %div3A_740, %sub3A_760 : i32
      %select_n3A_762 = arith.select %and3A_759, %sub3A_761, %div3A_740 : i32
      %rem3A_763 = arith.constant 2 : i32
      %rem3A_764 = arith.remsi %select_n3A_762, %rem3A_763 : i32
      %rem3A_765 = arith.constant 4 : i32
      %rem3A_766 = arith.remsi %scan3A_710, %rem3A_765 : i32
      %rem3A_767 = arith.constant 3 : i32
      %rem3A_768 = arith.remsi %scan3A_710, %rem3A_767 : i32
      %dma_start3A_769 = arith.constant 0 : i32
      %dma_start3A_770 = arith.constant 0 : i32
      %dma_start3A_771 = tpu.memref_slice %arg13[%rem3A_768, %dma_start3A_769, %dma_start3A_770] : memref<3x256x32xf32, #tpu.memory_space<vmem>> -> memref<1x256x32xf32, #tpu.memory_space<vmem>>
      %dma_start3A_772 = tpu.memref_squeeze %dma_start3A_771 : memref<1x256x32xf32, #tpu.memory_space<vmem>> -> memref<256x32xf32, #tpu.memory_space<vmem>>
      %dma_start3A_773 = arith.constant 0 : i32
      %dma_start3A_774 = tpu.memref_slice %arg11[%rem3A_764, %rem3A_766, %dma_start3A_773] : memref<2x4x256xi32, #tpu.memory_space<vmem>> -> memref<1x1x256xi32, #tpu.memory_space<vmem>>
      %dma_start3A_775 = tpu.memref_squeeze %dma_start3A_774 : memref<1x1x256xi32, #tpu.memory_space<vmem>> -> memref<256xi32, #tpu.memory_space<vmem>>
      %dma_start3A_776 = arith.constant 0 : i32
      %dma_start3A_777 = arith.constant 0 : i32
      %dma_start3A_778 = tpu.memref_slice %arg14[%dma_start3A_776, %dma_start3A_777] : memref<25000x32xf32, #tpu.memory_space<vmem_shared>> -> memref<25000x32xf32, #tpu.memory_space<vmem_shared>>
      %dma_start3A_779 = tpu.memref_slice %arg18[%rem3A_768] : memref<3x!tpu.dma_semaphore, #tpu.memory_space<semaphore_mem>> -> memref<1x!tpu.dma_semaphore, #tpu.memory_space<semaphore_mem>>
      %dma_start3A_780 = tpu.memref_squeeze %dma_start3A_779 : memref<1x!tpu.dma_semaphore, #tpu.memory_space<semaphore_mem>> -> memref<!tpu.dma_semaphore, #tpu.memory_space<semaphore_mem>>
      tpu.enqueue_indirect_dma source(%dma_start3A_778 : memref<25000x32xf32, #tpu.memory_space<vmem_shared>>) target(%dma_start3A_772 : memref<256x32xf32, #tpu.memory_space<vmem>>) offsets(%dma_start3A_775 : memref<256xi32, #tpu.memory_space<vmem>>) semaphore(%dma_start3A_780 : memref<!tpu.dma_semaphore, #tpu.memory_space<semaphore_mem>>)
      %eq3A_781 = arith.constant 2 : i32
      %eq3A_782 = arith.cmpi eq, %rem3A_729, %eq3A_781 : i32
      %add3A_783 = arith.constant 4 : i32
      %add3A_784 = arith.addi %scan3A_710, %add3A_783 : i32
      %sub3A_785 = arith.constant 3 : i32
      %sub3A_786 = arith.subi %add3A_784, %sub3A_785 : i32
      %add3A_787 = arith.constant 1 : i32
      %add3A_788 = arith.addi %sub3A_786, %add3A_787 : i32
      %lt3A = arith.constant 100 : i32
      %lt3A_789 = arith.cmpi slt, %add3A_788, %lt3A : i32
      %and3A_790 = arith.andi %eq3A_782, %lt3A_789 : i1
      %convert_element_type3A_791 = arith.extui %and3A_790 : i1 to i32
      %cond3A_792 = arith.constant 0 : i32
      %cond3A_793 = arith.cmpi ne, %convert_element_type3A_791, %cond3A_792 : i32
      scf.if %cond3A_793 {
        %add3A_799 = arith.constant 1 : i32
        %add3A_800 = arith.addi %select_n3A, %add3A_799 : i32
        %add3A_801 = arith.constant 1 : i32
        %add3A_802 = arith.addi %select_n3A, %add3A_801 : i32
        %rem3A_803 = arith.constant 2 : i32
        %rem3A_804 = arith.remsi %add3A_802, %rem3A_803 : i32
        %mul3A_805 = arith.constant 100 : i32
        %mul3A_806 = arith.muli %arg1, %mul3A_805 : i32
        %mul3A_807 = arith.constant 4 : i32
        %mul3A_808 = arith.muli %add3A_800, %mul3A_807 : i32
        %add3A_809 = arith.addi %mul3A_806, %mul3A_808 : i32
        %dma_start3A_810 = arith.constant 0 : i32
        %dma_start3A_811 = arith.constant 0 : i32
        %dma_start3A_812 = tpu.memref_slice %arg12[%rem3A_804, %dma_start3A_810, %dma_start3A_811] : memref<2x4x256xi32, #tpu.memory_space<vmem>> -> memref<1x4x256xi32, #tpu.memory_space<vmem>>
        %dma_start3A_813 = tpu.memref_squeeze %dma_start3A_812 : memref<1x4x256xi32, #tpu.memory_space<vmem>> -> memref<4x256xi32, #tpu.memory_space<vmem>>
        %dma_start3A_814 = arith.constant 0 : i32
        %dma_start3A_815 = tpu.memref_slice %arg5[%add3A_809, %dma_start3A_814] : memref<1600x256xi32, #tpu.memory_space<hbm>> -> memref<4x256xi32, #tpu.memory_space<hbm>>
        %dma_start3A_816 = tpu.memref_slice %arg17[%rem3A_804] : memref<2x!tpu.dma_semaphore, #tpu.memory_space<semaphore_mem>> -> memref<1x!tpu.dma_semaphore, #tpu.memory_space<semaphore_mem>>
        %dma_start3A_817 = tpu.memref_squeeze %dma_start3A_816 : memref<1x!tpu.dma_semaphore, #tpu.memory_space<semaphore_mem>> -> memref<!tpu.dma_semaphore, #tpu.memory_space<semaphore_mem>>
        %dma_start3A_818 = arith.constant 0 : i32
        %dma_start3A_819 = arith.constant 0 : i32
        %dma_start3A_820 = tpu.memref_slice %arg12[%rem3A_804, %dma_start3A_818, %dma_start3A_819] : memref<2x4x256xi32, #tpu.memory_space<vmem>> -> memref<1x4x256xi32, #tpu.memory_space<vmem>>
        %dma_start3A_821 = tpu.memref_squeeze %dma_start3A_820 : memref<1x4x256xi32, #tpu.memory_space<vmem>> -> memref<4x256xi32, #tpu.memory_space<vmem>>
        %dma_start3A_822 = arith.constant 0 : i32
        %dma_start3A_823 = tpu.memref_slice %arg5[%add3A_809, %dma_start3A_822] : memref<1600x256xi32, #tpu.memory_space<hbm>> -> memref<4x256xi32, #tpu.memory_space<hbm>>
        tpu.enqueue_dma source(%dma_start3A_823 : memref<4x256xi32, #tpu.memory_space<hbm>>) target(%dma_start3A_821 : memref<4x256xi32, #tpu.memory_space<vmem>>) target_semaphore(%dma_start3A_817 : memref<!tpu.dma_semaphore, #tpu.memory_space<semaphore_mem>>)
        %mul3A_824 = arith.constant 100 : i32
        %mul3A_825 = arith.muli %arg1, %mul3A_824 : i32
        %mul3A_826 = arith.constant 4 : i32
        %mul3A_827 = arith.muli %add3A_800, %mul3A_826 : i32
        %add3A_828 = arith.addi %mul3A_825, %mul3A_827 : i32
        %dma_start3A_829 = arith.constant 0 : i32
        %dma_start3A_830 = arith.constant 0 : i32
        %dma_start3A_831 = tpu.memref_slice %arg11[%rem3A_804, %dma_start3A_829, %dma_start3A_830] : memref<2x4x256xi32, #tpu.memory_space<vmem>> -> memref<1x4x256xi32, #tpu.memory_space<vmem>>
        %dma_start3A_832 = tpu.memref_squeeze %dma_start3A_831 : memref<1x4x256xi32, #tpu.memory_space<vmem>> -> memref<4x256xi32, #tpu.memory_space<vmem>>
        %dma_start3A_833 = arith.constant 0 : i32
        %dma_start3A_834 = tpu.memref_slice %arg4[%add3A_828, %dma_start3A_833] : memref<1600x256xi32, #tpu.memory_space<hbm>> -> memref<4x256xi32, #tpu.memory_space<hbm>>
        %dma_start3A_835 = tpu.memref_slice %arg16[%rem3A_804] : memref<2x!tpu.dma_semaphore, #tpu.memory_space<semaphore_mem>> -> memref<1x!tpu.dma_semaphore, #tpu.memory_space<semaphore_mem>>
        %dma_start3A_836 = tpu.memref_squeeze %dma_start3A_835 : memref<1x!tpu.dma_semaphore, #tpu.memory_space<semaphore_mem>> -> memref<!tpu.dma_semaphore, #tpu.memory_space<semaphore_mem>>
        %dma_start3A_837 = arith.constant 0 : i32
        %dma_start3A_838 = arith.constant 0 : i32
        %dma_start3A_839 = tpu.memref_slice %arg11[%rem3A_804, %dma_start3A_837, %dma_start3A_838] : memref<2x4x256xi32, #tpu.memory_space<vmem>> -> memref<1x4x256xi32, #tpu.memory_space<vmem>>
        %dma_start3A_840 = tpu.memref_squeeze %dma_start3A_839 : memref<1x4x256xi32, #tpu.memory_space<vmem>> -> memref<4x256xi32, #tpu.memory_space<vmem>>
        %dma_start3A_841 = arith.constant 0 : i32
        %dma_start3A_842 = tpu.memref_slice %arg4[%add3A_828, %dma_start3A_841] : memref<1600x256xi32, #tpu.memory_space<hbm>> -> memref<4x256xi32, #tpu.memory_space<hbm>>
        tpu.enqueue_dma source(%dma_start3A_842 : memref<4x256xi32, #tpu.memory_space<hbm>>) target(%dma_start3A_840 : memref<4x256xi32, #tpu.memory_space<vmem>>) target_semaphore(%dma_start3A_836 : memref<!tpu.dma_semaphore, #tpu.memory_space<semaphore_mem>>)
      } else {
      }
      %ge3A_794 = arith.constant 1 : i32
      %ge3A_795 = arith.cmpi sge, %scan3A_710, %ge3A_794 : i32
      %convert_element_type3A_796 = arith.extui %ge3A_795 : i1 to i32
      %cond3A_797 = arith.constant 0 : i32
      %cond3A_798 = arith.cmpi ne, %convert_element_type3A_796, %cond3A_797 : i32
      scf.if %cond3A_798 {
        %sub3A_799 = arith.constant 1 : i32
        %sub3A_800 = arith.subi %scan3A_710, %sub3A_799 : i32
        %jit3A_801 = arith.constant 4 : i32
        %div3A_802 = arith.divsi %sub3A_800, %jit3A_801 : i32
        %sign3A_803 = arith.constant 0 : i32
        %sign3A_804 = arith.cmpi sgt, %sub3A_800, %sign3A_803 : i32
        %sign3A_805 = arith.extui %sign3A_804 : i1 to i32
        %sign3A_806 = arith.constant 0 : i32
        %sign3A_807 = arith.cmpi slt, %sub3A_800, %sign3A_806 : i32
        %sign3A_808 = arith.extui %sign3A_807 : i1 to i32
        %sign3A_809 = arith.subi %sign3A_805, %sign3A_808 : i32
        %sign3A_810 = arith.constant 0 : i32
        %sign3A_811 = arith.cmpi sgt, %jit3A_801, %sign3A_810 : i32
        %sign3A_812 = arith.extui %sign3A_811 : i1 to i32
        %sign3A_813 = arith.constant 0 : i32
        %sign3A_814 = arith.cmpi slt, %jit3A_801, %sign3A_813 : i32
        %sign3A_815 = arith.extui %sign3A_814 : i1 to i32
        %sign3A_816 = arith.subi %sign3A_812, %sign3A_815 : i32
        %ne3A_817 = arith.cmpi ne, %sign3A_809, %sign3A_816 : i32
        %rem3A_818 = arith.remsi %sub3A_800, %jit3A_801 : i32
        %ne3A_819 = arith.constant 0 : i32
        %ne3A_820 = arith.cmpi ne, %rem3A_818, %ne3A_819 : i32
        %and3A_821 = arith.andi %ne3A_817, %ne3A_820 : i1
        %sub3A_822 = arith.constant 1 : i32
        %sub3A_823 = arith.subi %div3A_802, %sub3A_822 : i32
        %select_n3A_824 = arith.select %and3A_821, %sub3A_823, %div3A_802 : i32
        %rem3A_825 = arith.constant 2 : i32
        %rem3A_826 = arith.remsi %select_n3A_824, %rem3A_825 : i32
        %rem3A_827 = arith.constant 4 : i32
        %rem3A_828 = arith.remsi %sub3A_800, %rem3A_827 : i32
        %rem3A_829 = arith.constant 3 : i32
        %rem3A_830 = arith.remsi %sub3A_800, %rem3A_829 : i32
        %dma_wait3A_831 = arith.constant 0 : i32
        %dma_wait3A_832 = arith.constant 0 : i32
        %dma_wait3A_833 = tpu.memref_slice %arg13[%rem3A_830, %dma_wait3A_831, %dma_wait3A_832] : memref<3x256x32xf32, #tpu.memory_space<vmem>> -> memref<1x256x32xf32, #tpu.memory_space<vmem>>
        %dma_wait3A_834 = tpu.memref_squeeze %dma_wait3A_833 : memref<1x256x32xf32, #tpu.memory_space<vmem>> -> memref<256x32xf32, #tpu.memory_space<vmem>>
        %dma_wait3A_835 = arith.constant 0 : i32
        %dma_wait3A_836 = tpu.memref_slice %arg11[%rem3A_826, %rem3A_828, %dma_wait3A_835] : memref<2x4x256xi32, #tpu.memory_space<vmem>> -> memref<1x1x256xi32, #tpu.memory_space<vmem>>
        %dma_wait3A_837 = tpu.memref_squeeze %dma_wait3A_836 : memref<1x1x256xi32, #tpu.memory_space<vmem>> -> memref<256xi32, #tpu.memory_space<vmem>>
        %dma_wait3A_838 = arith.constant 0 : i32
        %dma_wait3A_839 = arith.constant 0 : i32
        %dma_wait3A_840 = tpu.memref_slice %arg14[%dma_wait3A_838, %dma_wait3A_839] : memref<25000x32xf32, #tpu.memory_space<vmem_shared>> -> memref<25000x32xf32, #tpu.memory_space<vmem_shared>>
        %dma_wait3A_841 = tpu.memref_slice %arg18[%rem3A_830] : memref<3x!tpu.dma_semaphore, #tpu.memory_space<semaphore_mem>> -> memref<1x!tpu.dma_semaphore, #tpu.memory_space<semaphore_mem>>
        %dma_wait3A_842 = tpu.memref_squeeze %dma_wait3A_841 : memref<1x!tpu.dma_semaphore, #tpu.memory_space<semaphore_mem>> -> memref<!tpu.dma_semaphore, #tpu.memory_space<semaphore_mem>>
        tpu.wait_indirect_dma semaphore(%dma_wait3A_842 : memref<!tpu.dma_semaphore, #tpu.memory_space<semaphore_mem>>) src(%dma_wait3A_840 : memref<25000x32xf32, #tpu.memory_space<vmem_shared>>) dst(%dma_wait3A_834 : memref<256x32xf32, #tpu.memory_space<vmem>>)
        %sub3A_843 = arith.constant 1 : i32
        %sub3A_844 = arith.subi %scan3A_710, %sub3A_843 : i32
        %jit3A_845 = arith.constant 4 : i32
        %div3A_846 = arith.divsi %sub3A_844, %jit3A_845 : i32
        %sign3A_847 = arith.constant 0 : i32
        %sign3A_848 = arith.cmpi sgt, %sub3A_844, %sign3A_847 : i32
        %sign3A_849 = arith.extui %sign3A_848 : i1 to i32
        %sign3A_850 = arith.constant 0 : i32
        %sign3A_851 = arith.cmpi slt, %sub3A_844, %sign3A_850 : i32
        %sign3A_852 = arith.extui %sign3A_851 : i1 to i32
        %sign3A_853 = arith.subi %sign3A_849, %sign3A_852 : i32
        %sign3A_854 = arith.constant 0 : i32
        %sign3A_855 = arith.cmpi sgt, %jit3A_845, %sign3A_854 : i32
        %sign3A_856 = arith.extui %sign3A_855 : i1 to i32
        %sign3A_857 = arith.constant 0 : i32
        %sign3A_858 = arith.cmpi slt, %jit3A_845, %sign3A_857 : i32
        %sign3A_859 = arith.extui %sign3A_858 : i1 to i32
        %sign3A_860 = arith.subi %sign3A_856, %sign3A_859 : i32
        %ne3A_861 = arith.cmpi ne, %sign3A_853, %sign3A_860 : i32
        %rem3A_862 = arith.remsi %sub3A_844, %jit3A_845 : i32
        %ne3A_863 = arith.constant 0 : i32
        %ne3A_864 = arith.cmpi ne, %rem3A_862, %ne3A_863 : i32
        %and3A_865 = arith.andi %ne3A_861, %ne3A_864 : i1
        %sub3A_866 = arith.constant 1 : i32
        %sub3A_867 = arith.subi %div3A_846, %sub3A_866 : i32
        %select_n3A_868 = arith.select %and3A_865, %sub3A_867, %div3A_846 : i32
        %rem3A_869 = arith.constant 2 : i32
        %rem3A_870 = arith.remsi %select_n3A_868, %rem3A_869 : i32
        %rem3A_871 = arith.constant 4 : i32
        %rem3A_872 = arith.remsi %sub3A_844, %rem3A_871 : i32
        %rem3A_873 = arith.constant 3 : i32
        %rem3A_874 = arith.remsi %sub3A_844, %rem3A_873 : i32
        %dma_start3A_875 = arith.constant 0 : i32
        %dma_start3A_876 = arith.constant 0 : i32
        %dma_start3A_877 = tpu.memref_slice %arg13[%rem3A_874, %dma_start3A_875, %dma_start3A_876] : memref<3x256x32xf32, #tpu.memory_space<vmem>> -> memref<1x256x32xf32, #tpu.memory_space<vmem>>
        %dma_start3A_878 = tpu.memref_squeeze %dma_start3A_877 : memref<1x256x32xf32, #tpu.memory_space<vmem>> -> memref<256x32xf32, #tpu.memory_space<vmem>>
        %dma_start3A_879 = arith.constant 0 : i32
        %dma_start3A_880 = tpu.memref_slice %arg12[%rem3A_870, %rem3A_872, %dma_start3A_879] : memref<2x4x256xi32, #tpu.memory_space<vmem>> -> memref<1x1x256xi32, #tpu.memory_space<vmem>>
        %dma_start3A_881 = tpu.memref_squeeze %dma_start3A_880 : memref<1x1x256xi32, #tpu.memory_space<vmem>> -> memref<256xi32, #tpu.memory_space<vmem>>
        %dma_start3A_882 = arith.constant 0 : i32
        %dma_start3A_883 = arith.constant 0 : i32
        %dma_start3A_884 = tpu.memref_slice %arg15[%dma_start3A_882, %dma_start3A_883] : memref<25088x32xf32, #tpu.memory_space<vmem_shared>> -> memref<25088x32xf32, #tpu.memory_space<vmem_shared>>
        %dma_start3A_885 = tpu.memref_slice %arg19[%rem3A_874] : memref<3x!tpu.dma_semaphore, #tpu.memory_space<semaphore_mem>> -> memref<1x!tpu.dma_semaphore, #tpu.memory_space<semaphore_mem>>
        %dma_start3A_886 = tpu.memref_squeeze %dma_start3A_885 : memref<1x!tpu.dma_semaphore, #tpu.memory_space<semaphore_mem>> -> memref<!tpu.dma_semaphore, #tpu.memory_space<semaphore_mem>>
        tpu.enqueue_indirect_dma source(%dma_start3A_878 : memref<256x32xf32, #tpu.memory_space<vmem>>) target(%dma_start3A_884 : memref<25088x32xf32, #tpu.memory_space<vmem_shared>>) offsets(%dma_start3A_881 : memref<256xi32, #tpu.memory_space<vmem>>) semaphore(%dma_start3A_886 : memref<!tpu.dma_semaphore, #tpu.memory_space<semaphore_mem>>) {add = true}
      } else {
      }
    }
    %scan3A_56 = arith.constant 100 : i32
    %rem3A = arith.constant 24 : i32
    %rem3A_57 = arith.constant 2 : i32
    %rem3A_58 = arith.remsi %rem3A, %rem3A_57 : i32
    %rem3A_59 = arith.constant 99 : i32
    %rem3A_60 = arith.constant 4 : i32
    %rem3A_61 = arith.remsi %rem3A_59, %rem3A_60 : i32
    %rem3A_62 = arith.constant 99 : i32
    %rem3A_63 = arith.constant 3 : i32
    %rem3A_64 = arith.remsi %rem3A_62, %rem3A_63 : i32
    %dma_wait3A = arith.constant 0 : i32
    %dma_wait3A_65 = arith.constant 0 : i32
    %dma_wait3A_66 = tpu.memref_slice %arg13[%rem3A_64, %dma_wait3A, %dma_wait3A_65] : memref<3x256x32xf32, #tpu.memory_space<vmem>> -> memref<1x256x32xf32, #tpu.memory_space<vmem>>
    %dma_wait3A_67 = tpu.memref_squeeze %dma_wait3A_66 : memref<1x256x32xf32, #tpu.memory_space<vmem>> -> memref<256x32xf32, #tpu.memory_space<vmem>>
    %dma_wait3A_68 = arith.constant 0 : i32
    %dma_wait3A_69 = tpu.memref_slice %arg11[%rem3A_58, %rem3A_61, %dma_wait3A_68] : memref<2x4x256xi32, #tpu.memory_space<vmem>> -> memref<1x1x256xi32, #tpu.memory_space<vmem>>
    %dma_wait3A_70 = tpu.memref_squeeze %dma_wait3A_69 : memref<1x1x256xi32, #tpu.memory_space<vmem>> -> memref<256xi32, #tpu.memory_space<vmem>>
    %dma_wait3A_71 = arith.constant 0 : i32
    %dma_wait3A_72 = arith.constant 0 : i32
    %dma_wait3A_73 = tpu.memref_slice %arg14[%dma_wait3A_71, %dma_wait3A_72] : memref<25000x32xf32, #tpu.memory_space<vmem_shared>> -> memref<25000x32xf32, #tpu.memory_space<vmem_shared>>
    %dma_wait3A_74 = tpu.memref_slice %arg18[%rem3A_64] : memref<3x!tpu.dma_semaphore, #tpu.memory_space<semaphore_mem>> -> memref<1x!tpu.dma_semaphore, #tpu.memory_space<semaphore_mem>>
    %dma_wait3A_75 = tpu.memref_squeeze %dma_wait3A_74 : memref<1x!tpu.dma_semaphore, #tpu.memory_space<semaphore_mem>> -> memref<!tpu.dma_semaphore, #tpu.memory_space<semaphore_mem>>
    tpu.wait_indirect_dma semaphore(%dma_wait3A_75 : memref<!tpu.dma_semaphore, #tpu.memory_space<semaphore_mem>>) src(%dma_wait3A_73 : memref<25000x32xf32, #tpu.memory_space<vmem_shared>>) dst(%dma_wait3A_67 : memref<256x32xf32, #tpu.memory_space<vmem>>)
    %rem3A_76 = arith.constant 24 : i32
    %rem3A_77 = arith.constant 2 : i32
    %rem3A_78 = arith.remsi %rem3A_76, %rem3A_77 : i32
    %rem3A_79 = arith.constant 99 : i32
    %rem3A_80 = arith.constant 4 : i32
    %rem3A_81 = arith.remsi %rem3A_79, %rem3A_80 : i32
    %rem3A_82 = arith.constant 99 : i32
    %rem3A_83 = arith.constant 3 : i32
    %rem3A_84 = arith.remsi %rem3A_82, %rem3A_83 : i32
    %dma_start3A_85 = arith.constant 0 : i32
    %dma_start3A_86 = arith.constant 0 : i32
    %dma_start3A_87 = tpu.memref_slice %arg13[%rem3A_84, %dma_start3A_85, %dma_start3A_86] : memref<3x256x32xf32, #tpu.memory_space<vmem>> -> memref<1x256x32xf32, #tpu.memory_space<vmem>>
    %dma_start3A_88 = tpu.memref_squeeze %dma_start3A_87 : memref<1x256x32xf32, #tpu.memory_space<vmem>> -> memref<256x32xf32, #tpu.memory_space<vmem>>
    %dma_start3A_89 = arith.constant 0 : i32
    %dma_start3A_90 = tpu.memref_slice %arg12[%rem3A_78, %rem3A_81, %dma_start3A_89] : memref<2x4x256xi32, #tpu.memory_space<vmem>> -> memref<1x1x256xi32, #tpu.memory_space<vmem>>
    %dma_start3A_91 = tpu.memref_squeeze %dma_start3A_90 : memref<1x1x256xi32, #tpu.memory_space<vmem>> -> memref<256xi32, #tpu.memory_space<vmem>>
    %dma_start3A_92 = arith.constant 0 : i32
    %dma_start3A_93 = arith.constant 0 : i32
    %dma_start3A_94 = tpu.memref_slice %arg15[%dma_start3A_92, %dma_start3A_93] : memref<25088x32xf32, #tpu.memory_space<vmem_shared>> -> memref<25088x32xf32, #tpu.memory_space<vmem_shared>>
    %dma_start3A_95 = tpu.memref_slice %arg19[%rem3A_84] : memref<3x!tpu.dma_semaphore, #tpu.memory_space<semaphore_mem>> -> memref<1x!tpu.dma_semaphore, #tpu.memory_space<semaphore_mem>>
    %dma_start3A_96 = tpu.memref_squeeze %dma_start3A_95 : memref<1x!tpu.dma_semaphore, #tpu.memory_space<semaphore_mem>> -> memref<!tpu.dma_semaphore, #tpu.memory_space<semaphore_mem>>
    tpu.enqueue_indirect_dma source(%dma_start3A_88 : memref<256x32xf32, #tpu.memory_space<vmem>>) target(%dma_start3A_94 : memref<25088x32xf32, #tpu.memory_space<vmem_shared>>) offsets(%dma_start3A_91 : memref<256xi32, #tpu.memory_space<vmem>>) semaphore(%dma_start3A_96 : memref<!tpu.dma_semaphore, #tpu.memory_space<semaphore_mem>>) {add = true}
    %rem3A_97 = arith.constant 24 : i32
    %rem3A_98 = arith.constant 2 : i32
    %rem3A_99 = arith.remsi %rem3A_97, %rem3A_98 : i32
    %rem3A_100 = arith.constant 97 : i32
    %rem3A_101 = arith.constant 4 : i32
    %rem3A_102 = arith.remsi %rem3A_100, %rem3A_101 : i32
    %rem3A_103 = arith.constant 97 : i32
    %rem3A_104 = arith.constant 3 : i32
    %rem3A_105 = arith.remsi %rem3A_103, %rem3A_104 : i32
    %dma_wait3A_106 = arith.constant 0 : i32
    %dma_wait3A_107 = arith.constant 0 : i32
    %dma_wait3A_108 = tpu.memref_slice %arg13[%rem3A_105, %dma_wait3A_106, %dma_wait3A_107] : memref<3x256x32xf32, #tpu.memory_space<vmem>> -> memref<1x256x32xf32, #tpu.memory_space<vmem>>
    %dma_wait3A_109 = tpu.memref_squeeze %dma_wait3A_108 : memref<1x256x32xf32, #tpu.memory_space<vmem>> -> memref<256x32xf32, #tpu.memory_space<vmem>>
    %dma_wait3A_110 = arith.constant 0 : i32
    %dma_wait3A_111 = tpu.memref_slice %arg12[%rem3A_99, %rem3A_102, %dma_wait3A_110] : memref<2x4x256xi32, #tpu.memory_space<vmem>> -> memref<1x1x256xi32, #tpu.memory_space<vmem>>
    %dma_wait3A_112 = tpu.memref_squeeze %dma_wait3A_111 : memref<1x1x256xi32, #tpu.memory_space<vmem>> -> memref<256xi32, #tpu.memory_space<vmem>>
    %dma_wait3A_113 = arith.constant 0 : i32
    %dma_wait3A_114 = arith.constant 0 : i32
    %dma_wait3A_115 = tpu.memref_slice %arg15[%dma_wait3A_113, %dma_wait3A_114] : memref<25088x32xf32, #tpu.memory_space<vmem_shared>> -> memref<25088x32xf32, #tpu.memory_space<vmem_shared>>
    %dma_wait3A_116 = tpu.memref_slice %arg19[%rem3A_105] : memref<3x!tpu.dma_semaphore, #tpu.memory_space<semaphore_mem>> -> memref<1x!tpu.dma_semaphore, #tpu.memory_space<semaphore_mem>>
    %dma_wait3A_117 = tpu.memref_squeeze %dma_wait3A_116 : memref<1x!tpu.dma_semaphore, #tpu.memory_space<semaphore_mem>> -> memref<!tpu.dma_semaphore, #tpu.memory_space<semaphore_mem>>
    tpu.wait_indirect_dma semaphore(%dma_wait3A_117 : memref<!tpu.dma_semaphore, #tpu.memory_space<semaphore_mem>>) src(%dma_wait3A_109 : memref<256x32xf32, #tpu.memory_space<vmem>>) dst(%dma_wait3A_115 : memref<25088x32xf32, #tpu.memory_space<vmem_shared>>)
    %rem3A_118 = arith.constant 24 : i32
    %rem3A_119 = arith.constant 2 : i32
    %rem3A_120 = arith.remsi %rem3A_118, %rem3A_119 : i32
    %rem3A_121 = arith.constant 98 : i32
    %rem3A_122 = arith.constant 4 : i32
    %rem3A_123 = arith.remsi %rem3A_121, %rem3A_122 : i32
    %rem3A_124 = arith.constant 98 : i32
    %rem3A_125 = arith.constant 3 : i32
    %rem3A_126 = arith.remsi %rem3A_124, %rem3A_125 : i32
    %dma_wait3A_127 = arith.constant 0 : i32
    %dma_wait3A_128 = arith.constant 0 : i32
    %dma_wait3A_129 = tpu.memref_slice %arg13[%rem3A_126, %dma_wait3A_127, %dma_wait3A_128] : memref<3x256x32xf32, #tpu.memory_space<vmem>> -> memref<1x256x32xf32, #tpu.memory_space<vmem>>
    %dma_wait3A_130 = tpu.memref_squeeze %dma_wait3A_129 : memref<1x256x32xf32, #tpu.memory_space<vmem>> -> memref<256x32xf32, #tpu.memory_space<vmem>>
    %dma_wait3A_131 = arith.constant 0 : i32
    %dma_wait3A_132 = tpu.memref_slice %arg12[%rem3A_120, %rem3A_123, %dma_wait3A_131] : memref<2x4x256xi32, #tpu.memory_space<vmem>> -> memref<1x1x256xi32, #tpu.memory_space<vmem>>
    %dma_wait3A_133 = tpu.memref_squeeze %dma_wait3A_132 : memref<1x1x256xi32, #tpu.memory_space<vmem>> -> memref<256xi32, #tpu.memory_space<vmem>>
    %dma_wait3A_134 = arith.constant 0 : i32
    %dma_wait3A_135 = arith.constant 0 : i32
    %dma_wait3A_136 = tpu.memref_slice %arg15[%dma_wait3A_134, %dma_wait3A_135] : memref<25088x32xf32, #tpu.memory_space<vmem_shared>> -> memref<25088x32xf32, #tpu.memory_space<vmem_shared>>
    %dma_wait3A_137 = tpu.memref_slice %arg19[%rem3A_126] : memref<3x!tpu.dma_semaphore, #tpu.memory_space<semaphore_mem>> -> memref<1x!tpu.dma_semaphore, #tpu.memory_space<semaphore_mem>>
    %dma_wait3A_138 = tpu.memref_squeeze %dma_wait3A_137 : memref<1x!tpu.dma_semaphore, #tpu.memory_space<semaphore_mem>> -> memref<!tpu.dma_semaphore, #tpu.memory_space<semaphore_mem>>
    tpu.wait_indirect_dma semaphore(%dma_wait3A_138 : memref<!tpu.dma_semaphore, #tpu.memory_space<semaphore_mem>>) src(%dma_wait3A_130 : memref<256x32xf32, #tpu.memory_space<vmem>>) dst(%dma_wait3A_136 : memref<25088x32xf32, #tpu.memory_space<vmem_shared>>)
    %rem3A_139 = arith.constant 24 : i32
    %rem3A_140 = arith.constant 2 : i32
    %rem3A_141 = arith.remsi %rem3A_139, %rem3A_140 : i32
    %rem3A_142 = arith.constant 99 : i32
    %rem3A_143 = arith.constant 4 : i32
    %rem3A_144 = arith.remsi %rem3A_142, %rem3A_143 : i32
    %rem3A_145 = arith.constant 99 : i32
    %rem3A_146 = arith.constant 3 : i32
    %rem3A_147 = arith.remsi %rem3A_145, %rem3A_146 : i32
    %dma_wait3A_148 = arith.constant 0 : i32
    %dma_wait3A_149 = arith.constant 0 : i32
    %dma_wait3A_150 = tpu.memref_slice %arg13[%rem3A_147, %dma_wait3A_148, %dma_wait3A_149] : memref<3x256x32xf32, #tpu.memory_space<vmem>> -> memref<1x256x32xf32, #tpu.memory_space<vmem>>
    %dma_wait3A_151 = tpu.memref_squeeze %dma_wait3A_150 : memref<1x256x32xf32, #tpu.memory_space<vmem>> -> memref<256x32xf32, #tpu.memory_space<vmem>>
    %dma_wait3A_152 = arith.constant 0 : i32
    %dma_wait3A_153 = tpu.memref_slice %arg12[%rem3A_141, %rem3A_144, %dma_wait3A_152] : memref<2x4x256xi32, #tpu.memory_space<vmem>> -> memref<1x1x256xi32, #tpu.memory_space<vmem>>
    %dma_wait3A_154 = tpu.memref_squeeze %dma_wait3A_153 : memref<1x1x256xi32, #tpu.memory_space<vmem>> -> memref<256xi32, #tpu.memory_space<vmem>>
    %dma_wait3A_155 = arith.constant 0 : i32
    %dma_wait3A_156 = arith.constant 0 : i32
    %dma_wait3A_157 = tpu.memref_slice %arg15[%dma_wait3A_155, %dma_wait3A_156] : memref<25088x32xf32, #tpu.memory_space<vmem_shared>> -> memref<25088x32xf32, #tpu.memory_space<vmem_shared>>
    %dma_wait3A_158 = tpu.memref_slice %arg19[%rem3A_147] : memref<3x!tpu.dma_semaphore, #tpu.memory_space<semaphore_mem>> -> memref<1x!tpu.dma_semaphore, #tpu.memory_space<semaphore_mem>>
    %dma_wait3A_159 = tpu.memref_squeeze %dma_wait3A_158 : memref<1x!tpu.dma_semaphore, #tpu.memory_space<semaphore_mem>> -> memref<!tpu.dma_semaphore, #tpu.memory_space<semaphore_mem>>
    tpu.wait_indirect_dma semaphore(%dma_wait3A_159 : memref<!tpu.dma_semaphore, #tpu.memory_space<semaphore_mem>>) src(%dma_wait3A_151 : memref<256x32xf32, #tpu.memory_space<vmem>>) dst(%dma_wait3A_157 : memref<25088x32xf32, #tpu.memory_space<vmem_shared>>)
    %barrier3A_160 = arith.constant 0 : index
    tpu.barrier barrier_id(%barrier3A_160)
    %mul3A_161 = arith.constant 1560 : i32
    %mul3A_162 = arith.muli %arg1, %mul3A_161 : i32
    %mul3A_163 = arith.constant 25000 : i32
    %mul3A_164 = arith.muli %add3A_1, %mul3A_163 : i32
    %add3A_165 = arith.addi %mul3A_164, %mul3A_162 : i32
    "tpu.region"() ({
      %run_scoped3A = tpu.sem_alloc : memref<!tpu.dma_semaphore, #tpu.memory_space<semaphore_mem>>
      %dma_start3A_710 = arith.constant 0 : i32
      %dma_start3A_711 = tpu.memref_slice %arg9[%add3A_165, %dma_start3A_710] : memref<100000x32xf32, #tpu.memory_space<hbm>> -> memref<1560x32xf32, #tpu.memory_space<hbm>>
      %dma_start3A_712 = arith.constant 0 : i32
      %dma_start3A_713 = tpu.memref_slice %arg15[%mul3A_162, %dma_start3A_712] : memref<25088x32xf32, #tpu.memory_space<vmem_shared>> -> memref<1560x32xf32, #tpu.memory_space<vmem_shared>>
      tpu.enqueue_dma source(%dma_start3A_713 : memref<1560x32xf32, #tpu.memory_space<vmem_shared>>) target(%dma_start3A_711 : memref<1560x32xf32, #tpu.memory_space<hbm>>) target_semaphore(%run_scoped3A : memref<!tpu.dma_semaphore, #tpu.memory_space<semaphore_mem>>)
      %dma_wait3A_714 = arith.constant 0 : i32
      %dma_wait3A_715 = tpu.memref_slice %arg9[%add3A_165, %dma_wait3A_714] : memref<100000x32xf32, #tpu.memory_space<hbm>> -> memref<1560x32xf32, #tpu.memory_space<hbm>>
      %dma_wait3A_716 = arith.constant 0 : i32
      %dma_wait3A_717 = tpu.memref_slice %arg15[%mul3A_162, %dma_wait3A_716] : memref<25088x32xf32, #tpu.memory_space<vmem_shared>> -> memref<1560x32xf32, #tpu.memory_space<vmem_shared>>
      tpu.wait_dma2 semaphore(%run_scoped3A : memref<!tpu.dma_semaphore, #tpu.memory_space<semaphore_mem>>) src(%dma_wait3A_717 : memref<1560x32xf32, #tpu.memory_space<vmem_shared>>) dst(%dma_wait3A_715 : memref<1560x32xf32, #tpu.memory_space<hbm>>)
      tpu.yield
    }) : () -> ()
    %eq3A_166 = arith.constant 15 : i32
    %eq3A_167 = arith.cmpi eq, %arg1, %eq3A_166 : i32
    %convert_element_type3A_168 = arith.extui %eq3A_167 : i1 to i32
    %cond3A_169 = arith.constant 0 : i32
    %cond3A_170 = arith.cmpi ne, %convert_element_type3A_168, %cond3A_169 : i32
    scf.if %cond3A_170 {
      %mul3A_710 = arith.constant 25000 : i32
      %mul3A_711 = arith.muli %add3A_1, %mul3A_710 : i32
      %add3A_712 = arith.constant 24960 : i32
      %add3A_713 = arith.addi %mul3A_711, %add3A_712 : i32
      "tpu.region"() ({
        %run_scoped3A = tpu.sem_alloc : memref<!tpu.dma_semaphore, #tpu.memory_space<semaphore_mem>>
        %dma_start3A_714 = arith.constant 0 : i32
        %dma_start3A_715 = tpu.memref_slice %arg9[%add3A_713, %dma_start3A_714] : memref<100000x32xf32, #tpu.memory_space<hbm>> -> memref<40x32xf32, #tpu.memory_space<hbm>>
        %dma_start3A_716 = arith.constant 24960 : i32
        %dma_start3A_717 = arith.constant 0 : i32
        %dma_start3A_718 = tpu.memref_slice %arg15[%dma_start3A_716, %dma_start3A_717] : memref<25088x32xf32, #tpu.memory_space<vmem_shared>> -> memref<40x32xf32, #tpu.memory_space<vmem_shared>>
        tpu.enqueue_dma source(%dma_start3A_718 : memref<40x32xf32, #tpu.memory_space<vmem_shared>>) target(%dma_start3A_715 : memref<40x32xf32, #tpu.memory_space<hbm>>) target_semaphore(%run_scoped3A : memref<!tpu.dma_semaphore, #tpu.memory_space<semaphore_mem>>)
        %dma_wait3A_719 = arith.constant 0 : i32
        %dma_wait3A_720 = tpu.memref_slice %arg9[%add3A_713, %dma_wait3A_719] : memref<100000x32xf32, #tpu.memory_space<hbm>> -> memref<40x32xf32, #tpu.memory_space<hbm>>
        %dma_wait3A_721 = arith.constant 24960 : i32
        %dma_wait3A_722 = arith.constant 0 : i32
        %dma_wait3A_723 = tpu.memref_slice %arg15[%dma_wait3A_721, %dma_wait3A_722] : memref<25088x32xf32, #tpu.memory_space<vmem_shared>> -> memref<40x32xf32, #tpu.memory_space<vmem_shared>>
        tpu.wait_dma2 semaphore(%run_scoped3A : memref<!tpu.dma_semaphore, #tpu.memory_space<semaphore_mem>>) src(%dma_wait3A_723 : memref<40x32xf32, #tpu.memory_space<vmem_shared>>) dst(%dma_wait3A_720 : memref<40x32xf32, #tpu.memory_space<hbm>>)
        tpu.yield
      }) : () -> ()
    } else {
    }
    %barrier3A_171 = arith.constant 0 : index
    tpu.barrier barrier_id(%barrier3A_171)
    %mul3A_172 = arith.constant 1560 : i32
    %mul3A_173 = arith.muli %arg1, %mul3A_172 : i32
    %mul3A_174 = arith.constant 25000 : i32
    %mul3A_175 = arith.muli %add3A_1, %mul3A_174 : i32
    %add3A_176 = arith.addi %mul3A_175, %mul3A_173 : i32
    "tpu.region"() ({
      %run_scoped3A = tpu.sem_alloc : memref<!tpu.dma_semaphore, #tpu.memory_space<semaphore_mem>>
      %dma_start3A_710 = arith.constant 0 : i32
      %dma_start3A_711 = tpu.memref_slice %arg14[%mul3A_173, %dma_start3A_710] : memref<25000x32xf32, #tpu.memory_space<vmem_shared>> -> memref<1560x32xf32, #tpu.memory_space<vmem_shared>>
      %dma_start3A_712 = arith.constant 0 : i32
      %dma_start3A_713 = tpu.memref_slice %arg3[%add3A_176, %dma_start3A_712] : memref<100000x32xf32, #tpu.memory_space<hbm>> -> memref<1560x32xf32, #tpu.memory_space<hbm>>
      tpu.enqueue_dma source(%dma_start3A_713 : memref<1560x32xf32, #tpu.memory_space<hbm>>) target(%dma_start3A_711 : memref<1560x32xf32, #tpu.memory_space<vmem_shared>>) target_semaphore(%run_scoped3A : memref<!tpu.dma_semaphore, #tpu.memory_space<semaphore_mem>>)
      %dma_wait3A_714 = arith.constant 0 : i32
      %dma_wait3A_715 = tpu.memref_slice %arg14[%mul3A_173, %dma_wait3A_714] : memref<25000x32xf32, #tpu.memory_space<vmem_shared>> -> memref<1560x32xf32, #tpu.memory_space<vmem_shared>>
      %dma_wait3A_716 = arith.constant 0 : i32
      %dma_wait3A_717 = tpu.memref_slice %arg3[%add3A_176, %dma_wait3A_716] : memref<100000x32xf32, #tpu.memory_space<hbm>> -> memref<1560x32xf32, #tpu.memory_space<hbm>>
      tpu.wait_dma2 semaphore(%run_scoped3A : memref<!tpu.dma_semaphore, #tpu.memory_space<semaphore_mem>>) src(%dma_wait3A_717 : memref<1560x32xf32, #tpu.memory_space<hbm>>) dst(%dma_wait3A_715 : memref<1560x32xf32, #tpu.memory_space<vmem_shared>>)
      tpu.yield
    }) : () -> ()
    %eq3A_177 = arith.constant 15 : i32
    %eq3A_178 = arith.cmpi eq, %arg1, %eq3A_177 : i32
    %convert_element_type3A_179 = arith.extui %eq3A_178 : i1 to i32
    %cond3A_180 = arith.constant 0 : i32
    %cond3A_181 = arith.cmpi ne, %convert_element_type3A_179, %cond3A_180 : i32
    scf.if %cond3A_181 {
      %mul3A_710 = arith.constant 25000 : i32
      %mul3A_711 = arith.muli %add3A_1, %mul3A_710 : i32
      %add3A_712 = arith.constant 24960 : i32
      %add3A_713 = arith.addi %mul3A_711, %add3A_712 : i32
      "tpu.region"() ({
        %run_scoped3A = tpu.sem_alloc : memref<!tpu.dma_semaphore, #tpu.memory_space<semaphore_mem>>
        %dma_start3A_714 = arith.constant 24960 : i32
        %dma_start3A_715 = arith.constant 0 : i32
        %dma_start3A_716 = tpu.memref_slice %arg14[%dma_start3A_714, %dma_start3A_715] : memref<25000x32xf32, #tpu.memory_space<vmem_shared>> -> memref<40x32xf32, #tpu.memory_space<vmem_shared>>
        %dma_start3A_717 = arith.constant 0 : i32
        %dma_start3A_718 = tpu.memref_slice %arg3[%add3A_713, %dma_start3A_717] : memref<100000x32xf32, #tpu.memory_space<hbm>> -> memref<40x32xf32, #tpu.memory_space<hbm>>
        tpu.enqueue_dma source(%dma_start3A_718 : memref<40x32xf32, #tpu.memory_space<hbm>>) target(%dma_start3A_716 : memref<40x32xf32, #tpu.memory_space<vmem_shared>>) target_semaphore(%run_scoped3A : memref<!tpu.dma_semaphore, #tpu.memory_space<semaphore_mem>>)
        %dma_wait3A_719 = arith.constant 24960 : i32
        %dma_wait3A_720 = arith.constant 0 : i32
        %dma_wait3A_721 = tpu.memref_slice %arg14[%dma_wait3A_719, %dma_wait3A_720] : memref<25000x32xf32, #tpu.memory_space<vmem_shared>> -> memref<40x32xf32, #tpu.memory_space<vmem_shared>>
        %dma_wait3A_722 = arith.constant 0 : i32
        %dma_wait3A_723 = tpu.memref_slice %arg3[%add3A_713, %dma_wait3A_722] : memref<100000x32xf32, #tpu.memory_space<hbm>> -> memref<40x32xf32, #tpu.memory_space<hbm>>
        tpu.wait_dma2 semaphore(%run_scoped3A : memref<!tpu.dma_semaphore, #tpu.memory_space<semaphore_mem>>) src(%dma_wait3A_723 : memref<40x32xf32, #tpu.memory_space<hbm>>) dst(%dma_wait3A_721 : memref<40x32xf32, #tpu.memory_space<vmem_shared>>)
        tpu.yield
      }) : () -> ()
    } else {
    }
    %mul3A_182 = arith.constant 1568 : i32
    %mul3A_183 = arith.muli %arg1, %mul3A_182 : i32
    %mul3A_184 = arith.constant 1568 : i32
    %mul3A_185 = arith.muli %arg1, %mul3A_184 : i32
    "tpu.region"() ({
      %run_scoped3A = tpu.sem_alloc : memref<!tpu.dma_semaphore, #tpu.memory_space<semaphore_mem>>
      %dma_start3A_710 = arith.constant 0 : i32
      %dma_start3A_711 = tpu.memref_slice %arg15[%mul3A_185, %dma_start3A_710] : memref<25088x32xf32, #tpu.memory_space<vmem_shared>> -> memref<1568x32xf32, #tpu.memory_space<vmem_shared>>
      %dma_start3A_712 = arith.constant 0 : i32
      %dma_start3A_713 = tpu.memref_slice %arg8[%mul3A_183, %dma_start3A_712] : memref<25088x32xf32, #tpu.memory_space<hbm>> -> memref<1568x32xf32, #tpu.memory_space<hbm>>
      tpu.enqueue_dma source(%dma_start3A_713 : memref<1568x32xf32, #tpu.memory_space<hbm>>) target(%dma_start3A_711 : memref<1568x32xf32, #tpu.memory_space<vmem_shared>>) target_semaphore(%run_scoped3A : memref<!tpu.dma_semaphore, #tpu.memory_space<semaphore_mem>>)
      %dma_wait3A_714 = arith.constant 0 : i32
      %dma_wait3A_715 = tpu.memref_slice %arg15[%mul3A_185, %dma_wait3A_714] : memref<25088x32xf32, #tpu.memory_space<vmem_shared>> -> memref<1568x32xf32, #tpu.memory_space<vmem_shared>>
      %dma_wait3A_716 = arith.constant 0 : i32
      %dma_wait3A_717 = tpu.memref_slice %arg8[%mul3A_183, %dma_wait3A_716] : memref<25088x32xf32, #tpu.memory_space<hbm>> -> memref<1568x32xf32, #tpu.memory_space<hbm>>
      tpu.wait_dma2 semaphore(%run_scoped3A : memref<!tpu.dma_semaphore, #tpu.memory_space<semaphore_mem>>) src(%dma_wait3A_717 : memref<1568x32xf32, #tpu.memory_space<hbm>>) dst(%dma_wait3A_715 : memref<1568x32xf32, #tpu.memory_space<vmem_shared>>)
      tpu.yield
    }) : () -> ()
    %barrier3A_186 = arith.constant 0 : index
    tpu.barrier barrier_id(%barrier3A_186)
    %mul3A_187 = arith.constant 28 : i32
    %mul3A_188 = arith.muli %arg1, %mul3A_187 : i32
    %add3A_189 = arith.constant 0 : i32
    %add3A_190 = arith.addi %mul3A_188, %add3A_189 : i32
    %dma_start3A_191 = arith.constant 0 : i32
    %dma_start3A_192 = arith.constant 0 : i32
    %dma_start3A_193 = arith.constant 0 : i32
    %dma_start3A_194 = arith.constant 0 : i32
    %dma_start3A_195 = tpu.memref_slice %arg12[%dma_start3A_191, %dma_start3A_193, %dma_start3A_194] : memref<2x4x256xi32, #tpu.memory_space<vmem>> -> memref<1x4x256xi32, #tpu.memory_space<vmem>>
    %dma_start3A_196 = tpu.memref_squeeze %dma_start3A_195 : memref<1x4x256xi32, #tpu.memory_space<vmem>> -> memref<4x256xi32, #tpu.memory_space<vmem>>
    %dma_start3A_197 = arith.constant 0 : i32
    %dma_start3A_198 = tpu.memref_slice %arg7[%add3A_190, %dma_start3A_197] : memref<448x256xi32, #tpu.memory_space<hbm>> -> memref<4x256xi32, #tpu.memory_space<hbm>>
    %dma_start3A_199 = tpu.memref_slice %arg17[%dma_start3A_192] : memref<2x!tpu.dma_semaphore, #tpu.memory_space<semaphore_mem>> -> memref<1x!tpu.dma_semaphore, #tpu.memory_space<semaphore_mem>>
    %dma_start3A_200 = tpu.memref_squeeze %dma_start3A_199 : memref<1x!tpu.dma_semaphore, #tpu.memory_space<semaphore_mem>> -> memref<!tpu.dma_semaphore, #tpu.memory_space<semaphore_mem>>
    %dma_start3A_201 = arith.constant 0 : i32
    %dma_start3A_202 = arith.constant 0 : i32
    %dma_start3A_203 = tpu.memref_slice %arg12[%dma_start3A_191, %dma_start3A_201, %dma_start3A_202] : memref<2x4x256xi32, #tpu.memory_space<vmem>> -> memref<1x4x256xi32, #tpu.memory_space<vmem>>
    %dma_start3A_204 = tpu.memref_squeeze %dma_start3A_203 : memref<1x4x256xi32, #tpu.memory_space<vmem>> -> memref<4x256xi32, #tpu.memory_space<vmem>>
    %dma_start3A_205 = arith.constant 0 : i32
    %dma_start3A_206 = tpu.memref_slice %arg7[%add3A_190, %dma_start3A_205] : memref<448x256xi32, #tpu.memory_space<hbm>> -> memref<4x256xi32, #tpu.memory_space<hbm>>
    tpu.enqueue_dma source(%dma_start3A_206 : memref<4x256xi32, #tpu.memory_space<hbm>>) target(%dma_start3A_204 : memref<4x256xi32, #tpu.memory_space<vmem>>) target_semaphore(%dma_start3A_200 : memref<!tpu.dma_semaphore, #tpu.memory_space<semaphore_mem>>)
    %mul3A_207 = arith.constant 28 : i32
    %mul3A_208 = arith.muli %arg1, %mul3A_207 : i32
    %add3A_209 = arith.constant 0 : i32
    %add3A_210 = arith.addi %mul3A_208, %add3A_209 : i32
    %dma_start3A_211 = arith.constant 0 : i32
    %dma_start3A_212 = arith.constant 0 : i32
    %dma_start3A_213 = arith.constant 0 : i32
    %dma_start3A_214 = arith.constant 0 : i32
    %dma_start3A_215 = tpu.memref_slice %arg11[%dma_start3A_211, %dma_start3A_213, %dma_start3A_214] : memref<2x4x256xi32, #tpu.memory_space<vmem>> -> memref<1x4x256xi32, #tpu.memory_space<vmem>>
    %dma_start3A_216 = tpu.memref_squeeze %dma_start3A_215 : memref<1x4x256xi32, #tpu.memory_space<vmem>> -> memref<4x256xi32, #tpu.memory_space<vmem>>
    %dma_start3A_217 = arith.constant 0 : i32
    %dma_start3A_218 = tpu.memref_slice %arg6[%add3A_210, %dma_start3A_217] : memref<448x256xi32, #tpu.memory_space<hbm>> -> memref<4x256xi32, #tpu.memory_space<hbm>>
    %dma_start3A_219 = tpu.memref_slice %arg16[%dma_start3A_212] : memref<2x!tpu.dma_semaphore, #tpu.memory_space<semaphore_mem>> -> memref<1x!tpu.dma_semaphore, #tpu.memory_space<semaphore_mem>>
    %dma_start3A_220 = tpu.memref_squeeze %dma_start3A_219 : memref<1x!tpu.dma_semaphore, #tpu.memory_space<semaphore_mem>> -> memref<!tpu.dma_semaphore, #tpu.memory_space<semaphore_mem>>
    %dma_start3A_221 = arith.constant 0 : i32
    %dma_start3A_222 = arith.constant 0 : i32
    %dma_start3A_223 = tpu.memref_slice %arg11[%dma_start3A_211, %dma_start3A_221, %dma_start3A_222] : memref<2x4x256xi32, #tpu.memory_space<vmem>> -> memref<1x4x256xi32, #tpu.memory_space<vmem>>
    %dma_start3A_224 = tpu.memref_squeeze %dma_start3A_223 : memref<1x4x256xi32, #tpu.memory_space<vmem>> -> memref<4x256xi32, #tpu.memory_space<vmem>>
    %dma_start3A_225 = arith.constant 0 : i32
    %dma_start3A_226 = tpu.memref_slice %arg6[%add3A_210, %dma_start3A_225] : memref<448x256xi32, #tpu.memory_space<hbm>> -> memref<4x256xi32, #tpu.memory_space<hbm>>
    tpu.enqueue_dma source(%dma_start3A_226 : memref<4x256xi32, #tpu.memory_space<hbm>>) target(%dma_start3A_224 : memref<4x256xi32, #tpu.memory_space<vmem>>) target_semaphore(%dma_start3A_220 : memref<!tpu.dma_semaphore, #tpu.memory_space<semaphore_mem>>)
    %scan3A_227 = arith.constant 0 : i32
    %scan3A_228 = arith.constant 0 : i32
    %scan3A_229 = arith.constant 28 : i32
    %scan3A_230 = arith.addi %scan3A_228, %scan3A_229 : i32
    %scan3A_231 = arith.constant 1 : i32
    scf.for %scan3A_710 = %scan3A_228 to %scan3A_230 step %scan3A_231  : i32 {
      %jit3A = arith.constant 4 : i32
      %div3A = arith.divsi %scan3A_710, %jit3A : i32
      %sign3A = arith.constant 0 : i32
      %sign3A_711 = arith.cmpi sgt, %scan3A_710, %sign3A : i32
      %sign3A_712 = arith.extui %sign3A_711 : i1 to i32
      %sign3A_713 = arith.constant 0 : i32
      %sign3A_714 = arith.cmpi slt, %scan3A_710, %sign3A_713 : i32
      %sign3A_715 = arith.extui %sign3A_714 : i1 to i32
      %sign3A_716 = arith.subi %sign3A_712, %sign3A_715 : i32
      %sign3A_717 = arith.constant 0 : i32
      %sign3A_718 = arith.cmpi sgt, %jit3A, %sign3A_717 : i32
      %sign3A_719 = arith.extui %sign3A_718 : i1 to i32
      %sign3A_720 = arith.constant 0 : i32
      %sign3A_721 = arith.cmpi slt, %jit3A, %sign3A_720 : i32
      %sign3A_722 = arith.extui %sign3A_721 : i1 to i32
      %sign3A_723 = arith.subi %sign3A_719, %sign3A_722 : i32
      %ne3A = arith.cmpi ne, %sign3A_716, %sign3A_723 : i32
      %rem3A_724 = arith.remsi %scan3A_710, %jit3A : i32
      %ne3A_725 = arith.constant 0 : i32
      %ne3A_726 = arith.cmpi ne, %rem3A_724, %ne3A_725 : i32
      %and3A = arith.andi %ne3A, %ne3A_726 : i1
      %sub3A = arith.constant 1 : i32
      %sub3A_727 = arith.subi %div3A, %sub3A : i32
      %select_n3A = arith.select %and3A, %sub3A_727, %div3A : i32
      %rem3A_728 = arith.constant 4 : i32
      %rem3A_729 = arith.remsi %scan3A_710, %rem3A_728 : i32
      %eq3A_730 = arith.constant 0 : i32
      %eq3A_731 = arith.cmpi eq, %rem3A_729, %eq3A_730 : i32
      %convert_element_type3A_732 = arith.extui %eq3A_731 : i1 to i32
      %cond3A_733 = arith.constant 0 : i32
      %cond3A_734 = arith.cmpi ne, %convert_element_type3A_732, %cond3A_733 : i32
      scf.if %cond3A_734 {
        %rem3A_799 = arith.constant 2 : i32
        %rem3A_800 = arith.remsi %select_n3A, %rem3A_799 : i32
        %mul3A_801 = arith.constant 28 : i32
        %mul3A_802 = arith.muli %arg1, %mul3A_801 : i32
        %mul3A_803 = arith.constant 4 : i32
        %mul3A_804 = arith.muli %select_n3A, %mul3A_803 : i32
        %add3A_805 = arith.addi %mul3A_802, %mul3A_804 : i32
        %dma_wait3A_806 = arith.constant 0 : i32
        %dma_wait3A_807 = arith.constant 0 : i32
        %dma_wait3A_808 = tpu.memref_slice %arg11[%rem3A_800, %dma_wait3A_806, %dma_wait3A_807] : memref<2x4x256xi32, #tpu.memory_space<vmem>> -> memref<1x4x256xi32, #tpu.memory_space<vmem>>
        %dma_wait3A_809 = tpu.memref_squeeze %dma_wait3A_808 : memref<1x4x256xi32, #tpu.memory_space<vmem>> -> memref<4x256xi32, #tpu.memory_space<vmem>>
        %dma_wait3A_810 = arith.constant 0 : i32
        %dma_wait3A_811 = tpu.memref_slice %arg6[%add3A_805, %dma_wait3A_810] : memref<448x256xi32, #tpu.memory_space<hbm>> -> memref<4x256xi32, #tpu.memory_space<hbm>>
        %dma_wait3A_812 = tpu.memref_slice %arg16[%rem3A_800] : memref<2x!tpu.dma_semaphore, #tpu.memory_space<semaphore_mem>> -> memref<1x!tpu.dma_semaphore, #tpu.memory_space<semaphore_mem>>
        %dma_wait3A_813 = tpu.memref_squeeze %dma_wait3A_812 : memref<1x!tpu.dma_semaphore, #tpu.memory_space<semaphore_mem>> -> memref<!tpu.dma_semaphore, #tpu.memory_space<semaphore_mem>>
        %dma_wait3A_814 = arith.constant 0 : i32
        %dma_wait3A_815 = arith.constant 0 : i32
        %dma_wait3A_816 = tpu.memref_slice %arg11[%rem3A_800, %dma_wait3A_814, %dma_wait3A_815] : memref<2x4x256xi32, #tpu.memory_space<vmem>> -> memref<1x4x256xi32, #tpu.memory_space<vmem>>
        %dma_wait3A_817 = tpu.memref_squeeze %dma_wait3A_816 : memref<1x4x256xi32, #tpu.memory_space<vmem>> -> memref<4x256xi32, #tpu.memory_space<vmem>>
        %dma_wait3A_818 = arith.constant 0 : i32
        %dma_wait3A_819 = tpu.memref_slice %arg6[%add3A_805, %dma_wait3A_818] : memref<448x256xi32, #tpu.memory_space<hbm>> -> memref<4x256xi32, #tpu.memory_space<hbm>>
        tpu.wait_dma2 semaphore(%dma_wait3A_813 : memref<!tpu.dma_semaphore, #tpu.memory_space<semaphore_mem>>) src(%dma_wait3A_819 : memref<4x256xi32, #tpu.memory_space<hbm>>) dst(%dma_wait3A_817 : memref<4x256xi32, #tpu.memory_space<vmem>>)
        %mul3A_820 = arith.constant 28 : i32
        %mul3A_821 = arith.muli %arg1, %mul3A_820 : i32
        %mul3A_822 = arith.constant 4 : i32
        %mul3A_823 = arith.muli %select_n3A, %mul3A_822 : i32
        %add3A_824 = arith.addi %mul3A_821, %mul3A_823 : i32
        %dma_wait3A_825 = arith.constant 0 : i32
        %dma_wait3A_826 = arith.constant 0 : i32
        %dma_wait3A_827 = tpu.memref_slice %arg12[%rem3A_800, %dma_wait3A_825, %dma_wait3A_826] : memref<2x4x256xi32, #tpu.memory_space<vmem>> -> memref<1x4x256xi32, #tpu.memory_space<vmem>>
        %dma_wait3A_828 = tpu.memref_squeeze %dma_wait3A_827 : memref<1x4x256xi32, #tpu.memory_space<vmem>> -> memref<4x256xi32, #tpu.memory_space<vmem>>
        %dma_wait3A_829 = arith.constant 0 : i32
        %dma_wait3A_830 = tpu.memref_slice %arg7[%add3A_824, %dma_wait3A_829] : memref<448x256xi32, #tpu.memory_space<hbm>> -> memref<4x256xi32, #tpu.memory_space<hbm>>
        %dma_wait3A_831 = tpu.memref_slice %arg17[%rem3A_800] : memref<2x!tpu.dma_semaphore, #tpu.memory_space<semaphore_mem>> -> memref<1x!tpu.dma_semaphore, #tpu.memory_space<semaphore_mem>>
        %dma_wait3A_832 = tpu.memref_squeeze %dma_wait3A_831 : memref<1x!tpu.dma_semaphore, #tpu.memory_space<semaphore_mem>> -> memref<!tpu.dma_semaphore, #tpu.memory_space<semaphore_mem>>
        %dma_wait3A_833 = arith.constant 0 : i32
        %dma_wait3A_834 = arith.constant 0 : i32
        %dma_wait3A_835 = tpu.memref_slice %arg12[%rem3A_800, %dma_wait3A_833, %dma_wait3A_834] : memref<2x4x256xi32, #tpu.memory_space<vmem>> -> memref<1x4x256xi32, #tpu.memory_space<vmem>>
        %dma_wait3A_836 = tpu.memref_squeeze %dma_wait3A_835 : memref<1x4x256xi32, #tpu.memory_space<vmem>> -> memref<4x256xi32, #tpu.memory_space<vmem>>
        %dma_wait3A_837 = arith.constant 0 : i32
        %dma_wait3A_838 = tpu.memref_slice %arg7[%add3A_824, %dma_wait3A_837] : memref<448x256xi32, #tpu.memory_space<hbm>> -> memref<4x256xi32, #tpu.memory_space<hbm>>
        tpu.wait_dma2 semaphore(%dma_wait3A_832 : memref<!tpu.dma_semaphore, #tpu.memory_space<semaphore_mem>>) src(%dma_wait3A_838 : memref<4x256xi32, #tpu.memory_space<hbm>>) dst(%dma_wait3A_836 : memref<4x256xi32, #tpu.memory_space<vmem>>)
      } else {
      }
      %ge3A = arith.constant 3 : i32
      %ge3A_735 = arith.cmpi sge, %scan3A_710, %ge3A : i32
      %convert_element_type3A_736 = arith.extui %ge3A_735 : i1 to i32
      %cond3A_737 = arith.constant 0 : i32
      %cond3A_738 = arith.cmpi ne, %convert_element_type3A_736, %cond3A_737 : i32
      scf.if %cond3A_738 {
        %sub3A_799 = arith.constant 3 : i32
        %sub3A_800 = arith.subi %scan3A_710, %sub3A_799 : i32
        %jit3A_801 = arith.constant 4 : i32
        %div3A_802 = arith.divsi %sub3A_800, %jit3A_801 : i32
        %sign3A_803 = arith.constant 0 : i32
        %sign3A_804 = arith.cmpi sgt, %sub3A_800, %sign3A_803 : i32
        %sign3A_805 = arith.extui %sign3A_804 : i1 to i32
        %sign3A_806 = arith.constant 0 : i32
        %sign3A_807 = arith.cmpi slt, %sub3A_800, %sign3A_806 : i32
        %sign3A_808 = arith.extui %sign3A_807 : i1 to i32
        %sign3A_809 = arith.subi %sign3A_805, %sign3A_808 : i32
        %sign3A_810 = arith.constant 0 : i32
        %sign3A_811 = arith.cmpi sgt, %jit3A_801, %sign3A_810 : i32
        %sign3A_812 = arith.extui %sign3A_811 : i1 to i32
        %sign3A_813 = arith.constant 0 : i32
        %sign3A_814 = arith.cmpi slt, %jit3A_801, %sign3A_813 : i32
        %sign3A_815 = arith.extui %sign3A_814 : i1 to i32
        %sign3A_816 = arith.subi %sign3A_812, %sign3A_815 : i32
        %ne3A_817 = arith.cmpi ne, %sign3A_809, %sign3A_816 : i32
        %rem3A_818 = arith.remsi %sub3A_800, %jit3A_801 : i32
        %ne3A_819 = arith.constant 0 : i32
        %ne3A_820 = arith.cmpi ne, %rem3A_818, %ne3A_819 : i32
        %and3A_821 = arith.andi %ne3A_817, %ne3A_820 : i1
        %sub3A_822 = arith.constant 1 : i32
        %sub3A_823 = arith.subi %div3A_802, %sub3A_822 : i32
        %select_n3A_824 = arith.select %and3A_821, %sub3A_823, %div3A_802 : i32
        %rem3A_825 = arith.constant 2 : i32
        %rem3A_826 = arith.remsi %select_n3A_824, %rem3A_825 : i32
        %rem3A_827 = arith.constant 4 : i32
        %rem3A_828 = arith.remsi %sub3A_800, %rem3A_827 : i32
        %rem3A_829 = arith.constant 3 : i32
        %rem3A_830 = arith.remsi %sub3A_800, %rem3A_829 : i32
        %dma_wait3A_831 = arith.constant 0 : i32
        %dma_wait3A_832 = arith.constant 0 : i32
        %dma_wait3A_833 = tpu.memref_slice %arg13[%rem3A_830, %dma_wait3A_831, %dma_wait3A_832] : memref<3x256x32xf32, #tpu.memory_space<vmem>> -> memref<1x256x32xf32, #tpu.memory_space<vmem>>
        %dma_wait3A_834 = tpu.memref_squeeze %dma_wait3A_833 : memref<1x256x32xf32, #tpu.memory_space<vmem>> -> memref<256x32xf32, #tpu.memory_space<vmem>>
        %dma_wait3A_835 = arith.constant 0 : i32
        %dma_wait3A_836 = tpu.memref_slice %arg12[%rem3A_826, %rem3A_828, %dma_wait3A_835] : memref<2x4x256xi32, #tpu.memory_space<vmem>> -> memref<1x1x256xi32, #tpu.memory_space<vmem>>
        %dma_wait3A_837 = tpu.memref_squeeze %dma_wait3A_836 : memref<1x1x256xi32, #tpu.memory_space<vmem>> -> memref<256xi32, #tpu.memory_space<vmem>>
        %dma_wait3A_838 = arith.constant 0 : i32
        %dma_wait3A_839 = arith.constant 0 : i32
        %dma_wait3A_840 = tpu.memref_slice %arg15[%dma_wait3A_838, %dma_wait3A_839] : memref<25088x32xf32, #tpu.memory_space<vmem_shared>> -> memref<25088x32xf32, #tpu.memory_space<vmem_shared>>
        %dma_wait3A_841 = tpu.memref_slice %arg19[%rem3A_830] : memref<3x!tpu.dma_semaphore, #tpu.memory_space<semaphore_mem>> -> memref<1x!tpu.dma_semaphore, #tpu.memory_space<semaphore_mem>>
        %dma_wait3A_842 = tpu.memref_squeeze %dma_wait3A_841 : memref<1x!tpu.dma_semaphore, #tpu.memory_space<semaphore_mem>> -> memref<!tpu.dma_semaphore, #tpu.memory_space<semaphore_mem>>
        tpu.wait_indirect_dma semaphore(%dma_wait3A_842 : memref<!tpu.dma_semaphore, #tpu.memory_space<semaphore_mem>>) src(%dma_wait3A_834 : memref<256x32xf32, #tpu.memory_space<vmem>>) dst(%dma_wait3A_840 : memref<25088x32xf32, #tpu.memory_space<vmem_shared>>)
      } else {
      }
      %jit3A_739 = arith.constant 4 : i32
      %div3A_740 = arith.divsi %scan3A_710, %jit3A_739 : i32
      %sign3A_741 = arith.constant 0 : i32
      %sign3A_742 = arith.cmpi sgt, %scan3A_710, %sign3A_741 : i32
      %sign3A_743 = arith.extui %sign3A_742 : i1 to i32
      %sign3A_744 = arith.constant 0 : i32
      %sign3A_745 = arith.cmpi slt, %scan3A_710, %sign3A_744 : i32
      %sign3A_746 = arith.extui %sign3A_745 : i1 to i32
      %sign3A_747 = arith.subi %sign3A_743, %sign3A_746 : i32
      %sign3A_748 = arith.constant 0 : i32
      %sign3A_749 = arith.cmpi sgt, %jit3A_739, %sign3A_748 : i32
      %sign3A_750 = arith.extui %sign3A_749 : i1 to i32
      %sign3A_751 = arith.constant 0 : i32
      %sign3A_752 = arith.cmpi slt, %jit3A_739, %sign3A_751 : i32
      %sign3A_753 = arith.extui %sign3A_752 : i1 to i32
      %sign3A_754 = arith.subi %sign3A_750, %sign3A_753 : i32
      %ne3A_755 = arith.cmpi ne, %sign3A_747, %sign3A_754 : i32
      %rem3A_756 = arith.remsi %scan3A_710, %jit3A_739 : i32
      %ne3A_757 = arith.constant 0 : i32
      %ne3A_758 = arith.cmpi ne, %rem3A_756, %ne3A_757 : i32
      %and3A_759 = arith.andi %ne3A_755, %ne3A_758 : i1
      %sub3A_760 = arith.constant 1 : i32
      %sub3A_761 = arith.subi %div3A_740, %sub3A_760 : i32
      %select_n3A_762 = arith.select %and3A_759, %sub3A_761, %div3A_740 : i32
      %rem3A_763 = arith.constant 2 : i32
      %rem3A_764 = arith.remsi %select_n3A_762, %rem3A_763 : i32
      %rem3A_765 = arith.constant 4 : i32
      %rem3A_766 = arith.remsi %scan3A_710, %rem3A_765 : i32
      %rem3A_767 = arith.constant 3 : i32
      %rem3A_768 = arith.remsi %scan3A_710, %rem3A_767 : i32
      %dma_start3A_769 = arith.constant 0 : i32
      %dma_start3A_770 = arith.constant 0 : i32
      %dma_start3A_771 = tpu.memref_slice %arg13[%rem3A_768, %dma_start3A_769, %dma_start3A_770] : memref<3x256x32xf32, #tpu.memory_space<vmem>> -> memref<1x256x32xf32, #tpu.memory_space<vmem>>
      %dma_start3A_772 = tpu.memref_squeeze %dma_start3A_771 : memref<1x256x32xf32, #tpu.memory_space<vmem>> -> memref<256x32xf32, #tpu.memory_space<vmem>>
      %dma_start3A_773 = arith.constant 0 : i32
      %dma_start3A_774 = tpu.memref_slice %arg11[%rem3A_764, %rem3A_766, %dma_start3A_773] : memref<2x4x256xi32, #tpu.memory_space<vmem>> -> memref<1x1x256xi32, #tpu.memory_space<vmem>>
      %dma_start3A_775 = tpu.memref_squeeze %dma_start3A_774 : memref<1x1x256xi32, #tpu.memory_space<vmem>> -> memref<256xi32, #tpu.memory_space<vmem>>
      %dma_start3A_776 = arith.constant 0 : i32
      %dma_start3A_777 = arith.constant 0 : i32
      %dma_start3A_778 = tpu.memref_slice %arg14[%dma_start3A_776, %dma_start3A_777] : memref<25000x32xf32, #tpu.memory_space<vmem_shared>> -> memref<25000x32xf32, #tpu.memory_space<vmem_shared>>
      %dma_start3A_779 = tpu.memref_slice %arg18[%rem3A_768] : memref<3x!tpu.dma_semaphore, #tpu.memory_space<semaphore_mem>> -> memref<1x!tpu.dma_semaphore, #tpu.memory_space<semaphore_mem>>
      %dma_start3A_780 = tpu.memref_squeeze %dma_start3A_779 : memref<1x!tpu.dma_semaphore, #tpu.memory_space<semaphore_mem>> -> memref<!tpu.dma_semaphore, #tpu.memory_space<semaphore_mem>>
      tpu.enqueue_indirect_dma source(%dma_start3A_778 : memref<25000x32xf32, #tpu.memory_space<vmem_shared>>) target(%dma_start3A_772 : memref<256x32xf32, #tpu.memory_space<vmem>>) offsets(%dma_start3A_775 : memref<256xi32, #tpu.memory_space<vmem>>) semaphore(%dma_start3A_780 : memref<!tpu.dma_semaphore, #tpu.memory_space<semaphore_mem>>)
      %eq3A_781 = arith.constant 2 : i32
      %eq3A_782 = arith.cmpi eq, %rem3A_729, %eq3A_781 : i32
      %add3A_783 = arith.constant 4 : i32
      %add3A_784 = arith.addi %scan3A_710, %add3A_783 : i32
      %sub3A_785 = arith.constant 3 : i32
      %sub3A_786 = arith.subi %add3A_784, %sub3A_785 : i32
      %add3A_787 = arith.constant 1 : i32
      %add3A_788 = arith.addi %sub3A_786, %add3A_787 : i32
      %lt3A = arith.constant 28 : i32
      %lt3A_789 = arith.cmpi slt, %add3A_788, %lt3A : i32
      %and3A_790 = arith.andi %eq3A_782, %lt3A_789 : i1
      %convert_element_type3A_791 = arith.extui %and3A_790 : i1 to i32
      %cond3A_792 = arith.constant 0 : i32
      %cond3A_793 = arith.cmpi ne, %convert_element_type3A_791, %cond3A_792 : i32
      scf.if %cond3A_793 {
        %add3A_799 = arith.constant 1 : i32
        %add3A_800 = arith.addi %select_n3A, %add3A_799 : i32
        %add3A_801 = arith.constant 1 : i32
        %add3A_802 = arith.addi %select_n3A, %add3A_801 : i32
        %rem3A_803 = arith.constant 2 : i32
        %rem3A_804 = arith.remsi %add3A_802, %rem3A_803 : i32
        %mul3A_805 = arith.constant 28 : i32
        %mul3A_806 = arith.muli %arg1, %mul3A_805 : i32
        %mul3A_807 = arith.constant 4 : i32
        %mul3A_808 = arith.muli %add3A_800, %mul3A_807 : i32
        %add3A_809 = arith.addi %mul3A_806, %mul3A_808 : i32
        %dma_start3A_810 = arith.constant 0 : i32
        %dma_start3A_811 = arith.constant 0 : i32
        %dma_start3A_812 = tpu.memref_slice %arg12[%rem3A_804, %dma_start3A_810, %dma_start3A_811] : memref<2x4x256xi32, #tpu.memory_space<vmem>> -> memref<1x4x256xi32, #tpu.memory_space<vmem>>
        %dma_start3A_813 = tpu.memref_squeeze %dma_start3A_812 : memref<1x4x256xi32, #tpu.memory_space<vmem>> -> memref<4x256xi32, #tpu.memory_space<vmem>>
        %dma_start3A_814 = arith.constant 0 : i32
        %dma_start3A_815 = tpu.memref_slice %arg7[%add3A_809, %dma_start3A_814] : memref<448x256xi32, #tpu.memory_space<hbm>> -> memref<4x256xi32, #tpu.memory_space<hbm>>
        %dma_start3A_816 = tpu.memref_slice %arg17[%rem3A_804] : memref<2x!tpu.dma_semaphore, #tpu.memory_space<semaphore_mem>> -> memref<1x!tpu.dma_semaphore, #tpu.memory_space<semaphore_mem>>
        %dma_start3A_817 = tpu.memref_squeeze %dma_start3A_816 : memref<1x!tpu.dma_semaphore, #tpu.memory_space<semaphore_mem>> -> memref<!tpu.dma_semaphore, #tpu.memory_space<semaphore_mem>>
        %dma_start3A_818 = arith.constant 0 : i32
        %dma_start3A_819 = arith.constant 0 : i32
        %dma_start3A_820 = tpu.memref_slice %arg12[%rem3A_804, %dma_start3A_818, %dma_start3A_819] : memref<2x4x256xi32, #tpu.memory_space<vmem>> -> memref<1x4x256xi32, #tpu.memory_space<vmem>>
        %dma_start3A_821 = tpu.memref_squeeze %dma_start3A_820 : memref<1x4x256xi32, #tpu.memory_space<vmem>> -> memref<4x256xi32, #tpu.memory_space<vmem>>
        %dma_start3A_822 = arith.constant 0 : i32
        %dma_start3A_823 = tpu.memref_slice %arg7[%add3A_809, %dma_start3A_822] : memref<448x256xi32, #tpu.memory_space<hbm>> -> memref<4x256xi32, #tpu.memory_space<hbm>>
        tpu.enqueue_dma source(%dma_start3A_823 : memref<4x256xi32, #tpu.memory_space<hbm>>) target(%dma_start3A_821 : memref<4x256xi32, #tpu.memory_space<vmem>>) target_semaphore(%dma_start3A_817 : memref<!tpu.dma_semaphore, #tpu.memory_space<semaphore_mem>>)
        %mul3A_824 = arith.constant 28 : i32
        %mul3A_825 = arith.muli %arg1, %mul3A_824 : i32
        %mul3A_826 = arith.constant 4 : i32
        %mul3A_827 = arith.muli %add3A_800, %mul3A_826 : i32
        %add3A_828 = arith.addi %mul3A_825, %mul3A_827 : i32
        %dma_start3A_829 = arith.constant 0 : i32
        %dma_start3A_830 = arith.constant 0 : i32
        %dma_start3A_831 = tpu.memref_slice %arg11[%rem3A_804, %dma_start3A_829, %dma_start3A_830] : memref<2x4x256xi32, #tpu.memory_space<vmem>> -> memref<1x4x256xi32, #tpu.memory_space<vmem>>
        %dma_start3A_832 = tpu.memref_squeeze %dma_start3A_831 : memref<1x4x256xi32, #tpu.memory_space<vmem>> -> memref<4x256xi32, #tpu.memory_space<vmem>>
        %dma_start3A_833 = arith.constant 0 : i32
        %dma_start3A_834 = tpu.memref_slice %arg6[%add3A_828, %dma_start3A_833] : memref<448x256xi32, #tpu.memory_space<hbm>> -> memref<4x256xi32, #tpu.memory_space<hbm>>
        %dma_start3A_835 = tpu.memref_slice %arg16[%rem3A_804] : memref<2x!tpu.dma_semaphore, #tpu.memory_space<semaphore_mem>> -> memref<1x!tpu.dma_semaphore, #tpu.memory_space<semaphore_mem>>
        %dma_start3A_836 = tpu.memref_squeeze %dma_start3A_835 : memref<1x!tpu.dma_semaphore, #tpu.memory_space<semaphore_mem>> -> memref<!tpu.dma_semaphore, #tpu.memory_space<semaphore_mem>>
        %dma_start3A_837 = arith.constant 0 : i32
        %dma_start3A_838 = arith.constant 0 : i32
        %dma_start3A_839 = tpu.memref_slice %arg11[%rem3A_804, %dma_start3A_837, %dma_start3A_838] : memref<2x4x256xi32, #tpu.memory_space<vmem>> -> memref<1x4x256xi32, #tpu.memory_space<vmem>>
        %dma_start3A_840 = tpu.memref_squeeze %dma_start3A_839 : memref<1x4x256xi32, #tpu.memory_space<vmem>> -> memref<4x256xi32, #tpu.memory_space<vmem>>
        %dma_start3A_841 = arith.constant 0 : i32
        %dma_start3A_842 = tpu.memref_slice %arg6[%add3A_828, %dma_start3A_841] : memref<448x256xi32, #tpu.memory_space<hbm>> -> memref<4x256xi32, #tpu.memory_space<hbm>>
        tpu.enqueue_dma source(%dma_start3A_842 : memref<4x256xi32, #tpu.memory_space<hbm>>) target(%dma_start3A_840 : memref<4x256xi32, #tpu.memory_space<vmem>>) target_semaphore(%dma_start3A_836 : memref<!tpu.dma_semaphore, #tpu.memory_space<semaphore_mem>>)
      } else {
      }
      %ge3A_794 = arith.constant 1 : i32
      %ge3A_795 = arith.cmpi sge, %scan3A_710, %ge3A_794 : i32
      %convert_element_type3A_796 = arith.extui %ge3A_795 : i1 to i32
      %cond3A_797 = arith.constant 0 : i32
      %cond3A_798 = arith.cmpi ne, %convert_element_type3A_796, %cond3A_797 : i32
      scf.if %cond3A_798 {
        %sub3A_799 = arith.constant 1 : i32
        %sub3A_800 = arith.subi %scan3A_710, %sub3A_799 : i32
        %jit3A_801 = arith.constant 4 : i32
        %div3A_802 = arith.divsi %sub3A_800, %jit3A_801 : i32
        %sign3A_803 = arith.constant 0 : i32
        %sign3A_804 = arith.cmpi sgt, %sub3A_800, %sign3A_803 : i32
        %sign3A_805 = arith.extui %sign3A_804 : i1 to i32
        %sign3A_806 = arith.constant 0 : i32
        %sign3A_807 = arith.cmpi slt, %sub3A_800, %sign3A_806 : i32
        %sign3A_808 = arith.extui %sign3A_807 : i1 to i32
        %sign3A_809 = arith.subi %sign3A_805, %sign3A_808 : i32
        %sign3A_810 = arith.constant 0 : i32
        %sign3A_811 = arith.cmpi sgt, %jit3A_801, %sign3A_810 : i32
        %sign3A_812 = arith.extui %sign3A_811 : i1 to i32
        %sign3A_813 = arith.constant 0 : i32
        %sign3A_814 = arith.cmpi slt, %jit3A_801, %sign3A_813 : i32
        %sign3A_815 = arith.extui %sign3A_814 : i1 to i32
        %sign3A_816 = arith.subi %sign3A_812, %sign3A_815 : i32
        %ne3A_817 = arith.cmpi ne, %sign3A_809, %sign3A_816 : i32
        %rem3A_818 = arith.remsi %sub3A_800, %jit3A_801 : i32
        %ne3A_819 = arith.constant 0 : i32
        %ne3A_820 = arith.cmpi ne, %rem3A_818, %ne3A_819 : i32
        %and3A_821 = arith.andi %ne3A_817, %ne3A_820 : i1
        %sub3A_822 = arith.constant 1 : i32
        %sub3A_823 = arith.subi %div3A_802, %sub3A_822 : i32
        %select_n3A_824 = arith.select %and3A_821, %sub3A_823, %div3A_802 : i32
        %rem3A_825 = arith.constant 2 : i32
        %rem3A_826 = arith.remsi %select_n3A_824, %rem3A_825 : i32
        %rem3A_827 = arith.constant 4 : i32
        %rem3A_828 = arith.remsi %sub3A_800, %rem3A_827 : i32
        %rem3A_829 = arith.constant 3 : i32
        %rem3A_830 = arith.remsi %sub3A_800, %rem3A_829 : i32
        %dma_wait3A_831 = arith.constant 0 : i32
        %dma_wait3A_832 = arith.constant 0 : i32
        %dma_wait3A_833 = tpu.memref_slice %arg13[%rem3A_830, %dma_wait3A_831, %dma_wait3A_832] : memref<3x256x32xf32, #tpu.memory_space<vmem>> -> memref<1x256x32xf32, #tpu.memory_space<vmem>>
        %dma_wait3A_834 = tpu.memref_squeeze %dma_wait3A_833 : memref<1x256x32xf32, #tpu.memory_space<vmem>> -> memref<256x32xf32, #tpu.memory_space<vmem>>
        %dma_wait3A_835 = arith.constant 0 : i32
        %dma_wait3A_836 = tpu.memref_slice %arg11[%rem3A_826, %rem3A_828, %dma_wait3A_835] : memref<2x4x256xi32, #tpu.memory_space<vmem>> -> memref<1x1x256xi32, #tpu.memory_space<vmem>>
        %dma_wait3A_837 = tpu.memref_squeeze %dma_wait3A_836 : memref<1x1x256xi32, #tpu.memory_space<vmem>> -> memref<256xi32, #tpu.memory_space<vmem>>
        %dma_wait3A_838 = arith.constant 0 : i32
        %dma_wait3A_839 = arith.constant 0 : i32
        %dma_wait3A_840 = tpu.memref_slice %arg14[%dma_wait3A_838, %dma_wait3A_839] : memref<25000x32xf32, #tpu.memory_space<vmem_shared>> -> memref<25000x32xf32, #tpu.memory_space<vmem_shared>>
        %dma_wait3A_841 = tpu.memref_slice %arg18[%rem3A_830] : memref<3x!tpu.dma_semaphore, #tpu.memory_space<semaphore_mem>> -> memref<1x!tpu.dma_semaphore, #tpu.memory_space<semaphore_mem>>
        %dma_wait3A_842 = tpu.memref_squeeze %dma_wait3A_841 : memref<1x!tpu.dma_semaphore, #tpu.memory_space<semaphore_mem>> -> memref<!tpu.dma_semaphore, #tpu.memory_space<semaphore_mem>>
        tpu.wait_indirect_dma semaphore(%dma_wait3A_842 : memref<!tpu.dma_semaphore, #tpu.memory_space<semaphore_mem>>) src(%dma_wait3A_840 : memref<25000x32xf32, #tpu.memory_space<vmem_shared>>) dst(%dma_wait3A_834 : memref<256x32xf32, #tpu.memory_space<vmem>>)
        %sub3A_843 = arith.constant 1 : i32
        %sub3A_844 = arith.subi %scan3A_710, %sub3A_843 : i32
        %jit3A_845 = arith.constant 4 : i32
        %div3A_846 = arith.divsi %sub3A_844, %jit3A_845 : i32
        %sign3A_847 = arith.constant 0 : i32
        %sign3A_848 = arith.cmpi sgt, %sub3A_844, %sign3A_847 : i32
        %sign3A_849 = arith.extui %sign3A_848 : i1 to i32
        %sign3A_850 = arith.constant 0 : i32
        %sign3A_851 = arith.cmpi slt, %sub3A_844, %sign3A_850 : i32
        %sign3A_852 = arith.extui %sign3A_851 : i1 to i32
        %sign3A_853 = arith.subi %sign3A_849, %sign3A_852 : i32
        %sign3A_854 = arith.constant 0 : i32
        %sign3A_855 = arith.cmpi sgt, %jit3A_845, %sign3A_854 : i32
        %sign3A_856 = arith.extui %sign3A_855 : i1 to i32
        %sign3A_857 = arith.constant 0 : i32
        %sign3A_858 = arith.cmpi slt, %jit3A_845, %sign3A_857 : i32
        %sign3A_859 = arith.extui %sign3A_858 : i1 to i32
        %sign3A_860 = arith.subi %sign3A_856, %sign3A_859 : i32
        %ne3A_861 = arith.cmpi ne, %sign3A_853, %sign3A_860 : i32
        %rem3A_862 = arith.remsi %sub3A_844, %jit3A_845 : i32
        %ne3A_863 = arith.constant 0 : i32
        %ne3A_864 = arith.cmpi ne, %rem3A_862, %ne3A_863 : i32
        %and3A_865 = arith.andi %ne3A_861, %ne3A_864 : i1
        %sub3A_866 = arith.constant 1 : i32
        %sub3A_867 = arith.subi %div3A_846, %sub3A_866 : i32
        %select_n3A_868 = arith.select %and3A_865, %sub3A_867, %div3A_846 : i32
        %rem3A_869 = arith.constant 2 : i32
        %rem3A_870 = arith.remsi %select_n3A_868, %rem3A_869 : i32
        %rem3A_871 = arith.constant 4 : i32
        %rem3A_872 = arith.remsi %sub3A_844, %rem3A_871 : i32
        %rem3A_873 = arith.constant 3 : i32
        %rem3A_874 = arith.remsi %sub3A_844, %rem3A_873 : i32
        %dma_start3A_875 = arith.constant 0 : i32
        %dma_start3A_876 = arith.constant 0 : i32
        %dma_start3A_877 = tpu.memref_slice %arg13[%rem3A_874, %dma_start3A_875, %dma_start3A_876] : memref<3x256x32xf32, #tpu.memory_space<vmem>> -> memref<1x256x32xf32, #tpu.memory_space<vmem>>
        %dma_start3A_878 = tpu.memref_squeeze %dma_start3A_877 : memref<1x256x32xf32, #tpu.memory_space<vmem>> -> memref<256x32xf32, #tpu.memory_space<vmem>>
        %dma_start3A_879 = arith.constant 0 : i32
        %dma_start3A_880 = tpu.memref_slice %arg12[%rem3A_870, %rem3A_872, %dma_start3A_879] : memref<2x4x256xi32, #tpu.memory_space<vmem>> -> memref<1x1x256xi32, #tpu.memory_space<vmem>>
        %dma_start3A_881 = tpu.memref_squeeze %dma_start3A_880 : memref<1x1x256xi32, #tpu.memory_space<vmem>> -> memref<256xi32, #tpu.memory_space<vmem>>
        %dma_start3A_882 = arith.constant 0 : i32
        %dma_start3A_883 = arith.constant 0 : i32
        %dma_start3A_884 = tpu.memref_slice %arg15[%dma_start3A_882, %dma_start3A_883] : memref<25088x32xf32, #tpu.memory_space<vmem_shared>> -> memref<25088x32xf32, #tpu.memory_space<vmem_shared>>
        %dma_start3A_885 = tpu.memref_slice %arg19[%rem3A_874] : memref<3x!tpu.dma_semaphore, #tpu.memory_space<semaphore_mem>> -> memref<1x!tpu.dma_semaphore, #tpu.memory_space<semaphore_mem>>
        %dma_start3A_886 = tpu.memref_squeeze %dma_start3A_885 : memref<1x!tpu.dma_semaphore, #tpu.memory_space<semaphore_mem>> -> memref<!tpu.dma_semaphore, #tpu.memory_space<semaphore_mem>>
        tpu.enqueue_indirect_dma source(%dma_start3A_878 : memref<256x32xf32, #tpu.memory_space<vmem>>) target(%dma_start3A_884 : memref<25088x32xf32, #tpu.memory_space<vmem_shared>>) offsets(%dma_start3A_881 : memref<256xi32, #tpu.memory_space<vmem>>) semaphore(%dma_start3A_886 : memref<!tpu.dma_semaphore, #tpu.memory_space<semaphore_mem>>) {add = true}
      } else {
      }
    }
    %scan3A_232 = arith.constant 28 : i32
    %rem3A_233 = arith.constant 6 : i32
    %rem3A_234 = arith.constant 2 : i32
    %rem3A_235 = arith.remsi %rem3A_233, %rem3A_234 : i32
    %rem3A_236 = arith.constant 27 : i32
    %rem3A_237 = arith.constant 4 : i32
    %rem3A_238 = arith.remsi %rem3A_236, %rem3A_237 : i32
    %rem3A_239 = arith.constant 27 : i32
    %rem3A_240 = arith.constant 3 : i32
    %rem3A_241 = arith.remsi %rem3A_239, %rem3A_240 : i32
    %dma_wait3A_242 = arith.constant 0 : i32
    %dma_wait3A_243 = arith.constant 0 : i32
    %dma_wait3A_244 = tpu.memref_slice %arg13[%rem3A_241, %dma_wait3A_242, %dma_wait3A_243] : memref<3x256x32xf32, #tpu.memory_space<vmem>> -> memref<1x256x32xf32, #tpu.memory_space<vmem>>
    %dma_wait3A_245 = tpu.memref_squeeze %dma_wait3A_244 : memref<1x256x32xf32, #tpu.memory_space<vmem>> -> memref<256x32xf32, #tpu.memory_space<vmem>>
    %dma_wait3A_246 = arith.constant 0 : i32
    %dma_wait3A_247 = tpu.memref_slice %arg11[%rem3A_235, %rem3A_238, %dma_wait3A_246] : memref<2x4x256xi32, #tpu.memory_space<vmem>> -> memref<1x1x256xi32, #tpu.memory_space<vmem>>
    %dma_wait3A_248 = tpu.memref_squeeze %dma_wait3A_247 : memref<1x1x256xi32, #tpu.memory_space<vmem>> -> memref<256xi32, #tpu.memory_space<vmem>>
    %dma_wait3A_249 = arith.constant 0 : i32
    %dma_wait3A_250 = arith.constant 0 : i32
    %dma_wait3A_251 = tpu.memref_slice %arg14[%dma_wait3A_249, %dma_wait3A_250] : memref<25000x32xf32, #tpu.memory_space<vmem_shared>> -> memref<25000x32xf32, #tpu.memory_space<vmem_shared>>
    %dma_wait3A_252 = tpu.memref_slice %arg18[%rem3A_241] : memref<3x!tpu.dma_semaphore, #tpu.memory_space<semaphore_mem>> -> memref<1x!tpu.dma_semaphore, #tpu.memory_space<semaphore_mem>>
    %dma_wait3A_253 = tpu.memref_squeeze %dma_wait3A_252 : memref<1x!tpu.dma_semaphore, #tpu.memory_space<semaphore_mem>> -> memref<!tpu.dma_semaphore, #tpu.memory_space<semaphore_mem>>
    tpu.wait_indirect_dma semaphore(%dma_wait3A_253 : memref<!tpu.dma_semaphore, #tpu.memory_space<semaphore_mem>>) src(%dma_wait3A_251 : memref<25000x32xf32, #tpu.memory_space<vmem_shared>>) dst(%dma_wait3A_245 : memref<256x32xf32, #tpu.memory_space<vmem>>)
    %rem3A_254 = arith.constant 6 : i32
    %rem3A_255 = arith.constant 2 : i32
    %rem3A_256 = arith.remsi %rem3A_254, %rem3A_255 : i32
    %rem3A_257 = arith.constant 27 : i32
    %rem3A_258 = arith.constant 4 : i32
    %rem3A_259 = arith.remsi %rem3A_257, %rem3A_258 : i32
    %rem3A_260 = arith.constant 27 : i32
    %rem3A_261 = arith.constant 3 : i32
    %rem3A_262 = arith.remsi %rem3A_260, %rem3A_261 : i32
    %dma_start3A_263 = arith.constant 0 : i32
    %dma_start3A_264 = arith.constant 0 : i32
    %dma_start3A_265 = tpu.memref_slice %arg13[%rem3A_262, %dma_start3A_263, %dma_start3A_264] : memref<3x256x32xf32, #tpu.memory_space<vmem>> -> memref<1x256x32xf32, #tpu.memory_space<vmem>>
    %dma_start3A_266 = tpu.memref_squeeze %dma_start3A_265 : memref<1x256x32xf32, #tpu.memory_space<vmem>> -> memref<256x32xf32, #tpu.memory_space<vmem>>
    %dma_start3A_267 = arith.constant 0 : i32
    %dma_start3A_268 = tpu.memref_slice %arg12[%rem3A_256, %rem3A_259, %dma_start3A_267] : memref<2x4x256xi32, #tpu.memory_space<vmem>> -> memref<1x1x256xi32, #tpu.memory_space<vmem>>
    %dma_start3A_269 = tpu.memref_squeeze %dma_start3A_268 : memref<1x1x256xi32, #tpu.memory_space<vmem>> -> memref<256xi32, #tpu.memory_space<vmem>>
    %dma_start3A_270 = arith.constant 0 : i32
    %dma_start3A_271 = arith.constant 0 : i32
    %dma_start3A_272 = tpu.memref_slice %arg15[%dma_start3A_270, %dma_start3A_271] : memref<25088x32xf32, #tpu.memory_space<vmem_shared>> -> memref<25088x32xf32, #tpu.memory_space<vmem_shared>>
    %dma_start3A_273 = tpu.memref_slice %arg19[%rem3A_262] : memref<3x!tpu.dma_semaphore, #tpu.memory_space<semaphore_mem>> -> memref<1x!tpu.dma_semaphore, #tpu.memory_space<semaphore_mem>>
    %dma_start3A_274 = tpu.memref_squeeze %dma_start3A_273 : memref<1x!tpu.dma_semaphore, #tpu.memory_space<semaphore_mem>> -> memref<!tpu.dma_semaphore, #tpu.memory_space<semaphore_mem>>
    tpu.enqueue_indirect_dma source(%dma_start3A_266 : memref<256x32xf32, #tpu.memory_space<vmem>>) target(%dma_start3A_272 : memref<25088x32xf32, #tpu.memory_space<vmem_shared>>) offsets(%dma_start3A_269 : memref<256xi32, #tpu.memory_space<vmem>>) semaphore(%dma_start3A_274 : memref<!tpu.dma_semaphore, #tpu.memory_space<semaphore_mem>>) {add = true}
    %rem3A_275 = arith.constant 6 : i32
    %rem3A_276 = arith.constant 2 : i32
    %rem3A_277 = arith.remsi %rem3A_275, %rem3A_276 : i32
    %rem3A_278 = arith.constant 25 : i32
    %rem3A_279 = arith.constant 4 : i32
    %rem3A_280 = arith.remsi %rem3A_278, %rem3A_279 : i32
    %rem3A_281 = arith.constant 25 : i32
    %rem3A_282 = arith.constant 3 : i32
    %rem3A_283 = arith.remsi %rem3A_281, %rem3A_282 : i32
    %dma_wait3A_284 = arith.constant 0 : i32
    %dma_wait3A_285 = arith.constant 0 : i32
    %dma_wait3A_286 = tpu.memref_slice %arg13[%rem3A_283, %dma_wait3A_284, %dma_wait3A_285] : memref<3x256x32xf32, #tpu.memory_space<vmem>> -> memref<1x256x32xf32, #tpu.memory_space<vmem>>
    %dma_wait3A_287 = tpu.memref_squeeze %dma_wait3A_286 : memref<1x256x32xf32, #tpu.memory_space<vmem>> -> memref<256x32xf32, #tpu.memory_space<vmem>>
    %dma_wait3A_288 = arith.constant 0 : i32
    %dma_wait3A_289 = tpu.memref_slice %arg12[%rem3A_277, %rem3A_280, %dma_wait3A_288] : memref<2x4x256xi32, #tpu.memory_space<vmem>> -> memref<1x1x256xi32, #tpu.memory_space<vmem>>
    %dma_wait3A_290 = tpu.memref_squeeze %dma_wait3A_289 : memref<1x1x256xi32, #tpu.memory_space<vmem>> -> memref<256xi32, #tpu.memory_space<vmem>>
    %dma_wait3A_291 = arith.constant 0 : i32
    %dma_wait3A_292 = arith.constant 0 : i32
    %dma_wait3A_293 = tpu.memref_slice %arg15[%dma_wait3A_291, %dma_wait3A_292] : memref<25088x32xf32, #tpu.memory_space<vmem_shared>> -> memref<25088x32xf32, #tpu.memory_space<vmem_shared>>
    %dma_wait3A_294 = tpu.memref_slice %arg19[%rem3A_283] : memref<3x!tpu.dma_semaphore, #tpu.memory_space<semaphore_mem>> -> memref<1x!tpu.dma_semaphore, #tpu.memory_space<semaphore_mem>>
    %dma_wait3A_295 = tpu.memref_squeeze %dma_wait3A_294 : memref<1x!tpu.dma_semaphore, #tpu.memory_space<semaphore_mem>> -> memref<!tpu.dma_semaphore, #tpu.memory_space<semaphore_mem>>
    tpu.wait_indirect_dma semaphore(%dma_wait3A_295 : memref<!tpu.dma_semaphore, #tpu.memory_space<semaphore_mem>>) src(%dma_wait3A_287 : memref<256x32xf32, #tpu.memory_space<vmem>>) dst(%dma_wait3A_293 : memref<25088x32xf32, #tpu.memory_space<vmem_shared>>)
    %rem3A_296 = arith.constant 6 : i32
    %rem3A_297 = arith.constant 2 : i32
    %rem3A_298 = arith.remsi %rem3A_296, %rem3A_297 : i32
    %rem3A_299 = arith.constant 26 : i32
    %rem3A_300 = arith.constant 4 : i32
    %rem3A_301 = arith.remsi %rem3A_299, %rem3A_300 : i32
    %rem3A_302 = arith.constant 26 : i32
    %rem3A_303 = arith.constant 3 : i32
    %rem3A_304 = arith.remsi %rem3A_302, %rem3A_303 : i32
    %dma_wait3A_305 = arith.constant 0 : i32
    %dma_wait3A_306 = arith.constant 0 : i32
    %dma_wait3A_307 = tpu.memref_slice %arg13[%rem3A_304, %dma_wait3A_305, %dma_wait3A_306] : memref<3x256x32xf32, #tpu.memory_space<vmem>> -> memref<1x256x32xf32, #tpu.memory_space<vmem>>
    %dma_wait3A_308 = tpu.memref_squeeze %dma_wait3A_307 : memref<1x256x32xf32, #tpu.memory_space<vmem>> -> memref<256x32xf32, #tpu.memory_space<vmem>>
    %dma_wait3A_309 = arith.constant 0 : i32
    %dma_wait3A_310 = tpu.memref_slice %arg12[%rem3A_298, %rem3A_301, %dma_wait3A_309] : memref<2x4x256xi32, #tpu.memory_space<vmem>> -> memref<1x1x256xi32, #tpu.memory_space<vmem>>
    %dma_wait3A_311 = tpu.memref_squeeze %dma_wait3A_310 : memref<1x1x256xi32, #tpu.memory_space<vmem>> -> memref<256xi32, #tpu.memory_space<vmem>>
    %dma_wait3A_312 = arith.constant 0 : i32
    %dma_wait3A_313 = arith.constant 0 : i32
    %dma_wait3A_314 = tpu.memref_slice %arg15[%dma_wait3A_312, %dma_wait3A_313] : memref<25088x32xf32, #tpu.memory_space<vmem_shared>> -> memref<25088x32xf32, #tpu.memory_space<vmem_shared>>
    %dma_wait3A_315 = tpu.memref_slice %arg19[%rem3A_304] : memref<3x!tpu.dma_semaphore, #tpu.memory_space<semaphore_mem>> -> memref<1x!tpu.dma_semaphore, #tpu.memory_space<semaphore_mem>>
    %dma_wait3A_316 = tpu.memref_squeeze %dma_wait3A_315 : memref<1x!tpu.dma_semaphore, #tpu.memory_space<semaphore_mem>> -> memref<!tpu.dma_semaphore, #tpu.memory_space<semaphore_mem>>
    tpu.wait_indirect_dma semaphore(%dma_wait3A_316 : memref<!tpu.dma_semaphore, #tpu.memory_space<semaphore_mem>>) src(%dma_wait3A_308 : memref<256x32xf32, #tpu.memory_space<vmem>>) dst(%dma_wait3A_314 : memref<25088x32xf32, #tpu.memory_space<vmem_shared>>)
    %rem3A_317 = arith.constant 6 : i32
    %rem3A_318 = arith.constant 2 : i32
    %rem3A_319 = arith.remsi %rem3A_317, %rem3A_318 : i32
    %rem3A_320 = arith.constant 27 : i32
    %rem3A_321 = arith.constant 4 : i32
    %rem3A_322 = arith.remsi %rem3A_320, %rem3A_321 : i32
    %rem3A_323 = arith.constant 27 : i32
    %rem3A_324 = arith.constant 3 : i32
    %rem3A_325 = arith.remsi %rem3A_323, %rem3A_324 : i32
    %dma_wait3A_326 = arith.constant 0 : i32
    %dma_wait3A_327 = arith.constant 0 : i32
    %dma_wait3A_328 = tpu.memref_slice %arg13[%rem3A_325, %dma_wait3A_326, %dma_wait3A_327] : memref<3x256x32xf32, #tpu.memory_space<vmem>> -> memref<1x256x32xf32, #tpu.memory_space<vmem>>
    %dma_wait3A_329 = tpu.memref_squeeze %dma_wait3A_328 : memref<1x256x32xf32, #tpu.memory_space<vmem>> -> memref<256x32xf32, #tpu.memory_space<vmem>>
    %dma_wait3A_330 = arith.constant 0 : i32
    %dma_wait3A_331 = tpu.memref_slice %arg12[%rem3A_319, %rem3A_322, %dma_wait3A_330] : memref<2x4x256xi32, #tpu.memory_space<vmem>> -> memref<1x1x256xi32, #tpu.memory_space<vmem>>
    %dma_wait3A_332 = tpu.memref_squeeze %dma_wait3A_331 : memref<1x1x256xi32, #tpu.memory_space<vmem>> -> memref<256xi32, #tpu.memory_space<vmem>>
    %dma_wait3A_333 = arith.constant 0 : i32
    %dma_wait3A_334 = arith.constant 0 : i32
    %dma_wait3A_335 = tpu.memref_slice %arg15[%dma_wait3A_333, %dma_wait3A_334] : memref<25088x32xf32, #tpu.memory_space<vmem_shared>> -> memref<25088x32xf32, #tpu.memory_space<vmem_shared>>
    %dma_wait3A_336 = tpu.memref_slice %arg19[%rem3A_325] : memref<3x!tpu.dma_semaphore, #tpu.memory_space<semaphore_mem>> -> memref<1x!tpu.dma_semaphore, #tpu.memory_space<semaphore_mem>>
    %dma_wait3A_337 = tpu.memref_squeeze %dma_wait3A_336 : memref<1x!tpu.dma_semaphore, #tpu.memory_space<semaphore_mem>> -> memref<!tpu.dma_semaphore, #tpu.memory_space<semaphore_mem>>
    tpu.wait_indirect_dma semaphore(%dma_wait3A_337 : memref<!tpu.dma_semaphore, #tpu.memory_space<semaphore_mem>>) src(%dma_wait3A_329 : memref<256x32xf32, #tpu.memory_space<vmem>>) dst(%dma_wait3A_335 : memref<25088x32xf32, #tpu.memory_space<vmem_shared>>)
    %barrier3A_338 = arith.constant 0 : index
    tpu.barrier barrier_id(%barrier3A_338)
    %mul3A_339 = arith.constant 1560 : i32
    %mul3A_340 = arith.muli %arg1, %mul3A_339 : i32
    %mul3A_341 = arith.constant 25000 : i32
    %mul3A_342 = arith.muli %add3A_1, %mul3A_341 : i32
    %add3A_343 = arith.addi %mul3A_342, %mul3A_340 : i32
    "tpu.region"() ({
      %run_scoped3A = tpu.sem_alloc : memref<!tpu.dma_semaphore, #tpu.memory_space<semaphore_mem>>
      %dma_start3A_710 = arith.constant 0 : i32
      %dma_start3A_711 = tpu.memref_slice %arg10[%add3A_343, %dma_start3A_710] : memref<100000x32xf32, #tpu.memory_space<hbm>> -> memref<1560x32xf32, #tpu.memory_space<hbm>>
      %dma_start3A_712 = arith.constant 0 : i32
      %dma_start3A_713 = tpu.memref_slice %arg15[%mul3A_340, %dma_start3A_712] : memref<25088x32xf32, #tpu.memory_space<vmem_shared>> -> memref<1560x32xf32, #tpu.memory_space<vmem_shared>>
      tpu.enqueue_dma source(%dma_start3A_713 : memref<1560x32xf32, #tpu.memory_space<vmem_shared>>) target(%dma_start3A_711 : memref<1560x32xf32, #tpu.memory_space<hbm>>) target_semaphore(%run_scoped3A : memref<!tpu.dma_semaphore, #tpu.memory_space<semaphore_mem>>)
      %dma_wait3A_714 = arith.constant 0 : i32
      %dma_wait3A_715 = tpu.memref_slice %arg10[%add3A_343, %dma_wait3A_714] : memref<100000x32xf32, #tpu.memory_space<hbm>> -> memref<1560x32xf32, #tpu.memory_space<hbm>>
      %dma_wait3A_716 = arith.constant 0 : i32
      %dma_wait3A_717 = tpu.memref_slice %arg15[%mul3A_340, %dma_wait3A_716] : memref<25088x32xf32, #tpu.memory_space<vmem_shared>> -> memref<1560x32xf32, #tpu.memory_space<vmem_shared>>
      tpu.wait_dma2 semaphore(%run_scoped3A : memref<!tpu.dma_semaphore, #tpu.memory_space<semaphore_mem>>) src(%dma_wait3A_717 : memref<1560x32xf32, #tpu.memory_space<vmem_shared>>) dst(%dma_wait3A_715 : memref<1560x32xf32, #tpu.memory_space<hbm>>)
      tpu.yield
    }) : () -> ()
    %eq3A_344 = arith.constant 15 : i32
    %eq3A_345 = arith.cmpi eq, %arg1, %eq3A_344 : i32
    %convert_element_type3A_346 = arith.extui %eq3A_345 : i1 to i32
    %cond3A_347 = arith.constant 0 : i32
    %cond3A_348 = arith.cmpi ne, %convert_element_type3A_346, %cond3A_347 : i32
    scf.if %cond3A_348 {
      %mul3A_710 = arith.constant 25000 : i32
      %mul3A_711 = arith.muli %add3A_1, %mul3A_710 : i32
      %add3A_712 = arith.constant 24960 : i32
      %add3A_713 = arith.addi %mul3A_711, %add3A_712 : i32
      "tpu.region"() ({
        %run_scoped3A = tpu.sem_alloc : memref<!tpu.dma_semaphore, #tpu.memory_space<semaphore_mem>>
        %dma_start3A_714 = arith.constant 0 : i32
        %dma_start3A_715 = tpu.memref_slice %arg10[%add3A_713, %dma_start3A_714] : memref<100000x32xf32, #tpu.memory_space<hbm>> -> memref<40x32xf32, #tpu.memory_space<hbm>>
        %dma_start3A_716 = arith.constant 24960 : i32
        %dma_start3A_717 = arith.constant 0 : i32
        %dma_start3A_718 = tpu.memref_slice %arg15[%dma_start3A_716, %dma_start3A_717] : memref<25088x32xf32, #tpu.memory_space<vmem_shared>> -> memref<40x32xf32, #tpu.memory_space<vmem_shared>>
        tpu.enqueue_dma source(%dma_start3A_718 : memref<40x32xf32, #tpu.memory_space<vmem_shared>>) target(%dma_start3A_715 : memref<40x32xf32, #tpu.memory_space<hbm>>) target_semaphore(%run_scoped3A : memref<!tpu.dma_semaphore, #tpu.memory_space<semaphore_mem>>)
        %dma_wait3A_719 = arith.constant 0 : i32
        %dma_wait3A_720 = tpu.memref_slice %arg10[%add3A_713, %dma_wait3A_719] : memref<100000x32xf32, #tpu.memory_space<hbm>> -> memref<40x32xf32, #tpu.memory_space<hbm>>
        %dma_wait3A_721 = arith.constant 24960 : i32
        %dma_wait3A_722 = arith.constant 0 : i32
        %dma_wait3A_723 = tpu.memref_slice %arg15[%dma_wait3A_721, %dma_wait3A_722] : memref<25088x32xf32, #tpu.memory_space<vmem_shared>> -> memref<40x32xf32, #tpu.memory_space<vmem_shared>>
        tpu.wait_dma2 semaphore(%run_scoped3A : memref<!tpu.dma_semaphore, #tpu.memory_space<semaphore_mem>>) src(%dma_wait3A_723 : memref<40x32xf32, #tpu.memory_space<vmem_shared>>) dst(%dma_wait3A_720 : memref<40x32xf32, #tpu.memory_space<hbm>>)
        tpu.yield
      }) : () -> ()
    } else {
    }
    %barrier3A_349 = arith.constant 0 : index
    tpu.barrier barrier_id(%barrier3A_349)
    %mul3A_350 = arith.constant 2 : i32
    %mul3A_351 = arith.muli %mul3A_350, %arg0 : i32
    %add3A_352 = arith.constant 1 : i32
    %add3A_353 = arith.addi %mul3A_351, %add3A_352 : i32
    %mul3A_354 = arith.constant 1560 : i32
    %mul3A_355 = arith.muli %arg1, %mul3A_354 : i32
    %mul3A_356 = arith.constant 25000 : i32
    %mul3A_357 = arith.muli %add3A_353, %mul3A_356 : i32
    %add3A_358 = arith.addi %mul3A_357, %mul3A_355 : i32
    "tpu.region"() ({
      %run_scoped3A = tpu.sem_alloc : memref<!tpu.dma_semaphore, #tpu.memory_space<semaphore_mem>>
      %dma_start3A_710 = arith.constant 0 : i32
      %dma_start3A_711 = tpu.memref_slice %arg14[%mul3A_355, %dma_start3A_710] : memref<25000x32xf32, #tpu.memory_space<vmem_shared>> -> memref<1560x32xf32, #tpu.memory_space<vmem_shared>>
      %dma_start3A_712 = arith.constant 0 : i32
      %dma_start3A_713 = tpu.memref_slice %arg2[%add3A_358, %dma_start3A_712] : memref<100000x32xf32, #tpu.memory_space<hbm>> -> memref<1560x32xf32, #tpu.memory_space<hbm>>
      tpu.enqueue_dma source(%dma_start3A_713 : memref<1560x32xf32, #tpu.memory_space<hbm>>) target(%dma_start3A_711 : memref<1560x32xf32, #tpu.memory_space<vmem_shared>>) target_semaphore(%run_scoped3A : memref<!tpu.dma_semaphore, #tpu.memory_space<semaphore_mem>>)
      %dma_wait3A_714 = arith.constant 0 : i32
      %dma_wait3A_715 = tpu.memref_slice %arg14[%mul3A_355, %dma_wait3A_714] : memref<25000x32xf32, #tpu.memory_space<vmem_shared>> -> memref<1560x32xf32, #tpu.memory_space<vmem_shared>>
      %dma_wait3A_716 = arith.constant 0 : i32
      %dma_wait3A_717 = tpu.memref_slice %arg2[%add3A_358, %dma_wait3A_716] : memref<100000x32xf32, #tpu.memory_space<hbm>> -> memref<1560x32xf32, #tpu.memory_space<hbm>>
      tpu.wait_dma2 semaphore(%run_scoped3A : memref<!tpu.dma_semaphore, #tpu.memory_space<semaphore_mem>>) src(%dma_wait3A_717 : memref<1560x32xf32, #tpu.memory_space<hbm>>) dst(%dma_wait3A_715 : memref<1560x32xf32, #tpu.memory_space<vmem_shared>>)
      tpu.yield
    }) : () -> ()
    %eq3A_359 = arith.constant 15 : i32
    %eq3A_360 = arith.cmpi eq, %arg1, %eq3A_359 : i32
    %convert_element_type3A_361 = arith.extui %eq3A_360 : i1 to i32
    %cond3A_362 = arith.constant 0 : i32
    %cond3A_363 = arith.cmpi ne, %convert_element_type3A_361, %cond3A_362 : i32
    scf.if %cond3A_363 {
      %mul3A_710 = arith.constant 25000 : i32
      %mul3A_711 = arith.muli %add3A_353, %mul3A_710 : i32
      %add3A_712 = arith.constant 24960 : i32
      %add3A_713 = arith.addi %mul3A_711, %add3A_712 : i32
      "tpu.region"() ({
        %run_scoped3A = tpu.sem_alloc : memref<!tpu.dma_semaphore, #tpu.memory_space<semaphore_mem>>
        %dma_start3A_714 = arith.constant 24960 : i32
        %dma_start3A_715 = arith.constant 0 : i32
        %dma_start3A_716 = tpu.memref_slice %arg14[%dma_start3A_714, %dma_start3A_715] : memref<25000x32xf32, #tpu.memory_space<vmem_shared>> -> memref<40x32xf32, #tpu.memory_space<vmem_shared>>
        %dma_start3A_717 = arith.constant 0 : i32
        %dma_start3A_718 = tpu.memref_slice %arg2[%add3A_713, %dma_start3A_717] : memref<100000x32xf32, #tpu.memory_space<hbm>> -> memref<40x32xf32, #tpu.memory_space<hbm>>
        tpu.enqueue_dma source(%dma_start3A_718 : memref<40x32xf32, #tpu.memory_space<hbm>>) target(%dma_start3A_716 : memref<40x32xf32, #tpu.memory_space<vmem_shared>>) target_semaphore(%run_scoped3A : memref<!tpu.dma_semaphore, #tpu.memory_space<semaphore_mem>>)
        %dma_wait3A_719 = arith.constant 24960 : i32
        %dma_wait3A_720 = arith.constant 0 : i32
        %dma_wait3A_721 = tpu.memref_slice %arg14[%dma_wait3A_719, %dma_wait3A_720] : memref<25000x32xf32, #tpu.memory_space<vmem_shared>> -> memref<40x32xf32, #tpu.memory_space<vmem_shared>>
        %dma_wait3A_722 = arith.constant 0 : i32
        %dma_wait3A_723 = tpu.memref_slice %arg2[%add3A_713, %dma_wait3A_722] : memref<100000x32xf32, #tpu.memory_space<hbm>> -> memref<40x32xf32, #tpu.memory_space<hbm>>
        tpu.wait_dma2 semaphore(%run_scoped3A : memref<!tpu.dma_semaphore, #tpu.memory_space<semaphore_mem>>) src(%dma_wait3A_723 : memref<40x32xf32, #tpu.memory_space<hbm>>) dst(%dma_wait3A_721 : memref<40x32xf32, #tpu.memory_space<vmem_shared>>)
        tpu.yield
      }) : () -> ()
    } else {
    }
    %mul3A_364 = arith.constant 1568 : i32
    %mul3A_365 = arith.muli %arg1, %mul3A_364 : i32
    %mul3A_366 = arith.constant 1568 : i32
    %mul3A_367 = arith.muli %arg1, %mul3A_366 : i32
    "tpu.region"() ({
      %run_scoped3A = tpu.sem_alloc : memref<!tpu.dma_semaphore, #tpu.memory_space<semaphore_mem>>
      %dma_start3A_710 = arith.constant 0 : i32
      %dma_start3A_711 = tpu.memref_slice %arg15[%mul3A_367, %dma_start3A_710] : memref<25088x32xf32, #tpu.memory_space<vmem_shared>> -> memref<1568x32xf32, #tpu.memory_space<vmem_shared>>
      %dma_start3A_712 = arith.constant 0 : i32
      %dma_start3A_713 = tpu.memref_slice %arg8[%mul3A_365, %dma_start3A_712] : memref<25088x32xf32, #tpu.memory_space<hbm>> -> memref<1568x32xf32, #tpu.memory_space<hbm>>
      tpu.enqueue_dma source(%dma_start3A_713 : memref<1568x32xf32, #tpu.memory_space<hbm>>) target(%dma_start3A_711 : memref<1568x32xf32, #tpu.memory_space<vmem_shared>>) target_semaphore(%run_scoped3A : memref<!tpu.dma_semaphore, #tpu.memory_space<semaphore_mem>>)
      %dma_wait3A_714 = arith.constant 0 : i32
      %dma_wait3A_715 = tpu.memref_slice %arg15[%mul3A_367, %dma_wait3A_714] : memref<25088x32xf32, #tpu.memory_space<vmem_shared>> -> memref<1568x32xf32, #tpu.memory_space<vmem_shared>>
      %dma_wait3A_716 = arith.constant 0 : i32
      %dma_wait3A_717 = tpu.memref_slice %arg8[%mul3A_365, %dma_wait3A_716] : memref<25088x32xf32, #tpu.memory_space<hbm>> -> memref<1568x32xf32, #tpu.memory_space<hbm>>
      tpu.wait_dma2 semaphore(%run_scoped3A : memref<!tpu.dma_semaphore, #tpu.memory_space<semaphore_mem>>) src(%dma_wait3A_717 : memref<1568x32xf32, #tpu.memory_space<hbm>>) dst(%dma_wait3A_715 : memref<1568x32xf32, #tpu.memory_space<vmem_shared>>)
      tpu.yield
    }) : () -> ()
    %barrier3A_368 = arith.constant 0 : index
    tpu.barrier barrier_id(%barrier3A_368)
    %mul3A_369 = arith.constant 100 : i32
    %mul3A_370 = arith.muli %arg1, %mul3A_369 : i32
    %add3A_371 = arith.constant 0 : i32
    %add3A_372 = arith.addi %mul3A_370, %add3A_371 : i32
    %dma_start3A_373 = arith.constant 0 : i32
    %dma_start3A_374 = arith.constant 0 : i32
    %dma_start3A_375 = arith.constant 0 : i32
    %dma_start3A_376 = arith.constant 0 : i32
    %dma_start3A_377 = tpu.memref_slice %arg12[%dma_start3A_373, %dma_start3A_375, %dma_start3A_376] : memref<2x4x256xi32, #tpu.memory_space<vmem>> -> memref<1x4x256xi32, #tpu.memory_space<vmem>>
    %dma_start3A_378 = tpu.memref_squeeze %dma_start3A_377 : memref<1x4x256xi32, #tpu.memory_space<vmem>> -> memref<4x256xi32, #tpu.memory_space<vmem>>
    %dma_start3A_379 = arith.constant 0 : i32
    %dma_start3A_380 = tpu.memref_slice %arg5[%add3A_372, %dma_start3A_379] : memref<1600x256xi32, #tpu.memory_space<hbm>> -> memref<4x256xi32, #tpu.memory_space<hbm>>
    %dma_start3A_381 = tpu.memref_slice %arg17[%dma_start3A_374] : memref<2x!tpu.dma_semaphore, #tpu.memory_space<semaphore_mem>> -> memref<1x!tpu.dma_semaphore, #tpu.memory_space<semaphore_mem>>
    %dma_start3A_382 = tpu.memref_squeeze %dma_start3A_381 : memref<1x!tpu.dma_semaphore, #tpu.memory_space<semaphore_mem>> -> memref<!tpu.dma_semaphore, #tpu.memory_space<semaphore_mem>>
    %dma_start3A_383 = arith.constant 0 : i32
    %dma_start3A_384 = arith.constant 0 : i32
    %dma_start3A_385 = tpu.memref_slice %arg12[%dma_start3A_373, %dma_start3A_383, %dma_start3A_384] : memref<2x4x256xi32, #tpu.memory_space<vmem>> -> memref<1x4x256xi32, #tpu.memory_space<vmem>>
    %dma_start3A_386 = tpu.memref_squeeze %dma_start3A_385 : memref<1x4x256xi32, #tpu.memory_space<vmem>> -> memref<4x256xi32, #tpu.memory_space<vmem>>
    %dma_start3A_387 = arith.constant 0 : i32
    %dma_start3A_388 = tpu.memref_slice %arg5[%add3A_372, %dma_start3A_387] : memref<1600x256xi32, #tpu.memory_space<hbm>> -> memref<4x256xi32, #tpu.memory_space<hbm>>
    tpu.enqueue_dma source(%dma_start3A_388 : memref<4x256xi32, #tpu.memory_space<hbm>>) target(%dma_start3A_386 : memref<4x256xi32, #tpu.memory_space<vmem>>) target_semaphore(%dma_start3A_382 : memref<!tpu.dma_semaphore, #tpu.memory_space<semaphore_mem>>)
    %mul3A_389 = arith.constant 100 : i32
    %mul3A_390 = arith.muli %arg1, %mul3A_389 : i32
    %add3A_391 = arith.constant 0 : i32
    %add3A_392 = arith.addi %mul3A_390, %add3A_391 : i32
    %dma_start3A_393 = arith.constant 0 : i32
    %dma_start3A_394 = arith.constant 0 : i32
    %dma_start3A_395 = arith.constant 0 : i32
    %dma_start3A_396 = arith.constant 0 : i32
    %dma_start3A_397 = tpu.memref_slice %arg11[%dma_start3A_393, %dma_start3A_395, %dma_start3A_396] : memref<2x4x256xi32, #tpu.memory_space<vmem>> -> memref<1x4x256xi32, #tpu.memory_space<vmem>>
    %dma_start3A_398 = tpu.memref_squeeze %dma_start3A_397 : memref<1x4x256xi32, #tpu.memory_space<vmem>> -> memref<4x256xi32, #tpu.memory_space<vmem>>
    %dma_start3A_399 = arith.constant 0 : i32
    %dma_start3A_400 = tpu.memref_slice %arg4[%add3A_392, %dma_start3A_399] : memref<1600x256xi32, #tpu.memory_space<hbm>> -> memref<4x256xi32, #tpu.memory_space<hbm>>
    %dma_start3A_401 = tpu.memref_slice %arg16[%dma_start3A_394] : memref<2x!tpu.dma_semaphore, #tpu.memory_space<semaphore_mem>> -> memref<1x!tpu.dma_semaphore, #tpu.memory_space<semaphore_mem>>
    %dma_start3A_402 = tpu.memref_squeeze %dma_start3A_401 : memref<1x!tpu.dma_semaphore, #tpu.memory_space<semaphore_mem>> -> memref<!tpu.dma_semaphore, #tpu.memory_space<semaphore_mem>>
    %dma_start3A_403 = arith.constant 0 : i32
    %dma_start3A_404 = arith.constant 0 : i32
    %dma_start3A_405 = tpu.memref_slice %arg11[%dma_start3A_393, %dma_start3A_403, %dma_start3A_404] : memref<2x4x256xi32, #tpu.memory_space<vmem>> -> memref<1x4x256xi32, #tpu.memory_space<vmem>>
    %dma_start3A_406 = tpu.memref_squeeze %dma_start3A_405 : memref<1x4x256xi32, #tpu.memory_space<vmem>> -> memref<4x256xi32, #tpu.memory_space<vmem>>
    %dma_start3A_407 = arith.constant 0 : i32
    %dma_start3A_408 = tpu.memref_slice %arg4[%add3A_392, %dma_start3A_407] : memref<1600x256xi32, #tpu.memory_space<hbm>> -> memref<4x256xi32, #tpu.memory_space<hbm>>
    tpu.enqueue_dma source(%dma_start3A_408 : memref<4x256xi32, #tpu.memory_space<hbm>>) target(%dma_start3A_406 : memref<4x256xi32, #tpu.memory_space<vmem>>) target_semaphore(%dma_start3A_402 : memref<!tpu.dma_semaphore, #tpu.memory_space<semaphore_mem>>)
    %scan3A_409 = arith.constant 0 : i32
    %scan3A_410 = arith.constant 0 : i32
    %scan3A_411 = arith.constant 100 : i32
    %scan3A_412 = arith.addi %scan3A_410, %scan3A_411 : i32
    %scan3A_413 = arith.constant 1 : i32
    scf.for %scan3A_710 = %scan3A_410 to %scan3A_412 step %scan3A_413  : i32 {
      %jit3A = arith.constant 4 : i32
      %div3A = arith.divsi %scan3A_710, %jit3A : i32
      %sign3A = arith.constant 0 : i32
      %sign3A_711 = arith.cmpi sgt, %scan3A_710, %sign3A : i32
      %sign3A_712 = arith.extui %sign3A_711 : i1 to i32
      %sign3A_713 = arith.constant 0 : i32
      %sign3A_714 = arith.cmpi slt, %scan3A_710, %sign3A_713 : i32
      %sign3A_715 = arith.extui %sign3A_714 : i1 to i32
      %sign3A_716 = arith.subi %sign3A_712, %sign3A_715 : i32
      %sign3A_717 = arith.constant 0 : i32
      %sign3A_718 = arith.cmpi sgt, %jit3A, %sign3A_717 : i32
      %sign3A_719 = arith.extui %sign3A_718 : i1 to i32
      %sign3A_720 = arith.constant 0 : i32
      %sign3A_721 = arith.cmpi slt, %jit3A, %sign3A_720 : i32
      %sign3A_722 = arith.extui %sign3A_721 : i1 to i32
      %sign3A_723 = arith.subi %sign3A_719, %sign3A_722 : i32
      %ne3A = arith.cmpi ne, %sign3A_716, %sign3A_723 : i32
      %rem3A_724 = arith.remsi %scan3A_710, %jit3A : i32
      %ne3A_725 = arith.constant 0 : i32
      %ne3A_726 = arith.cmpi ne, %rem3A_724, %ne3A_725 : i32
      %and3A = arith.andi %ne3A, %ne3A_726 : i1
      %sub3A = arith.constant 1 : i32
      %sub3A_727 = arith.subi %div3A, %sub3A : i32
      %select_n3A = arith.select %and3A, %sub3A_727, %div3A : i32
      %rem3A_728 = arith.constant 4 : i32
      %rem3A_729 = arith.remsi %scan3A_710, %rem3A_728 : i32
      %eq3A_730 = arith.constant 0 : i32
      %eq3A_731 = arith.cmpi eq, %rem3A_729, %eq3A_730 : i32
      %convert_element_type3A_732 = arith.extui %eq3A_731 : i1 to i32
      %cond3A_733 = arith.constant 0 : i32
      %cond3A_734 = arith.cmpi ne, %convert_element_type3A_732, %cond3A_733 : i32
      scf.if %cond3A_734 {
        %rem3A_799 = arith.constant 2 : i32
        %rem3A_800 = arith.remsi %select_n3A, %rem3A_799 : i32
        %mul3A_801 = arith.constant 100 : i32
        %mul3A_802 = arith.muli %arg1, %mul3A_801 : i32
        %mul3A_803 = arith.constant 4 : i32
        %mul3A_804 = arith.muli %select_n3A, %mul3A_803 : i32
        %add3A_805 = arith.addi %mul3A_802, %mul3A_804 : i32
        %dma_wait3A_806 = arith.constant 0 : i32
        %dma_wait3A_807 = arith.constant 0 : i32
        %dma_wait3A_808 = tpu.memref_slice %arg11[%rem3A_800, %dma_wait3A_806, %dma_wait3A_807] : memref<2x4x256xi32, #tpu.memory_space<vmem>> -> memref<1x4x256xi32, #tpu.memory_space<vmem>>
        %dma_wait3A_809 = tpu.memref_squeeze %dma_wait3A_808 : memref<1x4x256xi32, #tpu.memory_space<vmem>> -> memref<4x256xi32, #tpu.memory_space<vmem>>
        %dma_wait3A_810 = arith.constant 0 : i32
        %dma_wait3A_811 = tpu.memref_slice %arg4[%add3A_805, %dma_wait3A_810] : memref<1600x256xi32, #tpu.memory_space<hbm>> -> memref<4x256xi32, #tpu.memory_space<hbm>>
        %dma_wait3A_812 = tpu.memref_slice %arg16[%rem3A_800] : memref<2x!tpu.dma_semaphore, #tpu.memory_space<semaphore_mem>> -> memref<1x!tpu.dma_semaphore, #tpu.memory_space<semaphore_mem>>
        %dma_wait3A_813 = tpu.memref_squeeze %dma_wait3A_812 : memref<1x!tpu.dma_semaphore, #tpu.memory_space<semaphore_mem>> -> memref<!tpu.dma_semaphore, #tpu.memory_space<semaphore_mem>>
        %dma_wait3A_814 = arith.constant 0 : i32
        %dma_wait3A_815 = arith.constant 0 : i32
        %dma_wait3A_816 = tpu.memref_slice %arg11[%rem3A_800, %dma_wait3A_814, %dma_wait3A_815] : memref<2x4x256xi32, #tpu.memory_space<vmem>> -> memref<1x4x256xi32, #tpu.memory_space<vmem>>
        %dma_wait3A_817 = tpu.memref_squeeze %dma_wait3A_816 : memref<1x4x256xi32, #tpu.memory_space<vmem>> -> memref<4x256xi32, #tpu.memory_space<vmem>>
        %dma_wait3A_818 = arith.constant 0 : i32
        %dma_wait3A_819 = tpu.memref_slice %arg4[%add3A_805, %dma_wait3A_818] : memref<1600x256xi32, #tpu.memory_space<hbm>> -> memref<4x256xi32, #tpu.memory_space<hbm>>
        tpu.wait_dma2 semaphore(%dma_wait3A_813 : memref<!tpu.dma_semaphore, #tpu.memory_space<semaphore_mem>>) src(%dma_wait3A_819 : memref<4x256xi32, #tpu.memory_space<hbm>>) dst(%dma_wait3A_817 : memref<4x256xi32, #tpu.memory_space<vmem>>)
        %mul3A_820 = arith.constant 100 : i32
        %mul3A_821 = arith.muli %arg1, %mul3A_820 : i32
        %mul3A_822 = arith.constant 4 : i32
        %mul3A_823 = arith.muli %select_n3A, %mul3A_822 : i32
        %add3A_824 = arith.addi %mul3A_821, %mul3A_823 : i32
        %dma_wait3A_825 = arith.constant 0 : i32
        %dma_wait3A_826 = arith.constant 0 : i32
        %dma_wait3A_827 = tpu.memref_slice %arg12[%rem3A_800, %dma_wait3A_825, %dma_wait3A_826] : memref<2x4x256xi32, #tpu.memory_space<vmem>> -> memref<1x4x256xi32, #tpu.memory_space<vmem>>
        %dma_wait3A_828 = tpu.memref_squeeze %dma_wait3A_827 : memref<1x4x256xi32, #tpu.memory_space<vmem>> -> memref<4x256xi32, #tpu.memory_space<vmem>>
        %dma_wait3A_829 = arith.constant 0 : i32
        %dma_wait3A_830 = tpu.memref_slice %arg5[%add3A_824, %dma_wait3A_829] : memref<1600x256xi32, #tpu.memory_space<hbm>> -> memref<4x256xi32, #tpu.memory_space<hbm>>
        %dma_wait3A_831 = tpu.memref_slice %arg17[%rem3A_800] : memref<2x!tpu.dma_semaphore, #tpu.memory_space<semaphore_mem>> -> memref<1x!tpu.dma_semaphore, #tpu.memory_space<semaphore_mem>>
        %dma_wait3A_832 = tpu.memref_squeeze %dma_wait3A_831 : memref<1x!tpu.dma_semaphore, #tpu.memory_space<semaphore_mem>> -> memref<!tpu.dma_semaphore, #tpu.memory_space<semaphore_mem>>
        %dma_wait3A_833 = arith.constant 0 : i32
        %dma_wait3A_834 = arith.constant 0 : i32
        %dma_wait3A_835 = tpu.memref_slice %arg12[%rem3A_800, %dma_wait3A_833, %dma_wait3A_834] : memref<2x4x256xi32, #tpu.memory_space<vmem>> -> memref<1x4x256xi32, #tpu.memory_space<vmem>>
        %dma_wait3A_836 = tpu.memref_squeeze %dma_wait3A_835 : memref<1x4x256xi32, #tpu.memory_space<vmem>> -> memref<4x256xi32, #tpu.memory_space<vmem>>
        %dma_wait3A_837 = arith.constant 0 : i32
        %dma_wait3A_838 = tpu.memref_slice %arg5[%add3A_824, %dma_wait3A_837] : memref<1600x256xi32, #tpu.memory_space<hbm>> -> memref<4x256xi32, #tpu.memory_space<hbm>>
        tpu.wait_dma2 semaphore(%dma_wait3A_832 : memref<!tpu.dma_semaphore, #tpu.memory_space<semaphore_mem>>) src(%dma_wait3A_838 : memref<4x256xi32, #tpu.memory_space<hbm>>) dst(%dma_wait3A_836 : memref<4x256xi32, #tpu.memory_space<vmem>>)
      } else {
      }
      %ge3A = arith.constant 3 : i32
      %ge3A_735 = arith.cmpi sge, %scan3A_710, %ge3A : i32
      %convert_element_type3A_736 = arith.extui %ge3A_735 : i1 to i32
      %cond3A_737 = arith.constant 0 : i32
      %cond3A_738 = arith.cmpi ne, %convert_element_type3A_736, %cond3A_737 : i32
      scf.if %cond3A_738 {
        %sub3A_799 = arith.constant 3 : i32
        %sub3A_800 = arith.subi %scan3A_710, %sub3A_799 : i32
        %jit3A_801 = arith.constant 4 : i32
        %div3A_802 = arith.divsi %sub3A_800, %jit3A_801 : i32
        %sign3A_803 = arith.constant 0 : i32
        %sign3A_804 = arith.cmpi sgt, %sub3A_800, %sign3A_803 : i32
        %sign3A_805 = arith.extui %sign3A_804 : i1 to i32
        %sign3A_806 = arith.constant 0 : i32
        %sign3A_807 = arith.cmpi slt, %sub3A_800, %sign3A_806 : i32
        %sign3A_808 = arith.extui %sign3A_807 : i1 to i32
        %sign3A_809 = arith.subi %sign3A_805, %sign3A_808 : i32
        %sign3A_810 = arith.constant 0 : i32
        %sign3A_811 = arith.cmpi sgt, %jit3A_801, %sign3A_810 : i32
        %sign3A_812 = arith.extui %sign3A_811 : i1 to i32
        %sign3A_813 = arith.constant 0 : i32
        %sign3A_814 = arith.cmpi slt, %jit3A_801, %sign3A_813 : i32
        %sign3A_815 = arith.extui %sign3A_814 : i1 to i32
        %sign3A_816 = arith.subi %sign3A_812, %sign3A_815 : i32
        %ne3A_817 = arith.cmpi ne, %sign3A_809, %sign3A_816 : i32
        %rem3A_818 = arith.remsi %sub3A_800, %jit3A_801 : i32
        %ne3A_819 = arith.constant 0 : i32
        %ne3A_820 = arith.cmpi ne, %rem3A_818, %ne3A_819 : i32
        %and3A_821 = arith.andi %ne3A_817, %ne3A_820 : i1
        %sub3A_822 = arith.constant 1 : i32
        %sub3A_823 = arith.subi %div3A_802, %sub3A_822 : i32
        %select_n3A_824 = arith.select %and3A_821, %sub3A_823, %div3A_802 : i32
        %rem3A_825 = arith.constant 2 : i32
        %rem3A_826 = arith.remsi %select_n3A_824, %rem3A_825 : i32
        %rem3A_827 = arith.constant 4 : i32
        %rem3A_828 = arith.remsi %sub3A_800, %rem3A_827 : i32
        %rem3A_829 = arith.constant 3 : i32
        %rem3A_830 = arith.remsi %sub3A_800, %rem3A_829 : i32
        %dma_wait3A_831 = arith.constant 0 : i32
        %dma_wait3A_832 = arith.constant 0 : i32
        %dma_wait3A_833 = tpu.memref_slice %arg13[%rem3A_830, %dma_wait3A_831, %dma_wait3A_832] : memref<3x256x32xf32, #tpu.memory_space<vmem>> -> memref<1x256x32xf32, #tpu.memory_space<vmem>>
        %dma_wait3A_834 = tpu.memref_squeeze %dma_wait3A_833 : memref<1x256x32xf32, #tpu.memory_space<vmem>> -> memref<256x32xf32, #tpu.memory_space<vmem>>
        %dma_wait3A_835 = arith.constant 0 : i32
        %dma_wait3A_836 = tpu.memref_slice %arg12[%rem3A_826, %rem3A_828, %dma_wait3A_835] : memref<2x4x256xi32, #tpu.memory_space<vmem>> -> memref<1x1x256xi32, #tpu.memory_space<vmem>>
        %dma_wait3A_837 = tpu.memref_squeeze %dma_wait3A_836 : memref<1x1x256xi32, #tpu.memory_space<vmem>> -> memref<256xi32, #tpu.memory_space<vmem>>
        %dma_wait3A_838 = arith.constant 0 : i32
        %dma_wait3A_839 = arith.constant 0 : i32
        %dma_wait3A_840 = tpu.memref_slice %arg15[%dma_wait3A_838, %dma_wait3A_839] : memref<25088x32xf32, #tpu.memory_space<vmem_shared>> -> memref<25088x32xf32, #tpu.memory_space<vmem_shared>>
        %dma_wait3A_841 = tpu.memref_slice %arg19[%rem3A_830] : memref<3x!tpu.dma_semaphore, #tpu.memory_space<semaphore_mem>> -> memref<1x!tpu.dma_semaphore, #tpu.memory_space<semaphore_mem>>
        %dma_wait3A_842 = tpu.memref_squeeze %dma_wait3A_841 : memref<1x!tpu.dma_semaphore, #tpu.memory_space<semaphore_mem>> -> memref<!tpu.dma_semaphore, #tpu.memory_space<semaphore_mem>>
        tpu.wait_indirect_dma semaphore(%dma_wait3A_842 : memref<!tpu.dma_semaphore, #tpu.memory_space<semaphore_mem>>) src(%dma_wait3A_834 : memref<256x32xf32, #tpu.memory_space<vmem>>) dst(%dma_wait3A_840 : memref<25088x32xf32, #tpu.memory_space<vmem_shared>>)
      } else {
      }
      %jit3A_739 = arith.constant 4 : i32
      %div3A_740 = arith.divsi %scan3A_710, %jit3A_739 : i32
      %sign3A_741 = arith.constant 0 : i32
      %sign3A_742 = arith.cmpi sgt, %scan3A_710, %sign3A_741 : i32
      %sign3A_743 = arith.extui %sign3A_742 : i1 to i32
      %sign3A_744 = arith.constant 0 : i32
      %sign3A_745 = arith.cmpi slt, %scan3A_710, %sign3A_744 : i32
      %sign3A_746 = arith.extui %sign3A_745 : i1 to i32
      %sign3A_747 = arith.subi %sign3A_743, %sign3A_746 : i32
      %sign3A_748 = arith.constant 0 : i32
      %sign3A_749 = arith.cmpi sgt, %jit3A_739, %sign3A_748 : i32
      %sign3A_750 = arith.extui %sign3A_749 : i1 to i32
      %sign3A_751 = arith.constant 0 : i32
      %sign3A_752 = arith.cmpi slt, %jit3A_739, %sign3A_751 : i32
      %sign3A_753 = arith.extui %sign3A_752 : i1 to i32
      %sign3A_754 = arith.subi %sign3A_750, %sign3A_753 : i32
      %ne3A_755 = arith.cmpi ne, %sign3A_747, %sign3A_754 : i32
      %rem3A_756 = arith.remsi %scan3A_710, %jit3A_739 : i32
      %ne3A_757 = arith.constant 0 : i32
      %ne3A_758 = arith.cmpi ne, %rem3A_756, %ne3A_757 : i32
      %and3A_759 = arith.andi %ne3A_755, %ne3A_758 : i1
      %sub3A_760 = arith.constant 1 : i32
      %sub3A_761 = arith.subi %div3A_740, %sub3A_760 : i32
      %select_n3A_762 = arith.select %and3A_759, %sub3A_761, %div3A_740 : i32
      %rem3A_763 = arith.constant 2 : i32
      %rem3A_764 = arith.remsi %select_n3A_762, %rem3A_763 : i32
      %rem3A_765 = arith.constant 4 : i32
      %rem3A_766 = arith.remsi %scan3A_710, %rem3A_765 : i32
      %rem3A_767 = arith.constant 3 : i32
      %rem3A_768 = arith.remsi %scan3A_710, %rem3A_767 : i32
      %dma_start3A_769 = arith.constant 0 : i32
      %dma_start3A_770 = arith.constant 0 : i32
      %dma_start3A_771 = tpu.memref_slice %arg13[%rem3A_768, %dma_start3A_769, %dma_start3A_770] : memref<3x256x32xf32, #tpu.memory_space<vmem>> -> memref<1x256x32xf32, #tpu.memory_space<vmem>>
      %dma_start3A_772 = tpu.memref_squeeze %dma_start3A_771 : memref<1x256x32xf32, #tpu.memory_space<vmem>> -> memref<256x32xf32, #tpu.memory_space<vmem>>
      %dma_start3A_773 = arith.constant 0 : i32
      %dma_start3A_774 = tpu.memref_slice %arg11[%rem3A_764, %rem3A_766, %dma_start3A_773] : memref<2x4x256xi32, #tpu.memory_space<vmem>> -> memref<1x1x256xi32, #tpu.memory_space<vmem>>
      %dma_start3A_775 = tpu.memref_squeeze %dma_start3A_774 : memref<1x1x256xi32, #tpu.memory_space<vmem>> -> memref<256xi32, #tpu.memory_space<vmem>>
      %dma_start3A_776 = arith.constant 0 : i32
      %dma_start3A_777 = arith.constant 0 : i32
      %dma_start3A_778 = tpu.memref_slice %arg14[%dma_start3A_776, %dma_start3A_777] : memref<25000x32xf32, #tpu.memory_space<vmem_shared>> -> memref<25000x32xf32, #tpu.memory_space<vmem_shared>>
      %dma_start3A_779 = tpu.memref_slice %arg18[%rem3A_768] : memref<3x!tpu.dma_semaphore, #tpu.memory_space<semaphore_mem>> -> memref<1x!tpu.dma_semaphore, #tpu.memory_space<semaphore_mem>>
      %dma_start3A_780 = tpu.memref_squeeze %dma_start3A_779 : memref<1x!tpu.dma_semaphore, #tpu.memory_space<semaphore_mem>> -> memref<!tpu.dma_semaphore, #tpu.memory_space<semaphore_mem>>
      tpu.enqueue_indirect_dma source(%dma_start3A_778 : memref<25000x32xf32, #tpu.memory_space<vmem_shared>>) target(%dma_start3A_772 : memref<256x32xf32, #tpu.memory_space<vmem>>) offsets(%dma_start3A_775 : memref<256xi32, #tpu.memory_space<vmem>>) semaphore(%dma_start3A_780 : memref<!tpu.dma_semaphore, #tpu.memory_space<semaphore_mem>>)
      %eq3A_781 = arith.constant 2 : i32
      %eq3A_782 = arith.cmpi eq, %rem3A_729, %eq3A_781 : i32
      %add3A_783 = arith.constant 4 : i32
      %add3A_784 = arith.addi %scan3A_710, %add3A_783 : i32
      %sub3A_785 = arith.constant 3 : i32
      %sub3A_786 = arith.subi %add3A_784, %sub3A_785 : i32
      %add3A_787 = arith.constant 1 : i32
      %add3A_788 = arith.addi %sub3A_786, %add3A_787 : i32
      %lt3A = arith.constant 100 : i32
      %lt3A_789 = arith.cmpi slt, %add3A_788, %lt3A : i32
      %and3A_790 = arith.andi %eq3A_782, %lt3A_789 : i1
      %convert_element_type3A_791 = arith.extui %and3A_790 : i1 to i32
      %cond3A_792 = arith.constant 0 : i32
      %cond3A_793 = arith.cmpi ne, %convert_element_type3A_791, %cond3A_792 : i32
      scf.if %cond3A_793 {
        %add3A_799 = arith.constant 1 : i32
        %add3A_800 = arith.addi %select_n3A, %add3A_799 : i32
        %add3A_801 = arith.constant 1 : i32
        %add3A_802 = arith.addi %select_n3A, %add3A_801 : i32
        %rem3A_803 = arith.constant 2 : i32
        %rem3A_804 = arith.remsi %add3A_802, %rem3A_803 : i32
        %mul3A_805 = arith.constant 100 : i32
        %mul3A_806 = arith.muli %arg1, %mul3A_805 : i32
        %mul3A_807 = arith.constant 4 : i32
        %mul3A_808 = arith.muli %add3A_800, %mul3A_807 : i32
        %add3A_809 = arith.addi %mul3A_806, %mul3A_808 : i32
        %dma_start3A_810 = arith.constant 0 : i32
        %dma_start3A_811 = arith.constant 0 : i32
        %dma_start3A_812 = tpu.memref_slice %arg12[%rem3A_804, %dma_start3A_810, %dma_start3A_811] : memref<2x4x256xi32, #tpu.memory_space<vmem>> -> memref<1x4x256xi32, #tpu.memory_space<vmem>>
        %dma_start3A_813 = tpu.memref_squeeze %dma_start3A_812 : memref<1x4x256xi32, #tpu.memory_space<vmem>> -> memref<4x256xi32, #tpu.memory_space<vmem>>
        %dma_start3A_814 = arith.constant 0 : i32
        %dma_start3A_815 = tpu.memref_slice %arg5[%add3A_809, %dma_start3A_814] : memref<1600x256xi32, #tpu.memory_space<hbm>> -> memref<4x256xi32, #tpu.memory_space<hbm>>
        %dma_start3A_816 = tpu.memref_slice %arg17[%rem3A_804] : memref<2x!tpu.dma_semaphore, #tpu.memory_space<semaphore_mem>> -> memref<1x!tpu.dma_semaphore, #tpu.memory_space<semaphore_mem>>
        %dma_start3A_817 = tpu.memref_squeeze %dma_start3A_816 : memref<1x!tpu.dma_semaphore, #tpu.memory_space<semaphore_mem>> -> memref<!tpu.dma_semaphore, #tpu.memory_space<semaphore_mem>>
        %dma_start3A_818 = arith.constant 0 : i32
        %dma_start3A_819 = arith.constant 0 : i32
        %dma_start3A_820 = tpu.memref_slice %arg12[%rem3A_804, %dma_start3A_818, %dma_start3A_819] : memref<2x4x256xi32, #tpu.memory_space<vmem>> -> memref<1x4x256xi32, #tpu.memory_space<vmem>>
        %dma_start3A_821 = tpu.memref_squeeze %dma_start3A_820 : memref<1x4x256xi32, #tpu.memory_space<vmem>> -> memref<4x256xi32, #tpu.memory_space<vmem>>
        %dma_start3A_822 = arith.constant 0 : i32
        %dma_start3A_823 = tpu.memref_slice %arg5[%add3A_809, %dma_start3A_822] : memref<1600x256xi32, #tpu.memory_space<hbm>> -> memref<4x256xi32, #tpu.memory_space<hbm>>
        tpu.enqueue_dma source(%dma_start3A_823 : memref<4x256xi32, #tpu.memory_space<hbm>>) target(%dma_start3A_821 : memref<4x256xi32, #tpu.memory_space<vmem>>) target_semaphore(%dma_start3A_817 : memref<!tpu.dma_semaphore, #tpu.memory_space<semaphore_mem>>)
        %mul3A_824 = arith.constant 100 : i32
        %mul3A_825 = arith.muli %arg1, %mul3A_824 : i32
        %mul3A_826 = arith.constant 4 : i32
        %mul3A_827 = arith.muli %add3A_800, %mul3A_826 : i32
        %add3A_828 = arith.addi %mul3A_825, %mul3A_827 : i32
        %dma_start3A_829 = arith.constant 0 : i32
        %dma_start3A_830 = arith.constant 0 : i32
        %dma_start3A_831 = tpu.memref_slice %arg11[%rem3A_804, %dma_start3A_829, %dma_start3A_830] : memref<2x4x256xi32, #tpu.memory_space<vmem>> -> memref<1x4x256xi32, #tpu.memory_space<vmem>>
        %dma_start3A_832 = tpu.memref_squeeze %dma_start3A_831 : memref<1x4x256xi32, #tpu.memory_space<vmem>> -> memref<4x256xi32, #tpu.memory_space<vmem>>
        %dma_start3A_833 = arith.constant 0 : i32
        %dma_start3A_834 = tpu.memref_slice %arg4[%add3A_828, %dma_start3A_833] : memref<1600x256xi32, #tpu.memory_space<hbm>> -> memref<4x256xi32, #tpu.memory_space<hbm>>
        %dma_start3A_835 = tpu.memref_slice %arg16[%rem3A_804] : memref<2x!tpu.dma_semaphore, #tpu.memory_space<semaphore_mem>> -> memref<1x!tpu.dma_semaphore, #tpu.memory_space<semaphore_mem>>
        %dma_start3A_836 = tpu.memref_squeeze %dma_start3A_835 : memref<1x!tpu.dma_semaphore, #tpu.memory_space<semaphore_mem>> -> memref<!tpu.dma_semaphore, #tpu.memory_space<semaphore_mem>>
        %dma_start3A_837 = arith.constant 0 : i32
        %dma_start3A_838 = arith.constant 0 : i32
        %dma_start3A_839 = tpu.memref_slice %arg11[%rem3A_804, %dma_start3A_837, %dma_start3A_838] : memref<2x4x256xi32, #tpu.memory_space<vmem>> -> memref<1x4x256xi32, #tpu.memory_space<vmem>>
        %dma_start3A_840 = tpu.memref_squeeze %dma_start3A_839 : memref<1x4x256xi32, #tpu.memory_space<vmem>> -> memref<4x256xi32, #tpu.memory_space<vmem>>
        %dma_start3A_841 = arith.constant 0 : i32
        %dma_start3A_842 = tpu.memref_slice %arg4[%add3A_828, %dma_start3A_841] : memref<1600x256xi32, #tpu.memory_space<hbm>> -> memref<4x256xi32, #tpu.memory_space<hbm>>
        tpu.enqueue_dma source(%dma_start3A_842 : memref<4x256xi32, #tpu.memory_space<hbm>>) target(%dma_start3A_840 : memref<4x256xi32, #tpu.memory_space<vmem>>) target_semaphore(%dma_start3A_836 : memref<!tpu.dma_semaphore, #tpu.memory_space<semaphore_mem>>)
      } else {
      }
      %ge3A_794 = arith.constant 1 : i32
      %ge3A_795 = arith.cmpi sge, %scan3A_710, %ge3A_794 : i32
      %convert_element_type3A_796 = arith.extui %ge3A_795 : i1 to i32
      %cond3A_797 = arith.constant 0 : i32
      %cond3A_798 = arith.cmpi ne, %convert_element_type3A_796, %cond3A_797 : i32
      scf.if %cond3A_798 {
        %sub3A_799 = arith.constant 1 : i32
        %sub3A_800 = arith.subi %scan3A_710, %sub3A_799 : i32
        %jit3A_801 = arith.constant 4 : i32
        %div3A_802 = arith.divsi %sub3A_800, %jit3A_801 : i32
        %sign3A_803 = arith.constant 0 : i32
        %sign3A_804 = arith.cmpi sgt, %sub3A_800, %sign3A_803 : i32
        %sign3A_805 = arith.extui %sign3A_804 : i1 to i32
        %sign3A_806 = arith.constant 0 : i32
        %sign3A_807 = arith.cmpi slt, %sub3A_800, %sign3A_806 : i32
        %sign3A_808 = arith.extui %sign3A_807 : i1 to i32
        %sign3A_809 = arith.subi %sign3A_805, %sign3A_808 : i32
        %sign3A_810 = arith.constant 0 : i32
        %sign3A_811 = arith.cmpi sgt, %jit3A_801, %sign3A_810 : i32
        %sign3A_812 = arith.extui %sign3A_811 : i1 to i32
        %sign3A_813 = arith.constant 0 : i32
        %sign3A_814 = arith.cmpi slt, %jit3A_801, %sign3A_813 : i32
        %sign3A_815 = arith.extui %sign3A_814 : i1 to i32
        %sign3A_816 = arith.subi %sign3A_812, %sign3A_815 : i32
        %ne3A_817 = arith.cmpi ne, %sign3A_809, %sign3A_816 : i32
        %rem3A_818 = arith.remsi %sub3A_800, %jit3A_801 : i32
        %ne3A_819 = arith.constant 0 : i32
        %ne3A_820 = arith.cmpi ne, %rem3A_818, %ne3A_819 : i32
        %and3A_821 = arith.andi %ne3A_817, %ne3A_820 : i1
        %sub3A_822 = arith.constant 1 : i32
        %sub3A_823 = arith.subi %div3A_802, %sub3A_822 : i32
        %select_n3A_824 = arith.select %and3A_821, %sub3A_823, %div3A_802 : i32
        %rem3A_825 = arith.constant 2 : i32
        %rem3A_826 = arith.remsi %select_n3A_824, %rem3A_825 : i32
        %rem3A_827 = arith.constant 4 : i32
        %rem3A_828 = arith.remsi %sub3A_800, %rem3A_827 : i32
        %rem3A_829 = arith.constant 3 : i32
        %rem3A_830 = arith.remsi %sub3A_800, %rem3A_829 : i32
        %dma_wait3A_831 = arith.constant 0 : i32
        %dma_wait3A_832 = arith.constant 0 : i32
        %dma_wait3A_833 = tpu.memref_slice %arg13[%rem3A_830, %dma_wait3A_831, %dma_wait3A_832] : memref<3x256x32xf32, #tpu.memory_space<vmem>> -> memref<1x256x32xf32, #tpu.memory_space<vmem>>
        %dma_wait3A_834 = tpu.memref_squeeze %dma_wait3A_833 : memref<1x256x32xf32, #tpu.memory_space<vmem>> -> memref<256x32xf32, #tpu.memory_space<vmem>>
        %dma_wait3A_835 = arith.constant 0 : i32
        %dma_wait3A_836 = tpu.memref_slice %arg11[%rem3A_826, %rem3A_828, %dma_wait3A_835] : memref<2x4x256xi32, #tpu.memory_space<vmem>> -> memref<1x1x256xi32, #tpu.memory_space<vmem>>
        %dma_wait3A_837 = tpu.memref_squeeze %dma_wait3A_836 : memref<1x1x256xi32, #tpu.memory_space<vmem>> -> memref<256xi32, #tpu.memory_space<vmem>>
        %dma_wait3A_838 = arith.constant 0 : i32
        %dma_wait3A_839 = arith.constant 0 : i32
        %dma_wait3A_840 = tpu.memref_slice %arg14[%dma_wait3A_838, %dma_wait3A_839] : memref<25000x32xf32, #tpu.memory_space<vmem_shared>> -> memref<25000x32xf32, #tpu.memory_space<vmem_shared>>
        %dma_wait3A_841 = tpu.memref_slice %arg18[%rem3A_830] : memref<3x!tpu.dma_semaphore, #tpu.memory_space<semaphore_mem>> -> memref<1x!tpu.dma_semaphore, #tpu.memory_space<semaphore_mem>>
        %dma_wait3A_842 = tpu.memref_squeeze %dma_wait3A_841 : memref<1x!tpu.dma_semaphore, #tpu.memory_space<semaphore_mem>> -> memref<!tpu.dma_semaphore, #tpu.memory_space<semaphore_mem>>
        tpu.wait_indirect_dma semaphore(%dma_wait3A_842 : memref<!tpu.dma_semaphore, #tpu.memory_space<semaphore_mem>>) src(%dma_wait3A_840 : memref<25000x32xf32, #tpu.memory_space<vmem_shared>>) dst(%dma_wait3A_834 : memref<256x32xf32, #tpu.memory_space<vmem>>)
        %sub3A_843 = arith.constant 1 : i32
        %sub3A_844 = arith.subi %scan3A_710, %sub3A_843 : i32
        %jit3A_845 = arith.constant 4 : i32
        %div3A_846 = arith.divsi %sub3A_844, %jit3A_845 : i32
        %sign3A_847 = arith.constant 0 : i32
        %sign3A_848 = arith.cmpi sgt, %sub3A_844, %sign3A_847 : i32
        %sign3A_849 = arith.extui %sign3A_848 : i1 to i32
        %sign3A_850 = arith.constant 0 : i32
        %sign3A_851 = arith.cmpi slt, %sub3A_844, %sign3A_850 : i32
        %sign3A_852 = arith.extui %sign3A_851 : i1 to i32
        %sign3A_853 = arith.subi %sign3A_849, %sign3A_852 : i32
        %sign3A_854 = arith.constant 0 : i32
        %sign3A_855 = arith.cmpi sgt, %jit3A_845, %sign3A_854 : i32
        %sign3A_856 = arith.extui %sign3A_855 : i1 to i32
        %sign3A_857 = arith.constant 0 : i32
        %sign3A_858 = arith.cmpi slt, %jit3A_845, %sign3A_857 : i32
        %sign3A_859 = arith.extui %sign3A_858 : i1 to i32
        %sign3A_860 = arith.subi %sign3A_856, %sign3A_859 : i32
        %ne3A_861 = arith.cmpi ne, %sign3A_853, %sign3A_860 : i32
        %rem3A_862 = arith.remsi %sub3A_844, %jit3A_845 : i32
        %ne3A_863 = arith.constant 0 : i32
        %ne3A_864 = arith.cmpi ne, %rem3A_862, %ne3A_863 : i32
        %and3A_865 = arith.andi %ne3A_861, %ne3A_864 : i1
        %sub3A_866 = arith.constant 1 : i32
        %sub3A_867 = arith.subi %div3A_846, %sub3A_866 : i32
        %select_n3A_868 = arith.select %and3A_865, %sub3A_867, %div3A_846 : i32
        %rem3A_869 = arith.constant 2 : i32
        %rem3A_870 = arith.remsi %select_n3A_868, %rem3A_869 : i32
        %rem3A_871 = arith.constant 4 : i32
        %rem3A_872 = arith.remsi %sub3A_844, %rem3A_871 : i32
        %rem3A_873 = arith.constant 3 : i32
        %rem3A_874 = arith.remsi %sub3A_844, %rem3A_873 : i32
        %dma_start3A_875 = arith.constant 0 : i32
        %dma_start3A_876 = arith.constant 0 : i32
        %dma_start3A_877 = tpu.memref_slice %arg13[%rem3A_874, %dma_start3A_875, %dma_start3A_876] : memref<3x256x32xf32, #tpu.memory_space<vmem>> -> memref<1x256x32xf32, #tpu.memory_space<vmem>>
        %dma_start3A_878 = tpu.memref_squeeze %dma_start3A_877 : memref<1x256x32xf32, #tpu.memory_space<vmem>> -> memref<256x32xf32, #tpu.memory_space<vmem>>
        %dma_start3A_879 = arith.constant 0 : i32
        %dma_start3A_880 = tpu.memref_slice %arg12[%rem3A_870, %rem3A_872, %dma_start3A_879] : memref<2x4x256xi32, #tpu.memory_space<vmem>> -> memref<1x1x256xi32, #tpu.memory_space<vmem>>
        %dma_start3A_881 = tpu.memref_squeeze %dma_start3A_880 : memref<1x1x256xi32, #tpu.memory_space<vmem>> -> memref<256xi32, #tpu.memory_space<vmem>>
        %dma_start3A_882 = arith.constant 0 : i32
        %dma_start3A_883 = arith.constant 0 : i32
        %dma_start3A_884 = tpu.memref_slice %arg15[%dma_start3A_882, %dma_start3A_883] : memref<25088x32xf32, #tpu.memory_space<vmem_shared>> -> memref<25088x32xf32, #tpu.memory_space<vmem_shared>>
        %dma_start3A_885 = tpu.memref_slice %arg19[%rem3A_874] : memref<3x!tpu.dma_semaphore, #tpu.memory_space<semaphore_mem>> -> memref<1x!tpu.dma_semaphore, #tpu.memory_space<semaphore_mem>>
        %dma_start3A_886 = tpu.memref_squeeze %dma_start3A_885 : memref<1x!tpu.dma_semaphore, #tpu.memory_space<semaphore_mem>> -> memref<!tpu.dma_semaphore, #tpu.memory_space<semaphore_mem>>
        tpu.enqueue_indirect_dma source(%dma_start3A_878 : memref<256x32xf32, #tpu.memory_space<vmem>>) target(%dma_start3A_884 : memref<25088x32xf32, #tpu.memory_space<vmem_shared>>) offsets(%dma_start3A_881 : memref<256xi32, #tpu.memory_space<vmem>>) semaphore(%dma_start3A_886 : memref<!tpu.dma_semaphore, #tpu.memory_space<semaphore_mem>>) {add = true}
      } else {
      }
    }
    %scan3A_414 = arith.constant 100 : i32
    %rem3A_415 = arith.constant 24 : i32
    %rem3A_416 = arith.constant 2 : i32
    %rem3A_417 = arith.remsi %rem3A_415, %rem3A_416 : i32
    %rem3A_418 = arith.constant 99 : i32
    %rem3A_419 = arith.constant 4 : i32
    %rem3A_420 = arith.remsi %rem3A_418, %rem3A_419 : i32
    %rem3A_421 = arith.constant 99 : i32
    %rem3A_422 = arith.constant 3 : i32
    %rem3A_423 = arith.remsi %rem3A_421, %rem3A_422 : i32
    %dma_wait3A_424 = arith.constant 0 : i32
    %dma_wait3A_425 = arith.constant 0 : i32
    %dma_wait3A_426 = tpu.memref_slice %arg13[%rem3A_423, %dma_wait3A_424, %dma_wait3A_425] : memref<3x256x32xf32, #tpu.memory_space<vmem>> -> memref<1x256x32xf32, #tpu.memory_space<vmem>>
    %dma_wait3A_427 = tpu.memref_squeeze %dma_wait3A_426 : memref<1x256x32xf32, #tpu.memory_space<vmem>> -> memref<256x32xf32, #tpu.memory_space<vmem>>
    %dma_wait3A_428 = arith.constant 0 : i32
    %dma_wait3A_429 = tpu.memref_slice %arg11[%rem3A_417, %rem3A_420, %dma_wait3A_428] : memref<2x4x256xi32, #tpu.memory_space<vmem>> -> memref<1x1x256xi32, #tpu.memory_space<vmem>>
    %dma_wait3A_430 = tpu.memref_squeeze %dma_wait3A_429 : memref<1x1x256xi32, #tpu.memory_space<vmem>> -> memref<256xi32, #tpu.memory_space<vmem>>
    %dma_wait3A_431 = arith.constant 0 : i32
    %dma_wait3A_432 = arith.constant 0 : i32
    %dma_wait3A_433 = tpu.memref_slice %arg14[%dma_wait3A_431, %dma_wait3A_432] : memref<25000x32xf32, #tpu.memory_space<vmem_shared>> -> memref<25000x32xf32, #tpu.memory_space<vmem_shared>>
    %dma_wait3A_434 = tpu.memref_slice %arg18[%rem3A_423] : memref<3x!tpu.dma_semaphore, #tpu.memory_space<semaphore_mem>> -> memref<1x!tpu.dma_semaphore, #tpu.memory_space<semaphore_mem>>
    %dma_wait3A_435 = tpu.memref_squeeze %dma_wait3A_434 : memref<1x!tpu.dma_semaphore, #tpu.memory_space<semaphore_mem>> -> memref<!tpu.dma_semaphore, #tpu.memory_space<semaphore_mem>>
    tpu.wait_indirect_dma semaphore(%dma_wait3A_435 : memref<!tpu.dma_semaphore, #tpu.memory_space<semaphore_mem>>) src(%dma_wait3A_433 : memref<25000x32xf32, #tpu.memory_space<vmem_shared>>) dst(%dma_wait3A_427 : memref<256x32xf32, #tpu.memory_space<vmem>>)
    %rem3A_436 = arith.constant 24 : i32
    %rem3A_437 = arith.constant 2 : i32
    %rem3A_438 = arith.remsi %rem3A_436, %rem3A_437 : i32
    %rem3A_439 = arith.constant 99 : i32
    %rem3A_440 = arith.constant 4 : i32
    %rem3A_441 = arith.remsi %rem3A_439, %rem3A_440 : i32
    %rem3A_442 = arith.constant 99 : i32
    %rem3A_443 = arith.constant 3 : i32
    %rem3A_444 = arith.remsi %rem3A_442, %rem3A_443 : i32
    %dma_start3A_445 = arith.constant 0 : i32
    %dma_start3A_446 = arith.constant 0 : i32
    %dma_start3A_447 = tpu.memref_slice %arg13[%rem3A_444, %dma_start3A_445, %dma_start3A_446] : memref<3x256x32xf32, #tpu.memory_space<vmem>> -> memref<1x256x32xf32, #tpu.memory_space<vmem>>
    %dma_start3A_448 = tpu.memref_squeeze %dma_start3A_447 : memref<1x256x32xf32, #tpu.memory_space<vmem>> -> memref<256x32xf32, #tpu.memory_space<vmem>>
    %dma_start3A_449 = arith.constant 0 : i32
    %dma_start3A_450 = tpu.memref_slice %arg12[%rem3A_438, %rem3A_441, %dma_start3A_449] : memref<2x4x256xi32, #tpu.memory_space<vmem>> -> memref<1x1x256xi32, #tpu.memory_space<vmem>>
    %dma_start3A_451 = tpu.memref_squeeze %dma_start3A_450 : memref<1x1x256xi32, #tpu.memory_space<vmem>> -> memref<256xi32, #tpu.memory_space<vmem>>
    %dma_start3A_452 = arith.constant 0 : i32
    %dma_start3A_453 = arith.constant 0 : i32
    %dma_start3A_454 = tpu.memref_slice %arg15[%dma_start3A_452, %dma_start3A_453] : memref<25088x32xf32, #tpu.memory_space<vmem_shared>> -> memref<25088x32xf32, #tpu.memory_space<vmem_shared>>
    %dma_start3A_455 = tpu.memref_slice %arg19[%rem3A_444] : memref<3x!tpu.dma_semaphore, #tpu.memory_space<semaphore_mem>> -> memref<1x!tpu.dma_semaphore, #tpu.memory_space<semaphore_mem>>
    %dma_start3A_456 = tpu.memref_squeeze %dma_start3A_455 : memref<1x!tpu.dma_semaphore, #tpu.memory_space<semaphore_mem>> -> memref<!tpu.dma_semaphore, #tpu.memory_space<semaphore_mem>>
    tpu.enqueue_indirect_dma source(%dma_start3A_448 : memref<256x32xf32, #tpu.memory_space<vmem>>) target(%dma_start3A_454 : memref<25088x32xf32, #tpu.memory_space<vmem_shared>>) offsets(%dma_start3A_451 : memref<256xi32, #tpu.memory_space<vmem>>) semaphore(%dma_start3A_456 : memref<!tpu.dma_semaphore, #tpu.memory_space<semaphore_mem>>) {add = true}
    %rem3A_457 = arith.constant 24 : i32
    %rem3A_458 = arith.constant 2 : i32
    %rem3A_459 = arith.remsi %rem3A_457, %rem3A_458 : i32
    %rem3A_460 = arith.constant 97 : i32
    %rem3A_461 = arith.constant 4 : i32
    %rem3A_462 = arith.remsi %rem3A_460, %rem3A_461 : i32
    %rem3A_463 = arith.constant 97 : i32
    %rem3A_464 = arith.constant 3 : i32
    %rem3A_465 = arith.remsi %rem3A_463, %rem3A_464 : i32
    %dma_wait3A_466 = arith.constant 0 : i32
    %dma_wait3A_467 = arith.constant 0 : i32
    %dma_wait3A_468 = tpu.memref_slice %arg13[%rem3A_465, %dma_wait3A_466, %dma_wait3A_467] : memref<3x256x32xf32, #tpu.memory_space<vmem>> -> memref<1x256x32xf32, #tpu.memory_space<vmem>>
    %dma_wait3A_469 = tpu.memref_squeeze %dma_wait3A_468 : memref<1x256x32xf32, #tpu.memory_space<vmem>> -> memref<256x32xf32, #tpu.memory_space<vmem>>
    %dma_wait3A_470 = arith.constant 0 : i32
    %dma_wait3A_471 = tpu.memref_slice %arg12[%rem3A_459, %rem3A_462, %dma_wait3A_470] : memref<2x4x256xi32, #tpu.memory_space<vmem>> -> memref<1x1x256xi32, #tpu.memory_space<vmem>>
    %dma_wait3A_472 = tpu.memref_squeeze %dma_wait3A_471 : memref<1x1x256xi32, #tpu.memory_space<vmem>> -> memref<256xi32, #tpu.memory_space<vmem>>
    %dma_wait3A_473 = arith.constant 0 : i32
    %dma_wait3A_474 = arith.constant 0 : i32
    %dma_wait3A_475 = tpu.memref_slice %arg15[%dma_wait3A_473, %dma_wait3A_474] : memref<25088x32xf32, #tpu.memory_space<vmem_shared>> -> memref<25088x32xf32, #tpu.memory_space<vmem_shared>>
    %dma_wait3A_476 = tpu.memref_slice %arg19[%rem3A_465] : memref<3x!tpu.dma_semaphore, #tpu.memory_space<semaphore_mem>> -> memref<1x!tpu.dma_semaphore, #tpu.memory_space<semaphore_mem>>
    %dma_wait3A_477 = tpu.memref_squeeze %dma_wait3A_476 : memref<1x!tpu.dma_semaphore, #tpu.memory_space<semaphore_mem>> -> memref<!tpu.dma_semaphore, #tpu.memory_space<semaphore_mem>>
    tpu.wait_indirect_dma semaphore(%dma_wait3A_477 : memref<!tpu.dma_semaphore, #tpu.memory_space<semaphore_mem>>) src(%dma_wait3A_469 : memref<256x32xf32, #tpu.memory_space<vmem>>) dst(%dma_wait3A_475 : memref<25088x32xf32, #tpu.memory_space<vmem_shared>>)
    %rem3A_478 = arith.constant 24 : i32
    %rem3A_479 = arith.constant 2 : i32
    %rem3A_480 = arith.remsi %rem3A_478, %rem3A_479 : i32
    %rem3A_481 = arith.constant 98 : i32
    %rem3A_482 = arith.constant 4 : i32
    %rem3A_483 = arith.remsi %rem3A_481, %rem3A_482 : i32
    %rem3A_484 = arith.constant 98 : i32
    %rem3A_485 = arith.constant 3 : i32
    %rem3A_486 = arith.remsi %rem3A_484, %rem3A_485 : i32
    %dma_wait3A_487 = arith.constant 0 : i32
    %dma_wait3A_488 = arith.constant 0 : i32
    %dma_wait3A_489 = tpu.memref_slice %arg13[%rem3A_486, %dma_wait3A_487, %dma_wait3A_488] : memref<3x256x32xf32, #tpu.memory_space<vmem>> -> memref<1x256x32xf32, #tpu.memory_space<vmem>>
    %dma_wait3A_490 = tpu.memref_squeeze %dma_wait3A_489 : memref<1x256x32xf32, #tpu.memory_space<vmem>> -> memref<256x32xf32, #tpu.memory_space<vmem>>
    %dma_wait3A_491 = arith.constant 0 : i32
    %dma_wait3A_492 = tpu.memref_slice %arg12[%rem3A_480, %rem3A_483, %dma_wait3A_491] : memref<2x4x256xi32, #tpu.memory_space<vmem>> -> memref<1x1x256xi32, #tpu.memory_space<vmem>>
    %dma_wait3A_493 = tpu.memref_squeeze %dma_wait3A_492 : memref<1x1x256xi32, #tpu.memory_space<vmem>> -> memref<256xi32, #tpu.memory_space<vmem>>
    %dma_wait3A_494 = arith.constant 0 : i32
    %dma_wait3A_495 = arith.constant 0 : i32
    %dma_wait3A_496 = tpu.memref_slice %arg15[%dma_wait3A_494, %dma_wait3A_495] : memref<25088x32xf32, #tpu.memory_space<vmem_shared>> -> memref<25088x32xf32, #tpu.memory_space<vmem_shared>>
    %dma_wait3A_497 = tpu.memref_slice %arg19[%rem3A_486] : memref<3x!tpu.dma_semaphore, #tpu.memory_space<semaphore_mem>> -> memref<1x!tpu.dma_semaphore, #tpu.memory_space<semaphore_mem>>
    %dma_wait3A_498 = tpu.memref_squeeze %dma_wait3A_497 : memref<1x!tpu.dma_semaphore, #tpu.memory_space<semaphore_mem>> -> memref<!tpu.dma_semaphore, #tpu.memory_space<semaphore_mem>>
    tpu.wait_indirect_dma semaphore(%dma_wait3A_498 : memref<!tpu.dma_semaphore, #tpu.memory_space<semaphore_mem>>) src(%dma_wait3A_490 : memref<256x32xf32, #tpu.memory_space<vmem>>) dst(%dma_wait3A_496 : memref<25088x32xf32, #tpu.memory_space<vmem_shared>>)
    %rem3A_499 = arith.constant 24 : i32
    %rem3A_500 = arith.constant 2 : i32
    %rem3A_501 = arith.remsi %rem3A_499, %rem3A_500 : i32
    %rem3A_502 = arith.constant 99 : i32
    %rem3A_503 = arith.constant 4 : i32
    %rem3A_504 = arith.remsi %rem3A_502, %rem3A_503 : i32
    %rem3A_505 = arith.constant 99 : i32
    %rem3A_506 = arith.constant 3 : i32
    %rem3A_507 = arith.remsi %rem3A_505, %rem3A_506 : i32
    %dma_wait3A_508 = arith.constant 0 : i32
    %dma_wait3A_509 = arith.constant 0 : i32
    %dma_wait3A_510 = tpu.memref_slice %arg13[%rem3A_507, %dma_wait3A_508, %dma_wait3A_509] : memref<3x256x32xf32, #tpu.memory_space<vmem>> -> memref<1x256x32xf32, #tpu.memory_space<vmem>>
    %dma_wait3A_511 = tpu.memref_squeeze %dma_wait3A_510 : memref<1x256x32xf32, #tpu.memory_space<vmem>> -> memref<256x32xf32, #tpu.memory_space<vmem>>
    %dma_wait3A_512 = arith.constant 0 : i32
    %dma_wait3A_513 = tpu.memref_slice %arg12[%rem3A_501, %rem3A_504, %dma_wait3A_512] : memref<2x4x256xi32, #tpu.memory_space<vmem>> -> memref<1x1x256xi32, #tpu.memory_space<vmem>>
    %dma_wait3A_514 = tpu.memref_squeeze %dma_wait3A_513 : memref<1x1x256xi32, #tpu.memory_space<vmem>> -> memref<256xi32, #tpu.memory_space<vmem>>
    %dma_wait3A_515 = arith.constant 0 : i32
    %dma_wait3A_516 = arith.constant 0 : i32
    %dma_wait3A_517 = tpu.memref_slice %arg15[%dma_wait3A_515, %dma_wait3A_516] : memref<25088x32xf32, #tpu.memory_space<vmem_shared>> -> memref<25088x32xf32, #tpu.memory_space<vmem_shared>>
    %dma_wait3A_518 = tpu.memref_slice %arg19[%rem3A_507] : memref<3x!tpu.dma_semaphore, #tpu.memory_space<semaphore_mem>> -> memref<1x!tpu.dma_semaphore, #tpu.memory_space<semaphore_mem>>
    %dma_wait3A_519 = tpu.memref_squeeze %dma_wait3A_518 : memref<1x!tpu.dma_semaphore, #tpu.memory_space<semaphore_mem>> -> memref<!tpu.dma_semaphore, #tpu.memory_space<semaphore_mem>>
    tpu.wait_indirect_dma semaphore(%dma_wait3A_519 : memref<!tpu.dma_semaphore, #tpu.memory_space<semaphore_mem>>) src(%dma_wait3A_511 : memref<256x32xf32, #tpu.memory_space<vmem>>) dst(%dma_wait3A_517 : memref<25088x32xf32, #tpu.memory_space<vmem_shared>>)
    %barrier3A_520 = arith.constant 0 : index
    tpu.barrier barrier_id(%barrier3A_520)
    %mul3A_521 = arith.constant 1560 : i32
    %mul3A_522 = arith.muli %arg1, %mul3A_521 : i32
    %mul3A_523 = arith.constant 25000 : i32
    %mul3A_524 = arith.muli %add3A_353, %mul3A_523 : i32
    %add3A_525 = arith.addi %mul3A_524, %mul3A_522 : i32
    "tpu.region"() ({
      %run_scoped3A = tpu.sem_alloc : memref<!tpu.dma_semaphore, #tpu.memory_space<semaphore_mem>>
      %dma_start3A_710 = arith.constant 0 : i32
      %dma_start3A_711 = tpu.memref_slice %arg9[%add3A_525, %dma_start3A_710] : memref<100000x32xf32, #tpu.memory_space<hbm>> -> memref<1560x32xf32, #tpu.memory_space<hbm>>
      %dma_start3A_712 = arith.constant 0 : i32
      %dma_start3A_713 = tpu.memref_slice %arg15[%mul3A_522, %dma_start3A_712] : memref<25088x32xf32, #tpu.memory_space<vmem_shared>> -> memref<1560x32xf32, #tpu.memory_space<vmem_shared>>
      tpu.enqueue_dma source(%dma_start3A_713 : memref<1560x32xf32, #tpu.memory_space<vmem_shared>>) target(%dma_start3A_711 : memref<1560x32xf32, #tpu.memory_space<hbm>>) target_semaphore(%run_scoped3A : memref<!tpu.dma_semaphore, #tpu.memory_space<semaphore_mem>>)
      %dma_wait3A_714 = arith.constant 0 : i32
      %dma_wait3A_715 = tpu.memref_slice %arg9[%add3A_525, %dma_wait3A_714] : memref<100000x32xf32, #tpu.memory_space<hbm>> -> memref<1560x32xf32, #tpu.memory_space<hbm>>
      %dma_wait3A_716 = arith.constant 0 : i32
      %dma_wait3A_717 = tpu.memref_slice %arg15[%mul3A_522, %dma_wait3A_716] : memref<25088x32xf32, #tpu.memory_space<vmem_shared>> -> memref<1560x32xf32, #tpu.memory_space<vmem_shared>>
      tpu.wait_dma2 semaphore(%run_scoped3A : memref<!tpu.dma_semaphore, #tpu.memory_space<semaphore_mem>>) src(%dma_wait3A_717 : memref<1560x32xf32, #tpu.memory_space<vmem_shared>>) dst(%dma_wait3A_715 : memref<1560x32xf32, #tpu.memory_space<hbm>>)
      tpu.yield
    }) : () -> ()
    %eq3A_526 = arith.constant 15 : i32
    %eq3A_527 = arith.cmpi eq, %arg1, %eq3A_526 : i32
    %convert_element_type3A_528 = arith.extui %eq3A_527 : i1 to i32
    %cond3A_529 = arith.constant 0 : i32
    %cond3A_530 = arith.cmpi ne, %convert_element_type3A_528, %cond3A_529 : i32
    scf.if %cond3A_530 {
      %mul3A_710 = arith.constant 25000 : i32
      %mul3A_711 = arith.muli %add3A_353, %mul3A_710 : i32
      %add3A_712 = arith.constant 24960 : i32
      %add3A_713 = arith.addi %mul3A_711, %add3A_712 : i32
      "tpu.region"() ({
        %run_scoped3A = tpu.sem_alloc : memref<!tpu.dma_semaphore, #tpu.memory_space<semaphore_mem>>
        %dma_start3A_714 = arith.constant 0 : i32
        %dma_start3A_715 = tpu.memref_slice %arg9[%add3A_713, %dma_start3A_714] : memref<100000x32xf32, #tpu.memory_space<hbm>> -> memref<40x32xf32, #tpu.memory_space<hbm>>
        %dma_start3A_716 = arith.constant 24960 : i32
        %dma_start3A_717 = arith.constant 0 : i32
        %dma_start3A_718 = tpu.memref_slice %arg15[%dma_start3A_716, %dma_start3A_717] : memref<25088x32xf32, #tpu.memory_space<vmem_shared>> -> memref<40x32xf32, #tpu.memory_space<vmem_shared>>
        tpu.enqueue_dma source(%dma_start3A_718 : memref<40x32xf32, #tpu.memory_space<vmem_shared>>) target(%dma_start3A_715 : memref<40x32xf32, #tpu.memory_space<hbm>>) target_semaphore(%run_scoped3A : memref<!tpu.dma_semaphore, #tpu.memory_space<semaphore_mem>>)
        %dma_wait3A_719 = arith.constant 0 : i32
        %dma_wait3A_720 = tpu.memref_slice %arg9[%add3A_713, %dma_wait3A_719] : memref<100000x32xf32, #tpu.memory_space<hbm>> -> memref<40x32xf32, #tpu.memory_space<hbm>>
        %dma_wait3A_721 = arith.constant 24960 : i32
        %dma_wait3A_722 = arith.constant 0 : i32
        %dma_wait3A_723 = tpu.memref_slice %arg15[%dma_wait3A_721, %dma_wait3A_722] : memref<25088x32xf32, #tpu.memory_space<vmem_shared>> -> memref<40x32xf32, #tpu.memory_space<vmem_shared>>
        tpu.wait_dma2 semaphore(%run_scoped3A : memref<!tpu.dma_semaphore, #tpu.memory_space<semaphore_mem>>) src(%dma_wait3A_723 : memref<40x32xf32, #tpu.memory_space<vmem_shared>>) dst(%dma_wait3A_720 : memref<40x32xf32, #tpu.memory_space<hbm>>)
        tpu.yield
      }) : () -> ()
    } else {
    }
    %barrier3A_531 = arith.constant 0 : index
    tpu.barrier barrier_id(%barrier3A_531)
    %mul3A_532 = arith.constant 1560 : i32
    %mul3A_533 = arith.muli %arg1, %mul3A_532 : i32
    %mul3A_534 = arith.constant 25000 : i32
    %mul3A_535 = arith.muli %add3A_353, %mul3A_534 : i32
    %add3A_536 = arith.addi %mul3A_535, %mul3A_533 : i32
    "tpu.region"() ({
      %run_scoped3A = tpu.sem_alloc : memref<!tpu.dma_semaphore, #tpu.memory_space<semaphore_mem>>
      %dma_start3A_710 = arith.constant 0 : i32
      %dma_start3A_711 = tpu.memref_slice %arg14[%mul3A_533, %dma_start3A_710] : memref<25000x32xf32, #tpu.memory_space<vmem_shared>> -> memref<1560x32xf32, #tpu.memory_space<vmem_shared>>
      %dma_start3A_712 = arith.constant 0 : i32
      %dma_start3A_713 = tpu.memref_slice %arg3[%add3A_536, %dma_start3A_712] : memref<100000x32xf32, #tpu.memory_space<hbm>> -> memref<1560x32xf32, #tpu.memory_space<hbm>>
      tpu.enqueue_dma source(%dma_start3A_713 : memref<1560x32xf32, #tpu.memory_space<hbm>>) target(%dma_start3A_711 : memref<1560x32xf32, #tpu.memory_space<vmem_shared>>) target_semaphore(%run_scoped3A : memref<!tpu.dma_semaphore, #tpu.memory_space<semaphore_mem>>)
      %dma_wait3A_714 = arith.constant 0 : i32
      %dma_wait3A_715 = tpu.memref_slice %arg14[%mul3A_533, %dma_wait3A_714] : memref<25000x32xf32, #tpu.memory_space<vmem_shared>> -> memref<1560x32xf32, #tpu.memory_space<vmem_shared>>
      %dma_wait3A_716 = arith.constant 0 : i32
      %dma_wait3A_717 = tpu.memref_slice %arg3[%add3A_536, %dma_wait3A_716] : memref<100000x32xf32, #tpu.memory_space<hbm>> -> memref<1560x32xf32, #tpu.memory_space<hbm>>
      tpu.wait_dma2 semaphore(%run_scoped3A : memref<!tpu.dma_semaphore, #tpu.memory_space<semaphore_mem>>) src(%dma_wait3A_717 : memref<1560x32xf32, #tpu.memory_space<hbm>>) dst(%dma_wait3A_715 : memref<1560x32xf32, #tpu.memory_space<vmem_shared>>)
      tpu.yield
    }) : () -> ()
    %eq3A_537 = arith.constant 15 : i32
    %eq3A_538 = arith.cmpi eq, %arg1, %eq3A_537 : i32
    %convert_element_type3A_539 = arith.extui %eq3A_538 : i1 to i32
    %cond3A_540 = arith.constant 0 : i32
    %cond3A_541 = arith.cmpi ne, %convert_element_type3A_539, %cond3A_540 : i32
    scf.if %cond3A_541 {
      %mul3A_710 = arith.constant 25000 : i32
      %mul3A_711 = arith.muli %add3A_353, %mul3A_710 : i32
      %add3A_712 = arith.constant 24960 : i32
      %add3A_713 = arith.addi %mul3A_711, %add3A_712 : i32
      "tpu.region"() ({
        %run_scoped3A = tpu.sem_alloc : memref<!tpu.dma_semaphore, #tpu.memory_space<semaphore_mem>>
        %dma_start3A_714 = arith.constant 24960 : i32
        %dma_start3A_715 = arith.constant 0 : i32
        %dma_start3A_716 = tpu.memref_slice %arg14[%dma_start3A_714, %dma_start3A_715] : memref<25000x32xf32, #tpu.memory_space<vmem_shared>> -> memref<40x32xf32, #tpu.memory_space<vmem_shared>>
        %dma_start3A_717 = arith.constant 0 : i32
        %dma_start3A_718 = tpu.memref_slice %arg3[%add3A_713, %dma_start3A_717] : memref<100000x32xf32, #tpu.memory_space<hbm>> -> memref<40x32xf32, #tpu.memory_space<hbm>>
        tpu.enqueue_dma source(%dma_start3A_718 : memref<40x32xf32, #tpu.memory_space<hbm>>) target(%dma_start3A_716 : memref<40x32xf32, #tpu.memory_space<vmem_shared>>) target_semaphore(%run_scoped3A : memref<!tpu.dma_semaphore, #tpu.memory_space<semaphore_mem>>)
        %dma_wait3A_719 = arith.constant 24960 : i32
        %dma_wait3A_720 = arith.constant 0 : i32
        %dma_wait3A_721 = tpu.memref_slice %arg14[%dma_wait3A_719, %dma_wait3A_720] : memref<25000x32xf32, #tpu.memory_space<vmem_shared>> -> memref<40x32xf32, #tpu.memory_space<vmem_shared>>
        %dma_wait3A_722 = arith.constant 0 : i32
        %dma_wait3A_723 = tpu.memref_slice %arg3[%add3A_713, %dma_wait3A_722] : memref<100000x32xf32, #tpu.memory_space<hbm>> -> memref<40x32xf32, #tpu.memory_space<hbm>>
        tpu.wait_dma2 semaphore(%run_scoped3A : memref<!tpu.dma_semaphore, #tpu.memory_space<semaphore_mem>>) src(%dma_wait3A_723 : memref<40x32xf32, #tpu.memory_space<hbm>>) dst(%dma_wait3A_721 : memref<40x32xf32, #tpu.memory_space<vmem_shared>>)
        tpu.yield
      }) : () -> ()
    } else {
    }
    %mul3A_542 = arith.constant 1568 : i32
    %mul3A_543 = arith.muli %arg1, %mul3A_542 : i32
    %mul3A_544 = arith.constant 1568 : i32
    %mul3A_545 = arith.muli %arg1, %mul3A_544 : i32
    "tpu.region"() ({
      %run_scoped3A = tpu.sem_alloc : memref<!tpu.dma_semaphore, #tpu.memory_space<semaphore_mem>>
      %dma_start3A_710 = arith.constant 0 : i32
      %dma_start3A_711 = tpu.memref_slice %arg15[%mul3A_545, %dma_start3A_710] : memref<25088x32xf32, #tpu.memory_space<vmem_shared>> -> memref<1568x32xf32, #tpu.memory_space<vmem_shared>>
      %dma_start3A_712 = arith.constant 0 : i32
      %dma_start3A_713 = tpu.memref_slice %arg8[%mul3A_543, %dma_start3A_712] : memref<25088x32xf32, #tpu.memory_space<hbm>> -> memref<1568x32xf32, #tpu.memory_space<hbm>>
      tpu.enqueue_dma source(%dma_start3A_713 : memref<1568x32xf32, #tpu.memory_space<hbm>>) target(%dma_start3A_711 : memref<1568x32xf32, #tpu.memory_space<vmem_shared>>) target_semaphore(%run_scoped3A : memref<!tpu.dma_semaphore, #tpu.memory_space<semaphore_mem>>)
      %dma_wait3A_714 = arith.constant 0 : i32
      %dma_wait3A_715 = tpu.memref_slice %arg15[%mul3A_545, %dma_wait3A_714] : memref<25088x32xf32, #tpu.memory_space<vmem_shared>> -> memref<1568x32xf32, #tpu.memory_space<vmem_shared>>
      %dma_wait3A_716 = arith.constant 0 : i32
      %dma_wait3A_717 = tpu.memref_slice %arg8[%mul3A_543, %dma_wait3A_716] : memref<25088x32xf32, #tpu.memory_space<hbm>> -> memref<1568x32xf32, #tpu.memory_space<hbm>>
      tpu.wait_dma2 semaphore(%run_scoped3A : memref<!tpu.dma_semaphore, #tpu.memory_space<semaphore_mem>>) src(%dma_wait3A_717 : memref<1568x32xf32, #tpu.memory_space<hbm>>) dst(%dma_wait3A_715 : memref<1568x32xf32, #tpu.memory_space<vmem_shared>>)
      tpu.yield
    }) : () -> ()
    %barrier3A_546 = arith.constant 0 : index
    tpu.barrier barrier_id(%barrier3A_546)
    %mul3A_547 = arith.constant 28 : i32
    %mul3A_548 = arith.muli %arg1, %mul3A_547 : i32
    %add3A_549 = arith.constant 0 : i32
    %add3A_550 = arith.addi %mul3A_548, %add3A_549 : i32
    %dma_start3A_551 = arith.constant 0 : i32
    %dma_start3A_552 = arith.constant 0 : i32
    %dma_start3A_553 = arith.constant 0 : i32
    %dma_start3A_554 = arith.constant 0 : i32
    %dma_start3A_555 = tpu.memref_slice %arg12[%dma_start3A_551, %dma_start3A_553, %dma_start3A_554] : memref<2x4x256xi32, #tpu.memory_space<vmem>> -> memref<1x4x256xi32, #tpu.memory_space<vmem>>
    %dma_start3A_556 = tpu.memref_squeeze %dma_start3A_555 : memref<1x4x256xi32, #tpu.memory_space<vmem>> -> memref<4x256xi32, #tpu.memory_space<vmem>>
    %dma_start3A_557 = arith.constant 0 : i32
    %dma_start3A_558 = tpu.memref_slice %arg7[%add3A_550, %dma_start3A_557] : memref<448x256xi32, #tpu.memory_space<hbm>> -> memref<4x256xi32, #tpu.memory_space<hbm>>
    %dma_start3A_559 = tpu.memref_slice %arg17[%dma_start3A_552] : memref<2x!tpu.dma_semaphore, #tpu.memory_space<semaphore_mem>> -> memref<1x!tpu.dma_semaphore, #tpu.memory_space<semaphore_mem>>
    %dma_start3A_560 = tpu.memref_squeeze %dma_start3A_559 : memref<1x!tpu.dma_semaphore, #tpu.memory_space<semaphore_mem>> -> memref<!tpu.dma_semaphore, #tpu.memory_space<semaphore_mem>>
    %dma_start3A_561 = arith.constant 0 : i32
    %dma_start3A_562 = arith.constant 0 : i32
    %dma_start3A_563 = tpu.memref_slice %arg12[%dma_start3A_551, %dma_start3A_561, %dma_start3A_562] : memref<2x4x256xi32, #tpu.memory_space<vmem>> -> memref<1x4x256xi32, #tpu.memory_space<vmem>>
    %dma_start3A_564 = tpu.memref_squeeze %dma_start3A_563 : memref<1x4x256xi32, #tpu.memory_space<vmem>> -> memref<4x256xi32, #tpu.memory_space<vmem>>
    %dma_start3A_565 = arith.constant 0 : i32
    %dma_start3A_566 = tpu.memref_slice %arg7[%add3A_550, %dma_start3A_565] : memref<448x256xi32, #tpu.memory_space<hbm>> -> memref<4x256xi32, #tpu.memory_space<hbm>>
    tpu.enqueue_dma source(%dma_start3A_566 : memref<4x256xi32, #tpu.memory_space<hbm>>) target(%dma_start3A_564 : memref<4x256xi32, #tpu.memory_space<vmem>>) target_semaphore(%dma_start3A_560 : memref<!tpu.dma_semaphore, #tpu.memory_space<semaphore_mem>>)
    %mul3A_567 = arith.constant 28 : i32
    %mul3A_568 = arith.muli %arg1, %mul3A_567 : i32
    %add3A_569 = arith.constant 0 : i32
    %add3A_570 = arith.addi %mul3A_568, %add3A_569 : i32
    %dma_start3A_571 = arith.constant 0 : i32
    %dma_start3A_572 = arith.constant 0 : i32
    %dma_start3A_573 = arith.constant 0 : i32
    %dma_start3A_574 = arith.constant 0 : i32
    %dma_start3A_575 = tpu.memref_slice %arg11[%dma_start3A_571, %dma_start3A_573, %dma_start3A_574] : memref<2x4x256xi32, #tpu.memory_space<vmem>> -> memref<1x4x256xi32, #tpu.memory_space<vmem>>
    %dma_start3A_576 = tpu.memref_squeeze %dma_start3A_575 : memref<1x4x256xi32, #tpu.memory_space<vmem>> -> memref<4x256xi32, #tpu.memory_space<vmem>>
    %dma_start3A_577 = arith.constant 0 : i32
    %dma_start3A_578 = tpu.memref_slice %arg6[%add3A_570, %dma_start3A_577] : memref<448x256xi32, #tpu.memory_space<hbm>> -> memref<4x256xi32, #tpu.memory_space<hbm>>
    %dma_start3A_579 = tpu.memref_slice %arg16[%dma_start3A_572] : memref<2x!tpu.dma_semaphore, #tpu.memory_space<semaphore_mem>> -> memref<1x!tpu.dma_semaphore, #tpu.memory_space<semaphore_mem>>
    %dma_start3A_580 = tpu.memref_squeeze %dma_start3A_579 : memref<1x!tpu.dma_semaphore, #tpu.memory_space<semaphore_mem>> -> memref<!tpu.dma_semaphore, #tpu.memory_space<semaphore_mem>>
    %dma_start3A_581 = arith.constant 0 : i32
    %dma_start3A_582 = arith.constant 0 : i32
    %dma_start3A_583 = tpu.memref_slice %arg11[%dma_start3A_571, %dma_start3A_581, %dma_start3A_582] : memref<2x4x256xi32, #tpu.memory_space<vmem>> -> memref<1x4x256xi32, #tpu.memory_space<vmem>>
    %dma_start3A_584 = tpu.memref_squeeze %dma_start3A_583 : memref<1x4x256xi32, #tpu.memory_space<vmem>> -> memref<4x256xi32, #tpu.memory_space<vmem>>
    %dma_start3A_585 = arith.constant 0 : i32
    %dma_start3A_586 = tpu.memref_slice %arg6[%add3A_570, %dma_start3A_585] : memref<448x256xi32, #tpu.memory_space<hbm>> -> memref<4x256xi32, #tpu.memory_space<hbm>>
    tpu.enqueue_dma source(%dma_start3A_586 : memref<4x256xi32, #tpu.memory_space<hbm>>) target(%dma_start3A_584 : memref<4x256xi32, #tpu.memory_space<vmem>>) target_semaphore(%dma_start3A_580 : memref<!tpu.dma_semaphore, #tpu.memory_space<semaphore_mem>>)
    %scan3A_587 = arith.constant 0 : i32
    %scan3A_588 = arith.constant 0 : i32
    %scan3A_589 = arith.constant 28 : i32
    %scan3A_590 = arith.addi %scan3A_588, %scan3A_589 : i32
    %scan3A_591 = arith.constant 1 : i32
    scf.for %scan3A_710 = %scan3A_588 to %scan3A_590 step %scan3A_591  : i32 {
      %jit3A = arith.constant 4 : i32
      %div3A = arith.divsi %scan3A_710, %jit3A : i32
      %sign3A = arith.constant 0 : i32
      %sign3A_711 = arith.cmpi sgt, %scan3A_710, %sign3A : i32
      %sign3A_712 = arith.extui %sign3A_711 : i1 to i32
      %sign3A_713 = arith.constant 0 : i32
      %sign3A_714 = arith.cmpi slt, %scan3A_710, %sign3A_713 : i32
      %sign3A_715 = arith.extui %sign3A_714 : i1 to i32
      %sign3A_716 = arith.subi %sign3A_712, %sign3A_715 : i32
      %sign3A_717 = arith.constant 0 : i32
      %sign3A_718 = arith.cmpi sgt, %jit3A, %sign3A_717 : i32
      %sign3A_719 = arith.extui %sign3A_718 : i1 to i32
      %sign3A_720 = arith.constant 0 : i32
      %sign3A_721 = arith.cmpi slt, %jit3A, %sign3A_720 : i32
      %sign3A_722 = arith.extui %sign3A_721 : i1 to i32
      %sign3A_723 = arith.subi %sign3A_719, %sign3A_722 : i32
      %ne3A = arith.cmpi ne, %sign3A_716, %sign3A_723 : i32
      %rem3A_724 = arith.remsi %scan3A_710, %jit3A : i32
      %ne3A_725 = arith.constant 0 : i32
      %ne3A_726 = arith.cmpi ne, %rem3A_724, %ne3A_725 : i32
      %and3A = arith.andi %ne3A, %ne3A_726 : i1
      %sub3A = arith.constant 1 : i32
      %sub3A_727 = arith.subi %div3A, %sub3A : i32
      %select_n3A = arith.select %and3A, %sub3A_727, %div3A : i32
      %rem3A_728 = arith.constant 4 : i32
      %rem3A_729 = arith.remsi %scan3A_710, %rem3A_728 : i32
      %eq3A_730 = arith.constant 0 : i32
      %eq3A_731 = arith.cmpi eq, %rem3A_729, %eq3A_730 : i32
      %convert_element_type3A_732 = arith.extui %eq3A_731 : i1 to i32
      %cond3A_733 = arith.constant 0 : i32
      %cond3A_734 = arith.cmpi ne, %convert_element_type3A_732, %cond3A_733 : i32
      scf.if %cond3A_734 {
        %rem3A_799 = arith.constant 2 : i32
        %rem3A_800 = arith.remsi %select_n3A, %rem3A_799 : i32
        %mul3A_801 = arith.constant 28 : i32
        %mul3A_802 = arith.muli %arg1, %mul3A_801 : i32
        %mul3A_803 = arith.constant 4 : i32
        %mul3A_804 = arith.muli %select_n3A, %mul3A_803 : i32
        %add3A_805 = arith.addi %mul3A_802, %mul3A_804 : i32
        %dma_wait3A_806 = arith.constant 0 : i32
        %dma_wait3A_807 = arith.constant 0 : i32
        %dma_wait3A_808 = tpu.memref_slice %arg11[%rem3A_800, %dma_wait3A_806, %dma_wait3A_807] : memref<2x4x256xi32, #tpu.memory_space<vmem>> -> memref<1x4x256xi32, #tpu.memory_space<vmem>>
        %dma_wait3A_809 = tpu.memref_squeeze %dma_wait3A_808 : memref<1x4x256xi32, #tpu.memory_space<vmem>> -> memref<4x256xi32, #tpu.memory_space<vmem>>
        %dma_wait3A_810 = arith.constant 0 : i32
        %dma_wait3A_811 = tpu.memref_slice %arg6[%add3A_805, %dma_wait3A_810] : memref<448x256xi32, #tpu.memory_space<hbm>> -> memref<4x256xi32, #tpu.memory_space<hbm>>
        %dma_wait3A_812 = tpu.memref_slice %arg16[%rem3A_800] : memref<2x!tpu.dma_semaphore, #tpu.memory_space<semaphore_mem>> -> memref<1x!tpu.dma_semaphore, #tpu.memory_space<semaphore_mem>>
        %dma_wait3A_813 = tpu.memref_squeeze %dma_wait3A_812 : memref<1x!tpu.dma_semaphore, #tpu.memory_space<semaphore_mem>> -> memref<!tpu.dma_semaphore, #tpu.memory_space<semaphore_mem>>
        %dma_wait3A_814 = arith.constant 0 : i32
        %dma_wait3A_815 = arith.constant 0 : i32
        %dma_wait3A_816 = tpu.memref_slice %arg11[%rem3A_800, %dma_wait3A_814, %dma_wait3A_815] : memref<2x4x256xi32, #tpu.memory_space<vmem>> -> memref<1x4x256xi32, #tpu.memory_space<vmem>>
        %dma_wait3A_817 = tpu.memref_squeeze %dma_wait3A_816 : memref<1x4x256xi32, #tpu.memory_space<vmem>> -> memref<4x256xi32, #tpu.memory_space<vmem>>
        %dma_wait3A_818 = arith.constant 0 : i32
        %dma_wait3A_819 = tpu.memref_slice %arg6[%add3A_805, %dma_wait3A_818] : memref<448x256xi32, #tpu.memory_space<hbm>> -> memref<4x256xi32, #tpu.memory_space<hbm>>
        tpu.wait_dma2 semaphore(%dma_wait3A_813 : memref<!tpu.dma_semaphore, #tpu.memory_space<semaphore_mem>>) src(%dma_wait3A_819 : memref<4x256xi32, #tpu.memory_space<hbm>>) dst(%dma_wait3A_817 : memref<4x256xi32, #tpu.memory_space<vmem>>)
        %mul3A_820 = arith.constant 28 : i32
        %mul3A_821 = arith.muli %arg1, %mul3A_820 : i32
        %mul3A_822 = arith.constant 4 : i32
        %mul3A_823 = arith.muli %select_n3A, %mul3A_822 : i32
        %add3A_824 = arith.addi %mul3A_821, %mul3A_823 : i32
        %dma_wait3A_825 = arith.constant 0 : i32
        %dma_wait3A_826 = arith.constant 0 : i32
        %dma_wait3A_827 = tpu.memref_slice %arg12[%rem3A_800, %dma_wait3A_825, %dma_wait3A_826] : memref<2x4x256xi32, #tpu.memory_space<vmem>> -> memref<1x4x256xi32, #tpu.memory_space<vmem>>
        %dma_wait3A_828 = tpu.memref_squeeze %dma_wait3A_827 : memref<1x4x256xi32, #tpu.memory_space<vmem>> -> memref<4x256xi32, #tpu.memory_space<vmem>>
        %dma_wait3A_829 = arith.constant 0 : i32
        %dma_wait3A_830 = tpu.memref_slice %arg7[%add3A_824, %dma_wait3A_829] : memref<448x256xi32, #tpu.memory_space<hbm>> -> memref<4x256xi32, #tpu.memory_space<hbm>>
        %dma_wait3A_831 = tpu.memref_slice %arg17[%rem3A_800] : memref<2x!tpu.dma_semaphore, #tpu.memory_space<semaphore_mem>> -> memref<1x!tpu.dma_semaphore, #tpu.memory_space<semaphore_mem>>
        %dma_wait3A_832 = tpu.memref_squeeze %dma_wait3A_831 : memref<1x!tpu.dma_semaphore, #tpu.memory_space<semaphore_mem>> -> memref<!tpu.dma_semaphore, #tpu.memory_space<semaphore_mem>>
        %dma_wait3A_833 = arith.constant 0 : i32
        %dma_wait3A_834 = arith.constant 0 : i32
        %dma_wait3A_835 = tpu.memref_slice %arg12[%rem3A_800, %dma_wait3A_833, %dma_wait3A_834] : memref<2x4x256xi32, #tpu.memory_space<vmem>> -> memref<1x4x256xi32, #tpu.memory_space<vmem>>
        %dma_wait3A_836 = tpu.memref_squeeze %dma_wait3A_835 : memref<1x4x256xi32, #tpu.memory_space<vmem>> -> memref<4x256xi32, #tpu.memory_space<vmem>>
        %dma_wait3A_837 = arith.constant 0 : i32
        %dma_wait3A_838 = tpu.memref_slice %arg7[%add3A_824, %dma_wait3A_837] : memref<448x256xi32, #tpu.memory_space<hbm>> -> memref<4x256xi32, #tpu.memory_space<hbm>>
        tpu.wait_dma2 semaphore(%dma_wait3A_832 : memref<!tpu.dma_semaphore, #tpu.memory_space<semaphore_mem>>) src(%dma_wait3A_838 : memref<4x256xi32, #tpu.memory_space<hbm>>) dst(%dma_wait3A_836 : memref<4x256xi32, #tpu.memory_space<vmem>>)
      } else {
      }
      %ge3A = arith.constant 3 : i32
      %ge3A_735 = arith.cmpi sge, %scan3A_710, %ge3A : i32
      %convert_element_type3A_736 = arith.extui %ge3A_735 : i1 to i32
      %cond3A_737 = arith.constant 0 : i32
      %cond3A_738 = arith.cmpi ne, %convert_element_type3A_736, %cond3A_737 : i32
      scf.if %cond3A_738 {
        %sub3A_799 = arith.constant 3 : i32
        %sub3A_800 = arith.subi %scan3A_710, %sub3A_799 : i32
        %jit3A_801 = arith.constant 4 : i32
        %div3A_802 = arith.divsi %sub3A_800, %jit3A_801 : i32
        %sign3A_803 = arith.constant 0 : i32
        %sign3A_804 = arith.cmpi sgt, %sub3A_800, %sign3A_803 : i32
        %sign3A_805 = arith.extui %sign3A_804 : i1 to i32
        %sign3A_806 = arith.constant 0 : i32
        %sign3A_807 = arith.cmpi slt, %sub3A_800, %sign3A_806 : i32
        %sign3A_808 = arith.extui %sign3A_807 : i1 to i32
        %sign3A_809 = arith.subi %sign3A_805, %sign3A_808 : i32
        %sign3A_810 = arith.constant 0 : i32
        %sign3A_811 = arith.cmpi sgt, %jit3A_801, %sign3A_810 : i32
        %sign3A_812 = arith.extui %sign3A_811 : i1 to i32
        %sign3A_813 = arith.constant 0 : i32
        %sign3A_814 = arith.cmpi slt, %jit3A_801, %sign3A_813 : i32
        %sign3A_815 = arith.extui %sign3A_814 : i1 to i32
        %sign3A_816 = arith.subi %sign3A_812, %sign3A_815 : i32
        %ne3A_817 = arith.cmpi ne, %sign3A_809, %sign3A_816 : i32
        %rem3A_818 = arith.remsi %sub3A_800, %jit3A_801 : i32
        %ne3A_819 = arith.constant 0 : i32
        %ne3A_820 = arith.cmpi ne, %rem3A_818, %ne3A_819 : i32
        %and3A_821 = arith.andi %ne3A_817, %ne3A_820 : i1
        %sub3A_822 = arith.constant 1 : i32
        %sub3A_823 = arith.subi %div3A_802, %sub3A_822 : i32
        %select_n3A_824 = arith.select %and3A_821, %sub3A_823, %div3A_802 : i32
        %rem3A_825 = arith.constant 2 : i32
        %rem3A_826 = arith.remsi %select_n3A_824, %rem3A_825 : i32
        %rem3A_827 = arith.constant 4 : i32
        %rem3A_828 = arith.remsi %sub3A_800, %rem3A_827 : i32
        %rem3A_829 = arith.constant 3 : i32
        %rem3A_830 = arith.remsi %sub3A_800, %rem3A_829 : i32
        %dma_wait3A_831 = arith.constant 0 : i32
        %dma_wait3A_832 = arith.constant 0 : i32
        %dma_wait3A_833 = tpu.memref_slice %arg13[%rem3A_830, %dma_wait3A_831, %dma_wait3A_832] : memref<3x256x32xf32, #tpu.memory_space<vmem>> -> memref<1x256x32xf32, #tpu.memory_space<vmem>>
        %dma_wait3A_834 = tpu.memref_squeeze %dma_wait3A_833 : memref<1x256x32xf32, #tpu.memory_space<vmem>> -> memref<256x32xf32, #tpu.memory_space<vmem>>
        %dma_wait3A_835 = arith.constant 0 : i32
        %dma_wait3A_836 = tpu.memref_slice %arg12[%rem3A_826, %rem3A_828, %dma_wait3A_835] : memref<2x4x256xi32, #tpu.memory_space<vmem>> -> memref<1x1x256xi32, #tpu.memory_space<vmem>>
        %dma_wait3A_837 = tpu.memref_squeeze %dma_wait3A_836 : memref<1x1x256xi32, #tpu.memory_space<vmem>> -> memref<256xi32, #tpu.memory_space<vmem>>
        %dma_wait3A_838 = arith.constant 0 : i32
        %dma_wait3A_839 = arith.constant 0 : i32
        %dma_wait3A_840 = tpu.memref_slice %arg15[%dma_wait3A_838, %dma_wait3A_839] : memref<25088x32xf32, #tpu.memory_space<vmem_shared>> -> memref<25088x32xf32, #tpu.memory_space<vmem_shared>>
        %dma_wait3A_841 = tpu.memref_slice %arg19[%rem3A_830] : memref<3x!tpu.dma_semaphore, #tpu.memory_space<semaphore_mem>> -> memref<1x!tpu.dma_semaphore, #tpu.memory_space<semaphore_mem>>
        %dma_wait3A_842 = tpu.memref_squeeze %dma_wait3A_841 : memref<1x!tpu.dma_semaphore, #tpu.memory_space<semaphore_mem>> -> memref<!tpu.dma_semaphore, #tpu.memory_space<semaphore_mem>>
        tpu.wait_indirect_dma semaphore(%dma_wait3A_842 : memref<!tpu.dma_semaphore, #tpu.memory_space<semaphore_mem>>) src(%dma_wait3A_834 : memref<256x32xf32, #tpu.memory_space<vmem>>) dst(%dma_wait3A_840 : memref<25088x32xf32, #tpu.memory_space<vmem_shared>>)
      } else {
      }
      %jit3A_739 = arith.constant 4 : i32
      %div3A_740 = arith.divsi %scan3A_710, %jit3A_739 : i32
      %sign3A_741 = arith.constant 0 : i32
      %sign3A_742 = arith.cmpi sgt, %scan3A_710, %sign3A_741 : i32
      %sign3A_743 = arith.extui %sign3A_742 : i1 to i32
      %sign3A_744 = arith.constant 0 : i32
      %sign3A_745 = arith.cmpi slt, %scan3A_710, %sign3A_744 : i32
      %sign3A_746 = arith.extui %sign3A_745 : i1 to i32
      %sign3A_747 = arith.subi %sign3A_743, %sign3A_746 : i32
      %sign3A_748 = arith.constant 0 : i32
      %sign3A_749 = arith.cmpi sgt, %jit3A_739, %sign3A_748 : i32
      %sign3A_750 = arith.extui %sign3A_749 : i1 to i32
      %sign3A_751 = arith.constant 0 : i32
      %sign3A_752 = arith.cmpi slt, %jit3A_739, %sign3A_751 : i32
      %sign3A_753 = arith.extui %sign3A_752 : i1 to i32
      %sign3A_754 = arith.subi %sign3A_750, %sign3A_753 : i32
      %ne3A_755 = arith.cmpi ne, %sign3A_747, %sign3A_754 : i32
      %rem3A_756 = arith.remsi %scan3A_710, %jit3A_739 : i32
      %ne3A_757 = arith.constant 0 : i32
      %ne3A_758 = arith.cmpi ne, %rem3A_756, %ne3A_757 : i32
      %and3A_759 = arith.andi %ne3A_755, %ne3A_758 : i1
      %sub3A_760 = arith.constant 1 : i32
      %sub3A_761 = arith.subi %div3A_740, %sub3A_760 : i32
      %select_n3A_762 = arith.select %and3A_759, %sub3A_761, %div3A_740 : i32
      %rem3A_763 = arith.constant 2 : i32
      %rem3A_764 = arith.remsi %select_n3A_762, %rem3A_763 : i32
      %rem3A_765 = arith.constant 4 : i32
      %rem3A_766 = arith.remsi %scan3A_710, %rem3A_765 : i32
      %rem3A_767 = arith.constant 3 : i32
      %rem3A_768 = arith.remsi %scan3A_710, %rem3A_767 : i32
      %dma_start3A_769 = arith.constant 0 : i32
      %dma_start3A_770 = arith.constant 0 : i32
      %dma_start3A_771 = tpu.memref_slice %arg13[%rem3A_768, %dma_start3A_769, %dma_start3A_770] : memref<3x256x32xf32, #tpu.memory_space<vmem>> -> memref<1x256x32xf32, #tpu.memory_space<vmem>>
      %dma_start3A_772 = tpu.memref_squeeze %dma_start3A_771 : memref<1x256x32xf32, #tpu.memory_space<vmem>> -> memref<256x32xf32, #tpu.memory_space<vmem>>
      %dma_start3A_773 = arith.constant 0 : i32
      %dma_start3A_774 = tpu.memref_slice %arg11[%rem3A_764, %rem3A_766, %dma_start3A_773] : memref<2x4x256xi32, #tpu.memory_space<vmem>> -> memref<1x1x256xi32, #tpu.memory_space<vmem>>
      %dma_start3A_775 = tpu.memref_squeeze %dma_start3A_774 : memref<1x1x256xi32, #tpu.memory_space<vmem>> -> memref<256xi32, #tpu.memory_space<vmem>>
      %dma_start3A_776 = arith.constant 0 : i32
      %dma_start3A_777 = arith.constant 0 : i32
      %dma_start3A_778 = tpu.memref_slice %arg14[%dma_start3A_776, %dma_start3A_777] : memref<25000x32xf32, #tpu.memory_space<vmem_shared>> -> memref<25000x32xf32, #tpu.memory_space<vmem_shared>>
      %dma_start3A_779 = tpu.memref_slice %arg18[%rem3A_768] : memref<3x!tpu.dma_semaphore, #tpu.memory_space<semaphore_mem>> -> memref<1x!tpu.dma_semaphore, #tpu.memory_space<semaphore_mem>>
      %dma_start3A_780 = tpu.memref_squeeze %dma_start3A_779 : memref<1x!tpu.dma_semaphore, #tpu.memory_space<semaphore_mem>> -> memref<!tpu.dma_semaphore, #tpu.memory_space<semaphore_mem>>
      tpu.enqueue_indirect_dma source(%dma_start3A_778 : memref<25000x32xf32, #tpu.memory_space<vmem_shared>>) target(%dma_start3A_772 : memref<256x32xf32, #tpu.memory_space<vmem>>) offsets(%dma_start3A_775 : memref<256xi32, #tpu.memory_space<vmem>>) semaphore(%dma_start3A_780 : memref<!tpu.dma_semaphore, #tpu.memory_space<semaphore_mem>>)
      %eq3A_781 = arith.constant 2 : i32
      %eq3A_782 = arith.cmpi eq, %rem3A_729, %eq3A_781 : i32
      %add3A_783 = arith.constant 4 : i32
      %add3A_784 = arith.addi %scan3A_710, %add3A_783 : i32
      %sub3A_785 = arith.constant 3 : i32
      %sub3A_786 = arith.subi %add3A_784, %sub3A_785 : i32
      %add3A_787 = arith.constant 1 : i32
      %add3A_788 = arith.addi %sub3A_786, %add3A_787 : i32
      %lt3A = arith.constant 28 : i32
      %lt3A_789 = arith.cmpi slt, %add3A_788, %lt3A : i32
      %and3A_790 = arith.andi %eq3A_782, %lt3A_789 : i1
      %convert_element_type3A_791 = arith.extui %and3A_790 : i1 to i32
      %cond3A_792 = arith.constant 0 : i32
      %cond3A_793 = arith.cmpi ne, %convert_element_type3A_791, %cond3A_792 : i32
      scf.if %cond3A_793 {
        %add3A_799 = arith.constant 1 : i32
        %add3A_800 = arith.addi %select_n3A, %add3A_799 : i32
        %add3A_801 = arith.constant 1 : i32
        %add3A_802 = arith.addi %select_n3A, %add3A_801 : i32
        %rem3A_803 = arith.constant 2 : i32
        %rem3A_804 = arith.remsi %add3A_802, %rem3A_803 : i32
        %mul3A_805 = arith.constant 28 : i32
        %mul3A_806 = arith.muli %arg1, %mul3A_805 : i32
        %mul3A_807 = arith.constant 4 : i32
        %mul3A_808 = arith.muli %add3A_800, %mul3A_807 : i32
        %add3A_809 = arith.addi %mul3A_806, %mul3A_808 : i32
        %dma_start3A_810 = arith.constant 0 : i32
        %dma_start3A_811 = arith.constant 0 : i32
        %dma_start3A_812 = tpu.memref_slice %arg12[%rem3A_804, %dma_start3A_810, %dma_start3A_811] : memref<2x4x256xi32, #tpu.memory_space<vmem>> -> memref<1x4x256xi32, #tpu.memory_space<vmem>>
        %dma_start3A_813 = tpu.memref_squeeze %dma_start3A_812 : memref<1x4x256xi32, #tpu.memory_space<vmem>> -> memref<4x256xi32, #tpu.memory_space<vmem>>
        %dma_start3A_814 = arith.constant 0 : i32
        %dma_start3A_815 = tpu.memref_slice %arg7[%add3A_809, %dma_start3A_814] : memref<448x256xi32, #tpu.memory_space<hbm>> -> memref<4x256xi32, #tpu.memory_space<hbm>>
        %dma_start3A_816 = tpu.memref_slice %arg17[%rem3A_804] : memref<2x!tpu.dma_semaphore, #tpu.memory_space<semaphore_mem>> -> memref<1x!tpu.dma_semaphore, #tpu.memory_space<semaphore_mem>>
        %dma_start3A_817 = tpu.memref_squeeze %dma_start3A_816 : memref<1x!tpu.dma_semaphore, #tpu.memory_space<semaphore_mem>> -> memref<!tpu.dma_semaphore, #tpu.memory_space<semaphore_mem>>
        %dma_start3A_818 = arith.constant 0 : i32
        %dma_start3A_819 = arith.constant 0 : i32
        %dma_start3A_820 = tpu.memref_slice %arg12[%rem3A_804, %dma_start3A_818, %dma_start3A_819] : memref<2x4x256xi32, #tpu.memory_space<vmem>> -> memref<1x4x256xi32, #tpu.memory_space<vmem>>
        %dma_start3A_821 = tpu.memref_squeeze %dma_start3A_820 : memref<1x4x256xi32, #tpu.memory_space<vmem>> -> memref<4x256xi32, #tpu.memory_space<vmem>>
        %dma_start3A_822 = arith.constant 0 : i32
        %dma_start3A_823 = tpu.memref_slice %arg7[%add3A_809, %dma_start3A_822] : memref<448x256xi32, #tpu.memory_space<hbm>> -> memref<4x256xi32, #tpu.memory_space<hbm>>
        tpu.enqueue_dma source(%dma_start3A_823 : memref<4x256xi32, #tpu.memory_space<hbm>>) target(%dma_start3A_821 : memref<4x256xi32, #tpu.memory_space<vmem>>) target_semaphore(%dma_start3A_817 : memref<!tpu.dma_semaphore, #tpu.memory_space<semaphore_mem>>)
        %mul3A_824 = arith.constant 28 : i32
        %mul3A_825 = arith.muli %arg1, %mul3A_824 : i32
        %mul3A_826 = arith.constant 4 : i32
        %mul3A_827 = arith.muli %add3A_800, %mul3A_826 : i32
        %add3A_828 = arith.addi %mul3A_825, %mul3A_827 : i32
        %dma_start3A_829 = arith.constant 0 : i32
        %dma_start3A_830 = arith.constant 0 : i32
        %dma_start3A_831 = tpu.memref_slice %arg11[%rem3A_804, %dma_start3A_829, %dma_start3A_830] : memref<2x4x256xi32, #tpu.memory_space<vmem>> -> memref<1x4x256xi32, #tpu.memory_space<vmem>>
        %dma_start3A_832 = tpu.memref_squeeze %dma_start3A_831 : memref<1x4x256xi32, #tpu.memory_space<vmem>> -> memref<4x256xi32, #tpu.memory_space<vmem>>
        %dma_start3A_833 = arith.constant 0 : i32
        %dma_start3A_834 = tpu.memref_slice %arg6[%add3A_828, %dma_start3A_833] : memref<448x256xi32, #tpu.memory_space<hbm>> -> memref<4x256xi32, #tpu.memory_space<hbm>>
        %dma_start3A_835 = tpu.memref_slice %arg16[%rem3A_804] : memref<2x!tpu.dma_semaphore, #tpu.memory_space<semaphore_mem>> -> memref<1x!tpu.dma_semaphore, #tpu.memory_space<semaphore_mem>>
        %dma_start3A_836 = tpu.memref_squeeze %dma_start3A_835 : memref<1x!tpu.dma_semaphore, #tpu.memory_space<semaphore_mem>> -> memref<!tpu.dma_semaphore, #tpu.memory_space<semaphore_mem>>
        %dma_start3A_837 = arith.constant 0 : i32
        %dma_start3A_838 = arith.constant 0 : i32
        %dma_start3A_839 = tpu.memref_slice %arg11[%rem3A_804, %dma_start3A_837, %dma_start3A_838] : memref<2x4x256xi32, #tpu.memory_space<vmem>> -> memref<1x4x256xi32, #tpu.memory_space<vmem>>
        %dma_start3A_840 = tpu.memref_squeeze %dma_start3A_839 : memref<1x4x256xi32, #tpu.memory_space<vmem>> -> memref<4x256xi32, #tpu.memory_space<vmem>>
        %dma_start3A_841 = arith.constant 0 : i32
        %dma_start3A_842 = tpu.memref_slice %arg6[%add3A_828, %dma_start3A_841] : memref<448x256xi32, #tpu.memory_space<hbm>> -> memref<4x256xi32, #tpu.memory_space<hbm>>
        tpu.enqueue_dma source(%dma_start3A_842 : memref<4x256xi32, #tpu.memory_space<hbm>>) target(%dma_start3A_840 : memref<4x256xi32, #tpu.memory_space<vmem>>) target_semaphore(%dma_start3A_836 : memref<!tpu.dma_semaphore, #tpu.memory_space<semaphore_mem>>)
      } else {
      }
      %ge3A_794 = arith.constant 1 : i32
      %ge3A_795 = arith.cmpi sge, %scan3A_710, %ge3A_794 : i32
      %convert_element_type3A_796 = arith.extui %ge3A_795 : i1 to i32
      %cond3A_797 = arith.constant 0 : i32
      %cond3A_798 = arith.cmpi ne, %convert_element_type3A_796, %cond3A_797 : i32
      scf.if %cond3A_798 {
        %sub3A_799 = arith.constant 1 : i32
        %sub3A_800 = arith.subi %scan3A_710, %sub3A_799 : i32
        %jit3A_801 = arith.constant 4 : i32
        %div3A_802 = arith.divsi %sub3A_800, %jit3A_801 : i32
        %sign3A_803 = arith.constant 0 : i32
        %sign3A_804 = arith.cmpi sgt, %sub3A_800, %sign3A_803 : i32
        %sign3A_805 = arith.extui %sign3A_804 : i1 to i32
        %sign3A_806 = arith.constant 0 : i32
        %sign3A_807 = arith.cmpi slt, %sub3A_800, %sign3A_806 : i32
        %sign3A_808 = arith.extui %sign3A_807 : i1 to i32
        %sign3A_809 = arith.subi %sign3A_805, %sign3A_808 : i32
        %sign3A_810 = arith.constant 0 : i32
        %sign3A_811 = arith.cmpi sgt, %jit3A_801, %sign3A_810 : i32
        %sign3A_812 = arith.extui %sign3A_811 : i1 to i32
        %sign3A_813 = arith.constant 0 : i32
        %sign3A_814 = arith.cmpi slt, %jit3A_801, %sign3A_813 : i32
        %sign3A_815 = arith.extui %sign3A_814 : i1 to i32
        %sign3A_816 = arith.subi %sign3A_812, %sign3A_815 : i32
        %ne3A_817 = arith.cmpi ne, %sign3A_809, %sign3A_816 : i32
        %rem3A_818 = arith.remsi %sub3A_800, %jit3A_801 : i32
        %ne3A_819 = arith.constant 0 : i32
        %ne3A_820 = arith.cmpi ne, %rem3A_818, %ne3A_819 : i32
        %and3A_821 = arith.andi %ne3A_817, %ne3A_820 : i1
        %sub3A_822 = arith.constant 1 : i32
        %sub3A_823 = arith.subi %div3A_802, %sub3A_822 : i32
        %select_n3A_824 = arith.select %and3A_821, %sub3A_823, %div3A_802 : i32
        %rem3A_825 = arith.constant 2 : i32
        %rem3A_826 = arith.remsi %select_n3A_824, %rem3A_825 : i32
        %rem3A_827 = arith.constant 4 : i32
        %rem3A_828 = arith.remsi %sub3A_800, %rem3A_827 : i32
        %rem3A_829 = arith.constant 3 : i32
        %rem3A_830 = arith.remsi %sub3A_800, %rem3A_829 : i32
        %dma_wait3A_831 = arith.constant 0 : i32
        %dma_wait3A_832 = arith.constant 0 : i32
        %dma_wait3A_833 = tpu.memref_slice %arg13[%rem3A_830, %dma_wait3A_831, %dma_wait3A_832] : memref<3x256x32xf32, #tpu.memory_space<vmem>> -> memref<1x256x32xf32, #tpu.memory_space<vmem>>
        %dma_wait3A_834 = tpu.memref_squeeze %dma_wait3A_833 : memref<1x256x32xf32, #tpu.memory_space<vmem>> -> memref<256x32xf32, #tpu.memory_space<vmem>>
        %dma_wait3A_835 = arith.constant 0 : i32
        %dma_wait3A_836 = tpu.memref_slice %arg11[%rem3A_826, %rem3A_828, %dma_wait3A_835] : memref<2x4x256xi32, #tpu.memory_space<vmem>> -> memref<1x1x256xi32, #tpu.memory_space<vmem>>
        %dma_wait3A_837 = tpu.memref_squeeze %dma_wait3A_836 : memref<1x1x256xi32, #tpu.memory_space<vmem>> -> memref<256xi32, #tpu.memory_space<vmem>>
        %dma_wait3A_838 = arith.constant 0 : i32
        %dma_wait3A_839 = arith.constant 0 : i32
        %dma_wait3A_840 = tpu.memref_slice %arg14[%dma_wait3A_838, %dma_wait3A_839] : memref<25000x32xf32, #tpu.memory_space<vmem_shared>> -> memref<25000x32xf32, #tpu.memory_space<vmem_shared>>
        %dma_wait3A_841 = tpu.memref_slice %arg18[%rem3A_830] : memref<3x!tpu.dma_semaphore, #tpu.memory_space<semaphore_mem>> -> memref<1x!tpu.dma_semaphore, #tpu.memory_space<semaphore_mem>>
        %dma_wait3A_842 = tpu.memref_squeeze %dma_wait3A_841 : memref<1x!tpu.dma_semaphore, #tpu.memory_space<semaphore_mem>> -> memref<!tpu.dma_semaphore, #tpu.memory_space<semaphore_mem>>
        tpu.wait_indirect_dma semaphore(%dma_wait3A_842 : memref<!tpu.dma_semaphore, #tpu.memory_space<semaphore_mem>>) src(%dma_wait3A_840 : memref<25000x32xf32, #tpu.memory_space<vmem_shared>>) dst(%dma_wait3A_834 : memref<256x32xf32, #tpu.memory_space<vmem>>)
        %sub3A_843 = arith.constant 1 : i32
        %sub3A_844 = arith.subi %scan3A_710, %sub3A_843 : i32
        %jit3A_845 = arith.constant 4 : i32
        %div3A_846 = arith.divsi %sub3A_844, %jit3A_845 : i32
        %sign3A_847 = arith.constant 0 : i32
        %sign3A_848 = arith.cmpi sgt, %sub3A_844, %sign3A_847 : i32
        %sign3A_849 = arith.extui %sign3A_848 : i1 to i32
        %sign3A_850 = arith.constant 0 : i32
        %sign3A_851 = arith.cmpi slt, %sub3A_844, %sign3A_850 : i32
        %sign3A_852 = arith.extui %sign3A_851 : i1 to i32
        %sign3A_853 = arith.subi %sign3A_849, %sign3A_852 : i32
        %sign3A_854 = arith.constant 0 : i32
        %sign3A_855 = arith.cmpi sgt, %jit3A_845, %sign3A_854 : i32
        %sign3A_856 = arith.extui %sign3A_855 : i1 to i32
        %sign3A_857 = arith.constant 0 : i32
        %sign3A_858 = arith.cmpi slt, %jit3A_845, %sign3A_857 : i32
        %sign3A_859 = arith.extui %sign3A_858 : i1 to i32
        %sign3A_860 = arith.subi %sign3A_856, %sign3A_859 : i32
        %ne3A_861 = arith.cmpi ne, %sign3A_853, %sign3A_860 : i32
        %rem3A_862 = arith.remsi %sub3A_844, %jit3A_845 : i32
        %ne3A_863 = arith.constant 0 : i32
        %ne3A_864 = arith.cmpi ne, %rem3A_862, %ne3A_863 : i32
        %and3A_865 = arith.andi %ne3A_861, %ne3A_864 : i1
        %sub3A_866 = arith.constant 1 : i32
        %sub3A_867 = arith.subi %div3A_846, %sub3A_866 : i32
        %select_n3A_868 = arith.select %and3A_865, %sub3A_867, %div3A_846 : i32
        %rem3A_869 = arith.constant 2 : i32
        %rem3A_870 = arith.remsi %select_n3A_868, %rem3A_869 : i32
        %rem3A_871 = arith.constant 4 : i32
        %rem3A_872 = arith.remsi %sub3A_844, %rem3A_871 : i32
        %rem3A_873 = arith.constant 3 : i32
        %rem3A_874 = arith.remsi %sub3A_844, %rem3A_873 : i32
        %dma_start3A_875 = arith.constant 0 : i32
        %dma_start3A_876 = arith.constant 0 : i32
        %dma_start3A_877 = tpu.memref_slice %arg13[%rem3A_874, %dma_start3A_875, %dma_start3A_876] : memref<3x256x32xf32, #tpu.memory_space<vmem>> -> memref<1x256x32xf32, #tpu.memory_space<vmem>>
        %dma_start3A_878 = tpu.memref_squeeze %dma_start3A_877 : memref<1x256x32xf32, #tpu.memory_space<vmem>> -> memref<256x32xf32, #tpu.memory_space<vmem>>
        %dma_start3A_879 = arith.constant 0 : i32
        %dma_start3A_880 = tpu.memref_slice %arg12[%rem3A_870, %rem3A_872, %dma_start3A_879] : memref<2x4x256xi32, #tpu.memory_space<vmem>> -> memref<1x1x256xi32, #tpu.memory_space<vmem>>
        %dma_start3A_881 = tpu.memref_squeeze %dma_start3A_880 : memref<1x1x256xi32, #tpu.memory_space<vmem>> -> memref<256xi32, #tpu.memory_space<vmem>>
        %dma_start3A_882 = arith.constant 0 : i32
        %dma_start3A_883 = arith.constant 0 : i32
        %dma_start3A_884 = tpu.memref_slice %arg15[%dma_start3A_882, %dma_start3A_883] : memref<25088x32xf32, #tpu.memory_space<vmem_shared>> -> memref<25088x32xf32, #tpu.memory_space<vmem_shared>>
        %dma_start3A_885 = tpu.memref_slice %arg19[%rem3A_874] : memref<3x!tpu.dma_semaphore, #tpu.memory_space<semaphore_mem>> -> memref<1x!tpu.dma_semaphore, #tpu.memory_space<semaphore_mem>>
        %dma_start3A_886 = tpu.memref_squeeze %dma_start3A_885 : memref<1x!tpu.dma_semaphore, #tpu.memory_space<semaphore_mem>> -> memref<!tpu.dma_semaphore, #tpu.memory_space<semaphore_mem>>
        tpu.enqueue_indirect_dma source(%dma_start3A_878 : memref<256x32xf32, #tpu.memory_space<vmem>>) target(%dma_start3A_884 : memref<25088x32xf32, #tpu.memory_space<vmem_shared>>) offsets(%dma_start3A_881 : memref<256xi32, #tpu.memory_space<vmem>>) semaphore(%dma_start3A_886 : memref<!tpu.dma_semaphore, #tpu.memory_space<semaphore_mem>>) {add = true}
      } else {
      }
    }
    %scan3A_592 = arith.constant 28 : i32
    %rem3A_593 = arith.constant 6 : i32
    %rem3A_594 = arith.constant 2 : i32
    %rem3A_595 = arith.remsi %rem3A_593, %rem3A_594 : i32
    %rem3A_596 = arith.constant 27 : i32
    %rem3A_597 = arith.constant 4 : i32
    %rem3A_598 = arith.remsi %rem3A_596, %rem3A_597 : i32
    %rem3A_599 = arith.constant 27 : i32
    %rem3A_600 = arith.constant 3 : i32
    %rem3A_601 = arith.remsi %rem3A_599, %rem3A_600 : i32
    %dma_wait3A_602 = arith.constant 0 : i32
    %dma_wait3A_603 = arith.constant 0 : i32
    %dma_wait3A_604 = tpu.memref_slice %arg13[%rem3A_601, %dma_wait3A_602, %dma_wait3A_603] : memref<3x256x32xf32, #tpu.memory_space<vmem>> -> memref<1x256x32xf32, #tpu.memory_space<vmem>>
    %dma_wait3A_605 = tpu.memref_squeeze %dma_wait3A_604 : memref<1x256x32xf32, #tpu.memory_space<vmem>> -> memref<256x32xf32, #tpu.memory_space<vmem>>
    %dma_wait3A_606 = arith.constant 0 : i32
    %dma_wait3A_607 = tpu.memref_slice %arg11[%rem3A_595, %rem3A_598, %dma_wait3A_606] : memref<2x4x256xi32, #tpu.memory_space<vmem>> -> memref<1x1x256xi32, #tpu.memory_space<vmem>>
    %dma_wait3A_608 = tpu.memref_squeeze %dma_wait3A_607 : memref<1x1x256xi32, #tpu.memory_space<vmem>> -> memref<256xi32, #tpu.memory_space<vmem>>
    %dma_wait3A_609 = arith.constant 0 : i32
    %dma_wait3A_610 = arith.constant 0 : i32
    %dma_wait3A_611 = tpu.memref_slice %arg14[%dma_wait3A_609, %dma_wait3A_610] : memref<25000x32xf32, #tpu.memory_space<vmem_shared>> -> memref<25000x32xf32, #tpu.memory_space<vmem_shared>>
    %dma_wait3A_612 = tpu.memref_slice %arg18[%rem3A_601] : memref<3x!tpu.dma_semaphore, #tpu.memory_space<semaphore_mem>> -> memref<1x!tpu.dma_semaphore, #tpu.memory_space<semaphore_mem>>
    %dma_wait3A_613 = tpu.memref_squeeze %dma_wait3A_612 : memref<1x!tpu.dma_semaphore, #tpu.memory_space<semaphore_mem>> -> memref<!tpu.dma_semaphore, #tpu.memory_space<semaphore_mem>>
    tpu.wait_indirect_dma semaphore(%dma_wait3A_613 : memref<!tpu.dma_semaphore, #tpu.memory_space<semaphore_mem>>) src(%dma_wait3A_611 : memref<25000x32xf32, #tpu.memory_space<vmem_shared>>) dst(%dma_wait3A_605 : memref<256x32xf32, #tpu.memory_space<vmem>>)
    %rem3A_614 = arith.constant 6 : i32
    %rem3A_615 = arith.constant 2 : i32
    %rem3A_616 = arith.remsi %rem3A_614, %rem3A_615 : i32
    %rem3A_617 = arith.constant 27 : i32
    %rem3A_618 = arith.constant 4 : i32
    %rem3A_619 = arith.remsi %rem3A_617, %rem3A_618 : i32
    %rem3A_620 = arith.constant 27 : i32
    %rem3A_621 = arith.constant 3 : i32
    %rem3A_622 = arith.remsi %rem3A_620, %rem3A_621 : i32
    %dma_start3A_623 = arith.constant 0 : i32
    %dma_start3A_624 = arith.constant 0 : i32
    %dma_start3A_625 = tpu.memref_slice %arg13[%rem3A_622, %dma_start3A_623, %dma_start3A_624] : memref<3x256x32xf32, #tpu.memory_space<vmem>> -> memref<1x256x32xf32, #tpu.memory_space<vmem>>
    %dma_start3A_626 = tpu.memref_squeeze %dma_start3A_625 : memref<1x256x32xf32, #tpu.memory_space<vmem>> -> memref<256x32xf32, #tpu.memory_space<vmem>>
    %dma_start3A_627 = arith.constant 0 : i32
    %dma_start3A_628 = tpu.memref_slice %arg12[%rem3A_616, %rem3A_619, %dma_start3A_627] : memref<2x4x256xi32, #tpu.memory_space<vmem>> -> memref<1x1x256xi32, #tpu.memory_space<vmem>>
    %dma_start3A_629 = tpu.memref_squeeze %dma_start3A_628 : memref<1x1x256xi32, #tpu.memory_space<vmem>> -> memref<256xi32, #tpu.memory_space<vmem>>
    %dma_start3A_630 = arith.constant 0 : i32
    %dma_start3A_631 = arith.constant 0 : i32
    %dma_start3A_632 = tpu.memref_slice %arg15[%dma_start3A_630, %dma_start3A_631] : memref<25088x32xf32, #tpu.memory_space<vmem_shared>> -> memref<25088x32xf32, #tpu.memory_space<vmem_shared>>
    %dma_start3A_633 = tpu.memref_slice %arg19[%rem3A_622] : memref<3x!tpu.dma_semaphore, #tpu.memory_space<semaphore_mem>> -> memref<1x!tpu.dma_semaphore, #tpu.memory_space<semaphore_mem>>
    %dma_start3A_634 = tpu.memref_squeeze %dma_start3A_633 : memref<1x!tpu.dma_semaphore, #tpu.memory_space<semaphore_mem>> -> memref<!tpu.dma_semaphore, #tpu.memory_space<semaphore_mem>>
    tpu.enqueue_indirect_dma source(%dma_start3A_626 : memref<256x32xf32, #tpu.memory_space<vmem>>) target(%dma_start3A_632 : memref<25088x32xf32, #tpu.memory_space<vmem_shared>>) offsets(%dma_start3A_629 : memref<256xi32, #tpu.memory_space<vmem>>) semaphore(%dma_start3A_634 : memref<!tpu.dma_semaphore, #tpu.memory_space<semaphore_mem>>) {add = true}
    %rem3A_635 = arith.constant 6 : i32
    %rem3A_636 = arith.constant 2 : i32
    %rem3A_637 = arith.remsi %rem3A_635, %rem3A_636 : i32
    %rem3A_638 = arith.constant 25 : i32
    %rem3A_639 = arith.constant 4 : i32
    %rem3A_640 = arith.remsi %rem3A_638, %rem3A_639 : i32
    %rem3A_641 = arith.constant 25 : i32
    %rem3A_642 = arith.constant 3 : i32
    %rem3A_643 = arith.remsi %rem3A_641, %rem3A_642 : i32
    %dma_wait3A_644 = arith.constant 0 : i32
    %dma_wait3A_645 = arith.constant 0 : i32
    %dma_wait3A_646 = tpu.memref_slice %arg13[%rem3A_643, %dma_wait3A_644, %dma_wait3A_645] : memref<3x256x32xf32, #tpu.memory_space<vmem>> -> memref<1x256x32xf32, #tpu.memory_space<vmem>>
    %dma_wait3A_647 = tpu.memref_squeeze %dma_wait3A_646 : memref<1x256x32xf32, #tpu.memory_space<vmem>> -> memref<256x32xf32, #tpu.memory_space<vmem>>
    %dma_wait3A_648 = arith.constant 0 : i32
    %dma_wait3A_649 = tpu.memref_slice %arg12[%rem3A_637, %rem3A_640, %dma_wait3A_648] : memref<2x4x256xi32, #tpu.memory_space<vmem>> -> memref<1x1x256xi32, #tpu.memory_space<vmem>>
    %dma_wait3A_650 = tpu.memref_squeeze %dma_wait3A_649 : memref<1x1x256xi32, #tpu.memory_space<vmem>> -> memref<256xi32, #tpu.memory_space<vmem>>
    %dma_wait3A_651 = arith.constant 0 : i32
    %dma_wait3A_652 = arith.constant 0 : i32
    %dma_wait3A_653 = tpu.memref_slice %arg15[%dma_wait3A_651, %dma_wait3A_652] : memref<25088x32xf32, #tpu.memory_space<vmem_shared>> -> memref<25088x32xf32, #tpu.memory_space<vmem_shared>>
    %dma_wait3A_654 = tpu.memref_slice %arg19[%rem3A_643] : memref<3x!tpu.dma_semaphore, #tpu.memory_space<semaphore_mem>> -> memref<1x!tpu.dma_semaphore, #tpu.memory_space<semaphore_mem>>
    %dma_wait3A_655 = tpu.memref_squeeze %dma_wait3A_654 : memref<1x!tpu.dma_semaphore, #tpu.memory_space<semaphore_mem>> -> memref<!tpu.dma_semaphore, #tpu.memory_space<semaphore_mem>>
    tpu.wait_indirect_dma semaphore(%dma_wait3A_655 : memref<!tpu.dma_semaphore, #tpu.memory_space<semaphore_mem>>) src(%dma_wait3A_647 : memref<256x32xf32, #tpu.memory_space<vmem>>) dst(%dma_wait3A_653 : memref<25088x32xf32, #tpu.memory_space<vmem_shared>>)
    %rem3A_656 = arith.constant 6 : i32
    %rem3A_657 = arith.constant 2 : i32
    %rem3A_658 = arith.remsi %rem3A_656, %rem3A_657 : i32
    %rem3A_659 = arith.constant 26 : i32
    %rem3A_660 = arith.constant 4 : i32
    %rem3A_661 = arith.remsi %rem3A_659, %rem3A_660 : i32
    %rem3A_662 = arith.constant 26 : i32
    %rem3A_663 = arith.constant 3 : i32
    %rem3A_664 = arith.remsi %rem3A_662, %rem3A_663 : i32
    %dma_wait3A_665 = arith.constant 0 : i32
    %dma_wait3A_666 = arith.constant 0 : i32
    %dma_wait3A_667 = tpu.memref_slice %arg13[%rem3A_664, %dma_wait3A_665, %dma_wait3A_666] : memref<3x256x32xf32, #tpu.memory_space<vmem>> -> memref<1x256x32xf32, #tpu.memory_space<vmem>>
    %dma_wait3A_668 = tpu.memref_squeeze %dma_wait3A_667 : memref<1x256x32xf32, #tpu.memory_space<vmem>> -> memref<256x32xf32, #tpu.memory_space<vmem>>
    %dma_wait3A_669 = arith.constant 0 : i32
    %dma_wait3A_670 = tpu.memref_slice %arg12[%rem3A_658, %rem3A_661, %dma_wait3A_669] : memref<2x4x256xi32, #tpu.memory_space<vmem>> -> memref<1x1x256xi32, #tpu.memory_space<vmem>>
    %dma_wait3A_671 = tpu.memref_squeeze %dma_wait3A_670 : memref<1x1x256xi32, #tpu.memory_space<vmem>> -> memref<256xi32, #tpu.memory_space<vmem>>
    %dma_wait3A_672 = arith.constant 0 : i32
    %dma_wait3A_673 = arith.constant 0 : i32
    %dma_wait3A_674 = tpu.memref_slice %arg15[%dma_wait3A_672, %dma_wait3A_673] : memref<25088x32xf32, #tpu.memory_space<vmem_shared>> -> memref<25088x32xf32, #tpu.memory_space<vmem_shared>>
    %dma_wait3A_675 = tpu.memref_slice %arg19[%rem3A_664] : memref<3x!tpu.dma_semaphore, #tpu.memory_space<semaphore_mem>> -> memref<1x!tpu.dma_semaphore, #tpu.memory_space<semaphore_mem>>
    %dma_wait3A_676 = tpu.memref_squeeze %dma_wait3A_675 : memref<1x!tpu.dma_semaphore, #tpu.memory_space<semaphore_mem>> -> memref<!tpu.dma_semaphore, #tpu.memory_space<semaphore_mem>>
    tpu.wait_indirect_dma semaphore(%dma_wait3A_676 : memref<!tpu.dma_semaphore, #tpu.memory_space<semaphore_mem>>) src(%dma_wait3A_668 : memref<256x32xf32, #tpu.memory_space<vmem>>) dst(%dma_wait3A_674 : memref<25088x32xf32, #tpu.memory_space<vmem_shared>>)
    %rem3A_677 = arith.constant 6 : i32
    %rem3A_678 = arith.constant 2 : i32
    %rem3A_679 = arith.remsi %rem3A_677, %rem3A_678 : i32
    %rem3A_680 = arith.constant 27 : i32
    %rem3A_681 = arith.constant 4 : i32
    %rem3A_682 = arith.remsi %rem3A_680, %rem3A_681 : i32
    %rem3A_683 = arith.constant 27 : i32
    %rem3A_684 = arith.constant 3 : i32
    %rem3A_685 = arith.remsi %rem3A_683, %rem3A_684 : i32
    %dma_wait3A_686 = arith.constant 0 : i32
    %dma_wait3A_687 = arith.constant 0 : i32
    %dma_wait3A_688 = tpu.memref_slice %arg13[%rem3A_685, %dma_wait3A_686, %dma_wait3A_687] : memref<3x256x32xf32, #tpu.memory_space<vmem>> -> memref<1x256x32xf32, #tpu.memory_space<vmem>>
    %dma_wait3A_689 = tpu.memref_squeeze %dma_wait3A_688 : memref<1x256x32xf32, #tpu.memory_space<vmem>> -> memref<256x32xf32, #tpu.memory_space<vmem>>
    %dma_wait3A_690 = arith.constant 0 : i32
    %dma_wait3A_691 = tpu.memref_slice %arg12[%rem3A_679, %rem3A_682, %dma_wait3A_690] : memref<2x4x256xi32, #tpu.memory_space<vmem>> -> memref<1x1x256xi32, #tpu.memory_space<vmem>>
    %dma_wait3A_692 = tpu.memref_squeeze %dma_wait3A_691 : memref<1x1x256xi32, #tpu.memory_space<vmem>> -> memref<256xi32, #tpu.memory_space<vmem>>
    %dma_wait3A_693 = arith.constant 0 : i32
    %dma_wait3A_694 = arith.constant 0 : i32
    %dma_wait3A_695 = tpu.memref_slice %arg15[%dma_wait3A_693, %dma_wait3A_694] : memref<25088x32xf32, #tpu.memory_space<vmem_shared>> -> memref<25088x32xf32, #tpu.memory_space<vmem_shared>>
    %dma_wait3A_696 = tpu.memref_slice %arg19[%rem3A_685] : memref<3x!tpu.dma_semaphore, #tpu.memory_space<semaphore_mem>> -> memref<1x!tpu.dma_semaphore, #tpu.memory_space<semaphore_mem>>
    %dma_wait3A_697 = tpu.memref_squeeze %dma_wait3A_696 : memref<1x!tpu.dma_semaphore, #tpu.memory_space<semaphore_mem>> -> memref<!tpu.dma_semaphore, #tpu.memory_space<semaphore_mem>>
    tpu.wait_indirect_dma semaphore(%dma_wait3A_697 : memref<!tpu.dma_semaphore, #tpu.memory_space<semaphore_mem>>) src(%dma_wait3A_689 : memref<256x32xf32, #tpu.memory_space<vmem>>) dst(%dma_wait3A_695 : memref<25088x32xf32, #tpu.memory_space<vmem_shared>>)
    %barrier3A_698 = arith.constant 0 : index
    tpu.barrier barrier_id(%barrier3A_698)
    %mul3A_699 = arith.constant 1560 : i32
    %mul3A_700 = arith.muli %arg1, %mul3A_699 : i32
    %mul3A_701 = arith.constant 25000 : i32
    %mul3A_702 = arith.muli %add3A_353, %mul3A_701 : i32
    %add3A_703 = arith.addi %mul3A_702, %mul3A_700 : i32
    "tpu.region"() ({
      %run_scoped3A = tpu.sem_alloc : memref<!tpu.dma_semaphore, #tpu.memory_space<semaphore_mem>>
      %dma_start3A_710 = arith.constant 0 : i32
      %dma_start3A_711 = tpu.memref_slice %arg10[%add3A_703, %dma_start3A_710] : memref<100000x32xf32, #tpu.memory_space<hbm>> -> memref<1560x32xf32, #tpu.memory_space<hbm>>
      %dma_start3A_712 = arith.constant 0 : i32
      %dma_start3A_713 = tpu.memref_slice %arg15[%mul3A_700, %dma_start3A_712] : memref<25088x32xf32, #tpu.memory_space<vmem_shared>> -> memref<1560x32xf32, #tpu.memory_space<vmem_shared>>
      tpu.enqueue_dma source(%dma_start3A_713 : memref<1560x32xf32, #tpu.memory_space<vmem_shared>>) target(%dma_start3A_711 : memref<1560x32xf32, #tpu.memory_space<hbm>>) target_semaphore(%run_scoped3A : memref<!tpu.dma_semaphore, #tpu.memory_space<semaphore_mem>>)
      %dma_wait3A_714 = arith.constant 0 : i32
      %dma_wait3A_715 = tpu.memref_slice %arg10[%add3A_703, %dma_wait3A_714] : memref<100000x32xf32, #tpu.memory_space<hbm>> -> memref<1560x32xf32, #tpu.memory_space<hbm>>
      %dma_wait3A_716 = arith.constant 0 : i32
      %dma_wait3A_717 = tpu.memref_slice %arg15[%mul3A_700, %dma_wait3A_716] : memref<25088x32xf32, #tpu.memory_space<vmem_shared>> -> memref<1560x32xf32, #tpu.memory_space<vmem_shared>>
      tpu.wait_dma2 semaphore(%run_scoped3A : memref<!tpu.dma_semaphore, #tpu.memory_space<semaphore_mem>>) src(%dma_wait3A_717 : memref<1560x32xf32, #tpu.memory_space<vmem_shared>>) dst(%dma_wait3A_715 : memref<1560x32xf32, #tpu.memory_space<hbm>>)
      tpu.yield
    }) : () -> ()
    %eq3A_704 = arith.constant 15 : i32
    %eq3A_705 = arith.cmpi eq, %arg1, %eq3A_704 : i32
    %convert_element_type3A_706 = arith.extui %eq3A_705 : i1 to i32
    %cond3A_707 = arith.constant 0 : i32
    %cond3A_708 = arith.cmpi ne, %convert_element_type3A_706, %cond3A_707 : i32
    scf.if %cond3A_708 {
      %mul3A_710 = arith.constant 25000 : i32
      %mul3A_711 = arith.muli %add3A_353, %mul3A_710 : i32
      %add3A_712 = arith.constant 24960 : i32
      %add3A_713 = arith.addi %mul3A_711, %add3A_712 : i32
      "tpu.region"() ({
        %run_scoped3A = tpu.sem_alloc : memref<!tpu.dma_semaphore, #tpu.memory_space<semaphore_mem>>
        %dma_start3A_714 = arith.constant 0 : i32
        %dma_start3A_715 = tpu.memref_slice %arg10[%add3A_713, %dma_start3A_714] : memref<100000x32xf32, #tpu.memory_space<hbm>> -> memref<40x32xf32, #tpu.memory_space<hbm>>
        %dma_start3A_716 = arith.constant 24960 : i32
        %dma_start3A_717 = arith.constant 0 : i32
        %dma_start3A_718 = tpu.memref_slice %arg15[%dma_start3A_716, %dma_start3A_717] : memref<25088x32xf32, #tpu.memory_space<vmem_shared>> -> memref<40x32xf32, #tpu.memory_space<vmem_shared>>
        tpu.enqueue_dma source(%dma_start3A_718 : memref<40x32xf32, #tpu.memory_space<vmem_shared>>) target(%dma_start3A_715 : memref<40x32xf32, #tpu.memory_space<hbm>>) target_semaphore(%run_scoped3A : memref<!tpu.dma_semaphore, #tpu.memory_space<semaphore_mem>>)
        %dma_wait3A_719 = arith.constant 0 : i32
        %dma_wait3A_720 = tpu.memref_slice %arg10[%add3A_713, %dma_wait3A_719] : memref<100000x32xf32, #tpu.memory_space<hbm>> -> memref<40x32xf32, #tpu.memory_space<hbm>>
        %dma_wait3A_721 = arith.constant 24960 : i32
        %dma_wait3A_722 = arith.constant 0 : i32
        %dma_wait3A_723 = tpu.memref_slice %arg15[%dma_wait3A_721, %dma_wait3A_722] : memref<25088x32xf32, #tpu.memory_space<vmem_shared>> -> memref<40x32xf32, #tpu.memory_space<vmem_shared>>
        tpu.wait_dma2 semaphore(%run_scoped3A : memref<!tpu.dma_semaphore, #tpu.memory_space<semaphore_mem>>) src(%dma_wait3A_723 : memref<40x32xf32, #tpu.memory_space<vmem_shared>>) dst(%dma_wait3A_720 : memref<40x32xf32, #tpu.memory_space<hbm>>)
        tpu.yield
      }) : () -> ()
    } else {
    }
    %barrier3A_709 = arith.constant 0 : index
    tpu.barrier barrier_id(%barrier3A_709)
    return
  }
}

module attributes {stable_mosaic.version = 14 : i64} {
  func.func @body(%arg0: i32, %arg1: memref<4x1000x32xf32, #tpu.memory_space<vmem>>, %arg2: memref<4x1000x32xf32, #tpu.memory_space<vmem>>, %arg3: memref<1000x128xf32, #tpu.memory_space<vmem>>, %arg4: memref<1x1x1000xi32, #tpu.memory_space<vmem>>, %arg5: memref<64x128xf32, #tpu.memory_space<vmem>>, %arg6: memref<128x128xf32, #tpu.memory_space<vmem>>, %arg7: memref<1x128xf32, #tpu.memory_space<vmem>>, %arg8: memref<128x128xf32, #tpu.memory_space<vmem>>, %arg9: memref<1x128xf32, #tpu.memory_space<vmem>>, %arg10: memref<128x128xf32, #tpu.memory_space<vmem>>, %arg11: memref<1x128xf32, #tpu.memory_space<vmem>>, %arg12: memref<128x128xf32, #tpu.memory_space<vmem>>, %arg13: memref<1x128xf32, #tpu.memory_space<vmem>>, %arg14: memref<128x512xf32, #tpu.memory_space<vmem>>, %arg15: memref<1x128xf32, #tpu.memory_space<vmem>>, %arg16: memref<128x128xf32, #tpu.memory_space<vmem>>, %arg17: memref<1x128xf32, #tpu.memory_space<vmem>>, %arg18: memref<1000x128xf32, #tpu.memory_space<vmem>>) attributes {dimension_semantics = [#tpu.dimension_semantics<arbitrary>], iteration_bounds = array<i64: 25>, scalar_prefetch = 0 : i64, scratch_operands = 0 : i64, tpu.core_type = #tpu.core_type<tc>, window_params = [{transform_indices = @transform_0, window_bounds = array<i64: 4, 1000, 32>}, {transform_indices = @transform_1, window_bounds = array<i64: 4, 1000, 32>}, {transform_indices = @transform_2, window_bounds = array<i64: 1000, 128>}, {transform_indices = @transform_3, window_bounds = array<i64: 1, 1, 1000>}, {pipeline_mode = #tpu.pipeline_mode<synchronous>, transform_indices = @transform_4, window_bounds = array<i64: 64, 128>}, {pipeline_mode = #tpu.pipeline_mode<synchronous>, transform_indices = @transform_5, window_bounds = array<i64: 128, 128>}, {pipeline_mode = #tpu.pipeline_mode<synchronous>, transform_indices = @transform_6, window_bounds = array<i64: 1, 128>}, {pipeline_mode = #tpu.pipeline_mode<synchronous>, transform_indices = @transform_7, window_bounds = array<i64: 128, 128>}, {pipeline_mode = #tpu.pipeline_mode<synchronous>, transform_indices = @transform_8, window_bounds = array<i64: 1, 128>}, {pipeline_mode = #tpu.pipeline_mode<synchronous>, transform_indices = @transform_9, window_bounds = array<i64: 128, 128>}, {pipeline_mode = #tpu.pipeline_mode<synchronous>, transform_indices = @transform_10, window_bounds = array<i64: 1, 128>}, {pipeline_mode = #tpu.pipeline_mode<synchronous>, transform_indices = @transform_11, window_bounds = array<i64: 128, 128>}, {pipeline_mode = #tpu.pipeline_mode<synchronous>, transform_indices = @transform_12, window_bounds = array<i64: 1, 128>}, {pipeline_mode = #tpu.pipeline_mode<synchronous>, transform_indices = @transform_13, window_bounds = array<i64: 128, 512>}, {pipeline_mode = #tpu.pipeline_mode<synchronous>, transform_indices = @transform_14, window_bounds = array<i64: 1, 128>}, {pipeline_mode = #tpu.pipeline_mode<synchronous>, transform_indices = @transform_15, window_bounds = array<i64: 128, 128>}, {pipeline_mode = #tpu.pipeline_mode<synchronous>, transform_indices = @transform_16, window_bounds = array<i64: 1, 128>}, {transform_indices = @transform_17, window_bounds = array<i64: 1000, 128>}]} {
    %get3A = arith.constant 0 : index
    %get3A_0 = arith.constant 0 : index
    %get3A_1 = vector.load %arg6[%get3A, %get3A_0] : memref<128x128xf32, #tpu.memory_space<vmem>>, vector<128x128xf32>
    %get3A_2 = arith.constant 0 : index
    %get3A_3 = arith.constant 0 : index
    %get3A_4 = vector.load %arg8[%get3A_2, %get3A_3] : memref<128x128xf32, #tpu.memory_space<vmem>>, vector<128x128xf32>
    %get3A_5 = arith.constant 0 : index
    %get3A_6 = arith.constant 0 : index
    %get3A_7 = vector.load %arg10[%get3A_5, %get3A_6] : memref<128x128xf32, #tpu.memory_space<vmem>>, vector<128x128xf32>
    %get3A_8 = arith.constant 0 : index
    %get3A_9 = arith.constant 0 : index
    %get3A_10 = vector.load %arg12[%get3A_8, %get3A_9] : memref<128x128xf32, #tpu.memory_space<vmem>>, vector<128x128xf32>
    %get3A_11 = arith.constant 0 : index
    %get3A_12 = arith.constant 0 : index
    %get3A_13 = vector.load %arg14[%get3A_11, %get3A_12] : memref<128x512xf32, #tpu.memory_space<vmem>>, vector<128x512xf32>
    %get3A_14 = arith.constant 0 : index
    %get3A_15 = arith.constant 0 : index
    %get3A_16 = vector.load %arg16[%get3A_14, %get3A_15] : memref<128x128xf32, #tpu.memory_space<vmem>>, vector<128x128xf32>
    %get3A_17 = arith.constant 0 : index
    %get3A_18 = arith.constant 0 : index
    %get3A_19 = arith.constant 0 : index
    %get3A_20 = vector.load %arg1[%get3A_17, %get3A_18, %get3A_19] : memref<4x1000x32xf32, #tpu.memory_space<vmem>>, vector<1x1000x32xf32>
    %get3A_21 = vector.shape_cast %get3A_20 : vector<1x1000x32xf32> to vector<1000x32xf32>
    %slice3A = vector.extract_strided_slice %get3A_1 {offsets = [0, 0], sizes = [128, 32], strides = [1, 1]} : vector<128x128xf32> to vector<128x32xf32>
    %dot_general3A = arith.constant dense<0.000000e+00> : vector<1000x128xf32>
    %dot_general3A_22 = tpu.matmul %get3A_21, %slice3A, %dot_general3A {dimension_numbers = #tpu.dot_dimension_numbers<[1], [1], [0], [0], [0, 0, 1, 0], [], []>, transpose_lhs_hint = false} : vector<1000x32xf32>, vector<128x32xf32>, vector<1000x128xf32> -> vector<1000x128xf32>
    %get3A_23 = arith.constant 1 : index
    %get3A_24 = arith.constant 0 : index
    %get3A_25 = arith.constant 0 : index
    %get3A_26 = vector.load %arg1[%get3A_23, %get3A_24, %get3A_25] : memref<4x1000x32xf32, #tpu.memory_space<vmem>>, vector<1x1000x32xf32>
    %get3A_27 = vector.shape_cast %get3A_26 : vector<1x1000x32xf32> to vector<1000x32xf32>
    %slice3A_28 = vector.extract_strided_slice %get3A_1 {offsets = [0, 32], sizes = [128, 32], strides = [1, 1]} : vector<128x128xf32> to vector<128x32xf32>
    %dot_general3A_29 = arith.constant dense<0.000000e+00> : vector<1000x128xf32>
    %dot_general3A_30 = tpu.matmul %get3A_27, %slice3A_28, %dot_general3A_29 {dimension_numbers = #tpu.dot_dimension_numbers<[1], [1], [0], [0], [0, 0, 1, 0], [], []>, transpose_lhs_hint = false} : vector<1000x32xf32>, vector<128x32xf32>, vector<1000x128xf32> -> vector<1000x128xf32>
    %add3A = arith.addf %dot_general3A_22, %dot_general3A_30 : vector<1000x128xf32>
    %get3A_31 = arith.constant 2 : index
    %get3A_32 = arith.constant 0 : index
    %get3A_33 = arith.constant 0 : index
    %get3A_34 = vector.load %arg1[%get3A_31, %get3A_32, %get3A_33] : memref<4x1000x32xf32, #tpu.memory_space<vmem>>, vector<1x1000x32xf32>
    %get3A_35 = vector.shape_cast %get3A_34 : vector<1x1000x32xf32> to vector<1000x32xf32>
    %slice3A_36 = vector.extract_strided_slice %get3A_1 {offsets = [0, 64], sizes = [128, 32], strides = [1, 1]} : vector<128x128xf32> to vector<128x32xf32>
    %dot_general3A_37 = arith.constant dense<0.000000e+00> : vector<1000x128xf32>
    %dot_general3A_38 = tpu.matmul %get3A_35, %slice3A_36, %dot_general3A_37 {dimension_numbers = #tpu.dot_dimension_numbers<[1], [1], [0], [0], [0, 0, 1, 0], [], []>, transpose_lhs_hint = false} : vector<1000x32xf32>, vector<128x32xf32>, vector<1000x128xf32> -> vector<1000x128xf32>
    %add3A_39 = arith.addf %add3A, %dot_general3A_38 : vector<1000x128xf32>
    %get3A_40 = arith.constant 3 : index
    %get3A_41 = arith.constant 0 : index
    %get3A_42 = arith.constant 0 : index
    %get3A_43 = vector.load %arg1[%get3A_40, %get3A_41, %get3A_42] : memref<4x1000x32xf32, #tpu.memory_space<vmem>>, vector<1x1000x32xf32>
    %get3A_44 = vector.shape_cast %get3A_43 : vector<1x1000x32xf32> to vector<1000x32xf32>
    %slice3A_45 = vector.extract_strided_slice %get3A_1 {offsets = [0, 96], sizes = [128, 32], strides = [1, 1]} : vector<128x128xf32> to vector<128x32xf32>
    %dot_general3A_46 = arith.constant dense<0.000000e+00> : vector<1000x128xf32>
    %dot_general3A_47 = tpu.matmul %get3A_44, %slice3A_45, %dot_general3A_46 {dimension_numbers = #tpu.dot_dimension_numbers<[1], [1], [0], [0], [0, 0, 1, 0], [], []>, transpose_lhs_hint = false} : vector<1000x32xf32>, vector<128x32xf32>, vector<1000x128xf32> -> vector<1000x128xf32>
    %add3A_48 = arith.addf %add3A_39, %dot_general3A_47 : vector<1000x128xf32>
    %get3A_49 = arith.constant 0 : index
    %get3A_50 = arith.constant 0 : index
    %get3A_51 = vector.load %arg7[%get3A_49, %get3A_50] : memref<1x128xf32, #tpu.memory_space<vmem>>, vector<1x128xf32>
    %get3A_52 = vector.shape_cast %get3A_51 : vector<1x128xf32> to vector<128xf32>
    %broadcast_in_dim3A = vector.shape_cast %get3A_52 : vector<128xf32> to vector<1x128xf32>
    %add3A_53 = vector.broadcast %broadcast_in_dim3A : vector<1x128xf32> to vector<1000x128xf32>
    %add3A_54 = arith.addf %add3A_48, %add3A_53 : vector<1000x128xf32>
    %max3A = arith.constant 0.000000e+00 : f32
    %max3A_55 = vector.broadcast %max3A : f32 to vector<1000x128xf32>
    %max3A_56 = arith.maximumf %add3A_54, %max3A_55 : vector<1000x128xf32>
    %dot_general3A_57 = arith.constant dense<0.000000e+00> : vector<1000x128xf32>
    %dot_general3A_58 = tpu.matmul %max3A_56, %get3A_4, %dot_general3A_57 {dimension_numbers = #tpu.dot_dimension_numbers<[1], [1], [0], [0], [0, 0, 1, 0], [], []>, transpose_lhs_hint = false} : vector<1000x128xf32>, vector<128x128xf32>, vector<1000x128xf32> -> vector<1000x128xf32>
    %get3A_59 = arith.constant 0 : index
    %get3A_60 = arith.constant 0 : index
    %get3A_61 = vector.load %arg9[%get3A_59, %get3A_60] : memref<1x128xf32, #tpu.memory_space<vmem>>, vector<1x128xf32>
    %get3A_62 = vector.shape_cast %get3A_61 : vector<1x128xf32> to vector<128xf32>
    %broadcast_in_dim3A_63 = vector.shape_cast %get3A_62 : vector<128xf32> to vector<1x128xf32>
    %add3A_64 = vector.broadcast %broadcast_in_dim3A_63 : vector<1x128xf32> to vector<1000x128xf32>
    %add3A_65 = arith.addf %dot_general3A_58, %add3A_64 : vector<1000x128xf32>
    %get3A_66 = arith.constant 0 : index
    %get3A_67 = arith.constant 0 : index
    %get3A_68 = arith.constant 0 : index
    %get3A_69 = vector.load %arg2[%get3A_66, %get3A_67, %get3A_68] : memref<4x1000x32xf32, #tpu.memory_space<vmem>>, vector<1x1000x32xf32>
    %get3A_70 = vector.shape_cast %get3A_69 : vector<1x1000x32xf32> to vector<1000x32xf32>
    %slice3A_71 = vector.extract_strided_slice %get3A_7 {offsets = [0, 0], sizes = [128, 32], strides = [1, 1]} : vector<128x128xf32> to vector<128x32xf32>
    %dot_general3A_72 = arith.constant dense<0.000000e+00> : vector<1000x128xf32>
    %dot_general3A_73 = tpu.matmul %get3A_70, %slice3A_71, %dot_general3A_72 {dimension_numbers = #tpu.dot_dimension_numbers<[1], [1], [0], [0], [0, 0, 1, 0], [], []>, transpose_lhs_hint = false} : vector<1000x32xf32>, vector<128x32xf32>, vector<1000x128xf32> -> vector<1000x128xf32>
    %get3A_74 = arith.constant 1 : index
    %get3A_75 = arith.constant 0 : index
    %get3A_76 = arith.constant 0 : index
    %get3A_77 = vector.load %arg2[%get3A_74, %get3A_75, %get3A_76] : memref<4x1000x32xf32, #tpu.memory_space<vmem>>, vector<1x1000x32xf32>
    %get3A_78 = vector.shape_cast %get3A_77 : vector<1x1000x32xf32> to vector<1000x32xf32>
    %slice3A_79 = vector.extract_strided_slice %get3A_7 {offsets = [0, 32], sizes = [128, 32], strides = [1, 1]} : vector<128x128xf32> to vector<128x32xf32>
    %dot_general3A_80 = arith.constant dense<0.000000e+00> : vector<1000x128xf32>
    %dot_general3A_81 = tpu.matmul %get3A_78, %slice3A_79, %dot_general3A_80 {dimension_numbers = #tpu.dot_dimension_numbers<[1], [1], [0], [0], [0, 0, 1, 0], [], []>, transpose_lhs_hint = false} : vector<1000x32xf32>, vector<128x32xf32>, vector<1000x128xf32> -> vector<1000x128xf32>
    %add3A_82 = arith.addf %dot_general3A_73, %dot_general3A_81 : vector<1000x128xf32>
    %get3A_83 = arith.constant 2 : index
    %get3A_84 = arith.constant 0 : index
    %get3A_85 = arith.constant 0 : index
    %get3A_86 = vector.load %arg2[%get3A_83, %get3A_84, %get3A_85] : memref<4x1000x32xf32, #tpu.memory_space<vmem>>, vector<1x1000x32xf32>
    %get3A_87 = vector.shape_cast %get3A_86 : vector<1x1000x32xf32> to vector<1000x32xf32>
    %slice3A_88 = vector.extract_strided_slice %get3A_7 {offsets = [0, 64], sizes = [128, 32], strides = [1, 1]} : vector<128x128xf32> to vector<128x32xf32>
    %dot_general3A_89 = arith.constant dense<0.000000e+00> : vector<1000x128xf32>
    %dot_general3A_90 = tpu.matmul %get3A_87, %slice3A_88, %dot_general3A_89 {dimension_numbers = #tpu.dot_dimension_numbers<[1], [1], [0], [0], [0, 0, 1, 0], [], []>, transpose_lhs_hint = false} : vector<1000x32xf32>, vector<128x32xf32>, vector<1000x128xf32> -> vector<1000x128xf32>
    %add3A_91 = arith.addf %add3A_82, %dot_general3A_90 : vector<1000x128xf32>
    %get3A_92 = arith.constant 3 : index
    %get3A_93 = arith.constant 0 : index
    %get3A_94 = arith.constant 0 : index
    %get3A_95 = vector.load %arg2[%get3A_92, %get3A_93, %get3A_94] : memref<4x1000x32xf32, #tpu.memory_space<vmem>>, vector<1x1000x32xf32>
    %get3A_96 = vector.shape_cast %get3A_95 : vector<1x1000x32xf32> to vector<1000x32xf32>
    %slice3A_97 = vector.extract_strided_slice %get3A_7 {offsets = [0, 96], sizes = [128, 32], strides = [1, 1]} : vector<128x128xf32> to vector<128x32xf32>
    %dot_general3A_98 = arith.constant dense<0.000000e+00> : vector<1000x128xf32>
    %dot_general3A_99 = tpu.matmul %get3A_96, %slice3A_97, %dot_general3A_98 {dimension_numbers = #tpu.dot_dimension_numbers<[1], [1], [0], [0], [0, 0, 1, 0], [], []>, transpose_lhs_hint = false} : vector<1000x32xf32>, vector<128x32xf32>, vector<1000x128xf32> -> vector<1000x128xf32>
    %add3A_100 = arith.addf %add3A_91, %dot_general3A_99 : vector<1000x128xf32>
    %get3A_101 = arith.constant 0 : index
    %get3A_102 = arith.constant 0 : index
    %get3A_103 = vector.load %arg11[%get3A_101, %get3A_102] : memref<1x128xf32, #tpu.memory_space<vmem>>, vector<1x128xf32>
    %get3A_104 = vector.shape_cast %get3A_103 : vector<1x128xf32> to vector<128xf32>
    %broadcast_in_dim3A_105 = vector.shape_cast %get3A_104 : vector<128xf32> to vector<1x128xf32>
    %add3A_106 = vector.broadcast %broadcast_in_dim3A_105 : vector<1x128xf32> to vector<1000x128xf32>
    %add3A_107 = arith.addf %add3A_100, %add3A_106 : vector<1000x128xf32>
    %max3A_108 = arith.constant 0.000000e+00 : f32
    %max3A_109 = vector.broadcast %max3A_108 : f32 to vector<1000x128xf32>
    %max3A_110 = arith.maximumf %add3A_107, %max3A_109 : vector<1000x128xf32>
    %dot_general3A_111 = arith.constant dense<0.000000e+00> : vector<1000x128xf32>
    %dot_general3A_112 = tpu.matmul %max3A_110, %get3A_10, %dot_general3A_111 {dimension_numbers = #tpu.dot_dimension_numbers<[1], [1], [0], [0], [0, 0, 1, 0], [], []>, transpose_lhs_hint = false} : vector<1000x128xf32>, vector<128x128xf32>, vector<1000x128xf32> -> vector<1000x128xf32>
    %get3A_113 = arith.constant 0 : index
    %get3A_114 = arith.constant 0 : index
    %get3A_115 = vector.load %arg13[%get3A_113, %get3A_114] : memref<1x128xf32, #tpu.memory_space<vmem>>, vector<1x128xf32>
    %get3A_116 = vector.shape_cast %get3A_115 : vector<1x128xf32> to vector<128xf32>
    %broadcast_in_dim3A_117 = vector.shape_cast %get3A_116 : vector<128xf32> to vector<1x128xf32>
    %add3A_118 = vector.broadcast %broadcast_in_dim3A_117 : vector<1x128xf32> to vector<1000x128xf32>
    %add3A_119 = arith.addf %dot_general3A_112, %add3A_118 : vector<1000x128xf32>
    %get3A_120 = arith.constant 0 : index
    %get3A_121 = arith.constant 0 : index
    %get3A_122 = arith.constant 0 : index
    %get3A_123 = vector.load %arg4[%get3A_120, %get3A_121, %get3A_122] : memref<1x1x1000xi32, #tpu.memory_space<vmem>>, vector<1x1x1000xi32>
    %get3A_124 = vector.shape_cast %get3A_123 : vector<1x1x1000xi32> to vector<1000xi32>
    %broadcast_in_dim3A_125 = vector.shape_cast %get3A_124 : vector<1000xi32> to vector<1000x1xi32>
    %iota3A = tpu.iota {dimensions = array<i32: 1>} : vector<1000x64xi32>
    %eq3A = vector.broadcast %broadcast_in_dim3A_125 : vector<1000x1xi32> to vector<1000x64xi32>
    %eq3A_126 = arith.cmpi eq, %eq3A, %iota3A : vector<1000x64xi32>
    %convert_element_type3A = arith.extui %eq3A_126 : vector<1000x64xi1> to vector<1000x64xi32>
    %convert_element_type3A_127 = arith.sitofp %convert_element_type3A : vector<1000x64xi32> to vector<1000x64xf32>
    %get3A_128 = arith.constant 0 : index
    %get3A_129 = arith.constant 0 : index
    %get3A_130 = vector.load %arg5[%get3A_128, %get3A_129] : memref<64x128xf32, #tpu.memory_space<vmem>>, vector<64x128xf32>
    %dot_general3A_131 = arith.constant dense<0.000000e+00> : vector<1000x128xf32>
    %dot_general3A_132 = tpu.matmul %convert_element_type3A_127, %get3A_130, %dot_general3A_131 {dimension_numbers = #tpu.dot_dimension_numbers<[1], [0], [0], [1], [0, 0, 1, 1], [], []>, transpose_lhs_hint = false} : vector<1000x64xf32>, vector<64x128xf32>, vector<1000x128xf32> -> vector<1000x128xf32>
    %slice3A_133 = vector.extract_strided_slice %get3A_13 {offsets = [0, 0], sizes = [128, 128], strides = [1, 1]} : vector<128x512xf32> to vector<128x128xf32>
    %dot_general3A_134 = arith.constant dense<0.000000e+00> : vector<1000x128xf32>
    %dot_general3A_135 = tpu.matmul %add3A_119, %slice3A_133, %dot_general3A_134 {dimension_numbers = #tpu.dot_dimension_numbers<[1], [1], [0], [0], [0, 0, 1, 0], [], []>, transpose_lhs_hint = false} : vector<1000x128xf32>, vector<128x128xf32>, vector<1000x128xf32> -> vector<1000x128xf32>
    %get3A_136 = arith.constant 0 : index
    %get3A_137 = arith.constant 0 : index
    %get3A_138 = vector.load %arg3[%get3A_136, %get3A_137] : memref<1000x128xf32, #tpu.memory_space<vmem>>, vector<1000x128xf32>
    %slice3A_139 = vector.extract_strided_slice %get3A_13 {offsets = [0, 128], sizes = [128, 128], strides = [1, 1]} : vector<128x512xf32> to vector<128x128xf32>
    %dot_general3A_140 = arith.constant dense<0.000000e+00> : vector<1000x128xf32>
    %dot_general3A_141 = tpu.matmul %get3A_138, %slice3A_139, %dot_general3A_140 {dimension_numbers = #tpu.dot_dimension_numbers<[1], [1], [0], [0], [0, 0, 1, 0], [], []>, transpose_lhs_hint = false} : vector<1000x128xf32>, vector<128x128xf32>, vector<1000x128xf32> -> vector<1000x128xf32>
    %add3A_142 = arith.addf %dot_general3A_135, %dot_general3A_141 : vector<1000x128xf32>
    %slice3A_143 = vector.extract_strided_slice %get3A_13 {offsets = [0, 256], sizes = [128, 128], strides = [1, 1]} : vector<128x512xf32> to vector<128x128xf32>
    %dot_general3A_144 = arith.constant dense<0.000000e+00> : vector<1000x128xf32>
    %dot_general3A_145 = tpu.matmul %add3A_65, %slice3A_143, %dot_general3A_144 {dimension_numbers = #tpu.dot_dimension_numbers<[1], [1], [0], [0], [0, 0, 1, 0], [], []>, transpose_lhs_hint = false} : vector<1000x128xf32>, vector<128x128xf32>, vector<1000x128xf32> -> vector<1000x128xf32>
    %add3A_146 = arith.addf %add3A_142, %dot_general3A_145 : vector<1000x128xf32>
    %slice3A_147 = vector.extract_strided_slice %get3A_13 {offsets = [0, 384], sizes = [128, 128], strides = [1, 1]} : vector<128x512xf32> to vector<128x128xf32>
    %dot_general3A_148 = arith.constant dense<0.000000e+00> : vector<1000x128xf32>
    %dot_general3A_149 = tpu.matmul %dot_general3A_132, %slice3A_147, %dot_general3A_148 {dimension_numbers = #tpu.dot_dimension_numbers<[1], [1], [0], [0], [0, 0, 1, 0], [], []>, transpose_lhs_hint = false} : vector<1000x128xf32>, vector<128x128xf32>, vector<1000x128xf32> -> vector<1000x128xf32>
    %add3A_150 = arith.addf %add3A_146, %dot_general3A_149 : vector<1000x128xf32>
    %get3A_151 = arith.constant 0 : index
    %get3A_152 = arith.constant 0 : index
    %get3A_153 = vector.load %arg15[%get3A_151, %get3A_152] : memref<1x128xf32, #tpu.memory_space<vmem>>, vector<1x128xf32>
    %get3A_154 = vector.shape_cast %get3A_153 : vector<1x128xf32> to vector<128xf32>
    %broadcast_in_dim3A_155 = vector.shape_cast %get3A_154 : vector<128xf32> to vector<1x128xf32>
    %add3A_156 = vector.broadcast %broadcast_in_dim3A_155 : vector<1x128xf32> to vector<1000x128xf32>
    %add3A_157 = arith.addf %add3A_150, %add3A_156 : vector<1000x128xf32>
    %max3A_158 = arith.constant 0.000000e+00 : f32
    %max3A_159 = vector.broadcast %max3A_158 : f32 to vector<1000x128xf32>
    %max3A_160 = arith.maximumf %add3A_157, %max3A_159 : vector<1000x128xf32>
    %dot_general3A_161 = arith.constant dense<0.000000e+00> : vector<1000x128xf32>
    %dot_general3A_162 = tpu.matmul %max3A_160, %get3A_16, %dot_general3A_161 {dimension_numbers = #tpu.dot_dimension_numbers<[1], [1], [0], [0], [0, 0, 1, 0], [], []>, transpose_lhs_hint = false} : vector<1000x128xf32>, vector<128x128xf32>, vector<1000x128xf32> -> vector<1000x128xf32>
    %get3A_163 = arith.constant 0 : index
    %get3A_164 = arith.constant 0 : index
    %get3A_165 = vector.load %arg17[%get3A_163, %get3A_164] : memref<1x128xf32, #tpu.memory_space<vmem>>, vector<1x128xf32>
    %get3A_166 = vector.shape_cast %get3A_165 : vector<1x128xf32> to vector<128xf32>
    %broadcast_in_dim3A_167 = vector.shape_cast %get3A_166 : vector<128xf32> to vector<1x128xf32>
    %add3A_168 = vector.broadcast %broadcast_in_dim3A_167 : vector<1x128xf32> to vector<1000x128xf32>
    %add3A_169 = arith.addf %dot_general3A_162, %add3A_168 : vector<1000x128xf32>
    %swap3A = arith.constant 0 : index
    %swap3A_170 = arith.constant 0 : index
    %swap3A_171 = vector.load %arg18[%swap3A, %swap3A_170] : memref<1000x128xf32, #tpu.memory_space<vmem>>, vector<1000x128xf32>
    tpu.vector_store %arg18[%swap3A, %swap3A_170], %add3A_169 {strides = array<i32>} : memref<1000x128xf32, #tpu.memory_space<vmem>>, vector<1000x128xf32>,
    return
  }
  func.func @transform_0(%arg0: i32) -> (i32, i32, i32) {
    %c0_i32 = arith.constant 0 : i32
    %c0_i32_0 = arith.constant 0 : i32
    %c0_i32_1 = arith.constant 0 : i32
    return %c0_i32, %arg0, %c0_i32_0 : i32, i32, i32
  }
  func.func @transform_1(%arg0: i32) -> (i32, i32, i32) {
    %c0_i32 = arith.constant 0 : i32
    %c0_i32_0 = arith.constant 0 : i32
    %c0_i32_1 = arith.constant 0 : i32
    return %c0_i32, %arg0, %c0_i32_0 : i32, i32, i32
  }
  func.func @transform_2(%arg0: i32) -> (i32, i32) {
    %c0_i32 = arith.constant 0 : i32
    %c0_i32_0 = arith.constant 0 : i32
    return %arg0, %c0_i32 : i32, i32
  }
  func.func @transform_3(%arg0: i32) -> (i32, i32, i32) {
    %c0_i32 = arith.constant 0 : i32
    %c0_i32_0 = arith.constant 0 : i32
    %c0_i32_1 = arith.constant 0 : i32
    return %arg0, %c0_i32, %c0_i32_0 : i32, i32, i32
  }
  func.func @transform_4(%arg0: i32) -> (i32, i32) {
    %c0_i32 = arith.constant 0 : i32
    %c0_i32_0 = arith.constant 0 : i32
    %c0_i32_1 = arith.constant 0 : i32
    return %c0_i32, %c0_i32_0 : i32, i32
  }
  func.func @transform_5(%arg0: i32) -> (i32, i32) {
    %c0_i32 = arith.constant 0 : i32
    %c0_i32_0 = arith.constant 0 : i32
    %c0_i32_1 = arith.constant 0 : i32
    return %c0_i32, %c0_i32_0 : i32, i32
  }
  func.func @transform_6(%arg0: i32) -> (i32, i32) {
    %c0_i32 = arith.constant 0 : i32
    %c0_i32_0 = arith.constant 0 : i32
    %c0_i32_1 = arith.constant 0 : i32
    return %c0_i32, %c0_i32_0 : i32, i32
  }
  func.func @transform_7(%arg0: i32) -> (i32, i32) {
    %c0_i32 = arith.constant 0 : i32
    %c0_i32_0 = arith.constant 0 : i32
    %c0_i32_1 = arith.constant 0 : i32
    return %c0_i32, %c0_i32_0 : i32, i32
  }
  func.func @transform_8(%arg0: i32) -> (i32, i32) {
    %c0_i32 = arith.constant 0 : i32
    %c0_i32_0 = arith.constant 0 : i32
    %c0_i32_1 = arith.constant 0 : i32
    return %c0_i32, %c0_i32_0 : i32, i32
  }
  func.func @transform_9(%arg0: i32) -> (i32, i32) {
    %c0_i32 = arith.constant 0 : i32
    %c0_i32_0 = arith.constant 0 : i32
    %c0_i32_1 = arith.constant 0 : i32
    return %c0_i32, %c0_i32_0 : i32, i32
  }
  func.func @transform_10(%arg0: i32) -> (i32, i32) {
    %c0_i32 = arith.constant 0 : i32
    %c0_i32_0 = arith.constant 0 : i32
    %c0_i32_1 = arith.constant 0 : i32
    return %c0_i32, %c0_i32_0 : i32, i32
  }
  func.func @transform_11(%arg0: i32) -> (i32, i32) {
    %c0_i32 = arith.constant 0 : i32
    %c0_i32_0 = arith.constant 0 : i32
    %c0_i32_1 = arith.constant 0 : i32
    return %c0_i32, %c0_i32_0 : i32, i32
  }
  func.func @transform_12(%arg0: i32) -> (i32, i32) {
    %c0_i32 = arith.constant 0 : i32
    %c0_i32_0 = arith.constant 0 : i32
    %c0_i32_1 = arith.constant 0 : i32
    return %c0_i32, %c0_i32_0 : i32, i32
  }
  func.func @transform_13(%arg0: i32) -> (i32, i32) {
    %c0_i32 = arith.constant 0 : i32
    %c0_i32_0 = arith.constant 0 : i32
    %c0_i32_1 = arith.constant 0 : i32
    return %c0_i32, %c0_i32_0 : i32, i32
  }
  func.func @transform_14(%arg0: i32) -> (i32, i32) {
    %c0_i32 = arith.constant 0 : i32
    %c0_i32_0 = arith.constant 0 : i32
    %c0_i32_1 = arith.constant 0 : i32
    return %c0_i32, %c0_i32_0 : i32, i32
  }
  func.func @transform_15(%arg0: i32) -> (i32, i32) {
    %c0_i32 = arith.constant 0 : i32
    %c0_i32_0 = arith.constant 0 : i32
    %c0_i32_1 = arith.constant 0 : i32
    return %c0_i32, %c0_i32_0 : i32, i32
  }
  func.func @transform_16(%arg0: i32) -> (i32, i32) {
    %c0_i32 = arith.constant 0 : i32
    %c0_i32_0 = arith.constant 0 : i32
    %c0_i32_1 = arith.constant 0 : i32
    return %c0_i32, %c0_i32_0 : i32, i32
  }
  func.func @transform_17(%arg0: i32) -> (i32, i32) {
    %c0_i32 = arith.constant 0 : i32
    %c0_i32_0 = arith.constant 0 : i32
    return %arg0, %c0_i32 : i32, i32
  }
}

</mosaic_0001>

<sc_bundles>
// kernel: kernel.4.cloned.1.call-start
scs
__scs_entry_jumppad:
0x0: {  	(pc) =	sbr.rel $0x88, $3  }
0x1: {  	(tag) =	ssettag $0x0;
	lr =	simm.s32 $0x1  }
0x2: {  	[smem:$0x3F8F] =	sst lr;
	_ =	strace $0xD0000000  }
0x3: {  	_ = 	snop  }
0x4: {  	_ = 	snop  }
0x5: {  	_ = 	snop  }
0x6: {  	_ = 	snop  }
0x7: {  	_ = 	snop  }
__scs_overlays_trampoline_lowered:
0x8: {  	[smem:$0x3F9E] =	sst s0  }
0x9: {  	[smem:$0x3F9F] =	sst s1  }
0xa: {  	[smem:$0x3FA0] =	sst s2  }
0xb: {  	[smem:$0x3FA1] =	sst s3  }
0xc: {  	[smem:$0x3FA2] =	sst s4  }
0xd: {  	[smem:$0x3FA3] =	sst s5  }
0xe: {  	[smem:$0x3FA4] =	sst s6  }
0xf: {  	[smem:$0x3FA5] =	sst s7  }
0x10: {  	[smem:$0x3FA6] =	sst s8  }
0x11: {  	[smem:$0x3FA7] =	sst s9;
	s0 =	simm.s32 @!p0 $0x0  }
0x12: {  	s1 =	sld [smem:$0x3F8D];
	s0 =	simm.s32 @p0 $0x1  }
0x13: {  	[smem:$0x3FA8] =	sst s0;
	s0 =	simm.s32 @!p1 $0x0  }
0x14: {  	s2 =	sld [smem:$0x3F8C];
	s0 =	simm.s32 @p1 $0x1  }
0x15: {  	[smem:$0x3FA9] =	sst s0;
	s0 =	simm.s32 @!p2 $0x0  }
0x16: {  	s3 =	sld [smem:$0x3FDB];
	s0 =	simm.s32 @p2 $0x1  }
0x17: {  	s4 =	simm.s32 $0x1BF5;
	[smem:$0x3FAB] =	sst s0  }
0x18: {  	s0 =	sld [smem:$0x3F8E];
	_ =	swait.ge [sflag:s4], $0x0  }
0x19: {  	s7 =	sld [smem:$0x3F8F]  }
0x1a: {  	s8 =	sadd.s32 $0xFFFFE003, lr  }
0x1b: {  	s9 =	sadd.s32 $0xFFFFFEF7, lr;
	s5 =	simm.s32 $0xFFFFFFFF;
	p2 =	slt.u32 s8, $0xFFFFF086  }
0x1c: {  	p1 =	slt.u32 s9, $0xF7A;
	s5 =	simm.s32 @!p2 $0x0  }
0x1d: {  	s5 =	simm.s32 @p1 $0x1;
	p0 =	seq.s32 s7, s2  }
0x1e: {  	s7 =	smul.u32 @!p0 $0xF7A, s2;
	p2 =	seq.s32 @!p0 s5, $0x0  }
0x1f: {  	s9 =	smul.u32 $0xF7A, s1;
	s8 =	simm.s32 @!p0 $0x1BF5;
	p2 =	por !p2, p0  }
0x20: {  	[sflag:s8] =	ssyncset.s32 @!p0 $0xFFFFF086;
	s6 =	sadd.s32 @!p0 s3, s7;
	s7 =	simm.s32 @!p0 $0x108  }
0x21: {  	s3 =	sadd.s32 s3, s9;
	s6 =	sadd.s32 @!p0 $0x88, s6;
	s7 =	simm.s32 @p2 $0x1082  }
0x22: {  	[simem:s7], [sflag:s8] =	dma.local @!p0 [hbm:s6], $0xF7A  }
0x23: {  	s9 =	sor.u32 $0xD0000000, s2;
	s6 =	simm.s32 $0x108;
	_ =	swait.ge @!p0 [sflag:s8], $0x0  }
0x24: {  	s3 =	sadd.s32 $0x88, s3;
	s6 =	simm.s32 @!p1 $0x1082;
	[sflag:s4] =	ssyncset.s32 $0xFFFFF086  }
0x25: {  	[simem:s6], [sflag:s4] =	dma.local [hbm:s3], $0xF7A  }
0x26: {  	[smem:$0x3F8F] =	sst s1;
	(tag) =	ssettag s2;
	_ =	strace s9  }
0x27: {  	s1 =	sld [smem:$0x3F9F]  }
0x28: {  	s2 =	sld [smem:$0x3FA0]  }
0x29: {  	s4 =	sld [smem:$0x3FA2]  }
0x2a: {  	p0 =	seq.s32 s5, $0x0;
	s5 =	sld [smem:$0x3FA3]  }
0x2b: {  	s6 =	sld [smem:$0x3FA4]  }
0x2c: {  	s7 =	sld [smem:$0x3FA5]  }
0x2d: {  	s3 =	simm.s32 $0x108;
	s8 =	sld [smem:$0x3FA6]  }
0x2e: {  	s3 =	simm.s32 @!p0 $0x1082;
	s9 =	sld [smem:$0x3FA7]  }
0x2f: {  	lr =	sadd.s32 s0, s3;
	s0 =	sld [smem:$0x3F9E]  }
0x30: {  	s3 =	sld [smem:$0x3FA1]  }
0x31: {  	[smem:$0x3FAA] =	sst s10  }
0x32: {  	s10 =	sld [smem:$0x3FA8];
	_ =	sdelay $0x3  }
0x33: {  	p0 =	seq.s32 s10, $0x1;
	s10 =	sld [smem:$0x3FAA];
	_ =	sdelay $0x3  }
0x34: {  	[smem:$0x3FAA] =	sst s10  }
0x35: {  	s10 =	sld [smem:$0x3FA9];
	_ =	sdelay $0x3  }
0x36: {  	p1 =	seq.s32 s10, $0x1;
	s10 =	sld [smem:$0x3FAA];
	_ =	sdelay $0x3  }
0x37: {  	[smem:$0x3FAA] =	sst s10  }
0x38: {  	s10 =	sld [smem:$0x3FAB]  }
0x39: {  	_ = 	snop;
	(pc) =	sbr.ind lr, $3  }
0x3a: {  	_ = 	snop  }
0x3b: {  	_ = 	snop  }
0x3c: {  	p2 =	seq.s32 s10, $0x1;
	s10 =	sld [smem:$0x3FAA]  }
0x3d: {  	_ =	shalt  }
0x3e: {  	_ =	shalt  }
0x3f: {  	_ =	shalt  }
0x40: {  	_ =	shalt  }
0x41: {  	_ =	shalt  }
0x42: {  	_ =	shalt  }
0x43: {  	_ =	shalt  }
0x44: {  	_ =	shalt  }
0x45: {  	_ =	shalt  }
0x46: {  	_ =	shalt  }
0x47: {  	_ =	shalt  }
0x48: {  	_ =	shalt  }
0x49: {  	_ =	shalt  }
0x4a: {  	_ =	shalt  }
0x4b: {  	_ =	shalt  }
0x4c: {  	_ =	shalt  }
0x4d: {  	_ =	shalt  }
0x4e: {  	_ =	shalt  }
0x4f: {  	_ =	shalt  }
0x50: {  	_ =	shalt  }
0x51: {  	_ =	shalt  }
0x52: {  	_ =	shalt  }
0x53: {  	_ =	shalt  }
0x54: {  	_ =	shalt  }
0x55: {  	_ =	shalt  }
0x56: {  	_ =	shalt  }
0x57: {  	_ =	shalt  }
0x58: {  	_ =	shalt  }
0x59: {  	_ =	shalt  }
0x5a: {  	_ =	shalt  }
0x5b: {  	_ =	shalt  }
0x5c: {  	_ =	shalt  }
0x5d: {  	_ =	shalt  }
0x5e: {  	_ =	shalt  }
0x5f: {  	_ =	shalt  }
0x60: {  	_ =	shalt  }
0x61: {  	_ =	shalt  }
0x62: {  	_ =	shalt  }
0x63: {  	_ =	shalt  }
0x64: {  	_ =	shalt  }
0x65: {  	_ =	shalt  }
0x66: {  	_ =	shalt  }
0x67: {  	_ =	shalt  }
0x68: {  	_ =	shalt  }
0x69: {  	_ =	shalt  }
0x6a: {  	_ =	shalt  }
0x6b: {  	_ =	shalt  }
0x6c: {  	_ =	shalt  }
0x6d: {  	_ =	shalt  }
0x6e: {  	_ =	shalt  }
0x6f: {  	_ =	shalt  }
0x70: {  	_ =	shalt  }
0x71: {  	_ =	shalt  }
0x72: {  	_ =	shalt  }
0x73: {  	_ =	shalt  }
0x74: {  	_ =	shalt  }
0x75: {  	_ =	shalt  }
0x76: {  	_ =	shalt  }
0x77: {  	_ =	shalt  }
0x78: {  	_ =	shalt  }
0x79: {  	_ =	shalt  }
0x7a: {  	_ =	shalt  }
0x7b: {  	_ =	shalt  }
0x7c: {  	_ =	shalt  }
0x7d: {  	_ =	shalt  }
0x7e: {  	_ =	shalt  }
0x7f: {  	_ =	shalt  }
0x80: {  	_ =	shalt  }
0x81: {  	_ =	shalt  }
0x82: {  	_ =	shalt  }
0x83: {  	_ =	shalt  }
0x84: {  	_ =	shalt  }
0x85: {  	_ =	shalt  }
0x86: {  	_ =	shalt  }
0x87: {  	_ =	shalt  }
.Lfunc_end0:
.L_simem_size_0:
called_computation_lowered:
.L_overlay_start_0:
0x88: {  	s2 =	sld [smem:$0x3FD9]  }
0x89: {  	s3 =	sld [smem:$0x3FFE];
	_ =	sdelay $0x1  }
0x8a: {  	s1 =	srdreg.scid  }
0x8b: {  	s0 =	sand.u32 $0x1, s1  }
0x8c: {  	s17 =	sshll.u32 s0, $0xA;
	s2 =	sadd.s32 s3, s2  }
0x8d: {  	s2 =	sadd.s32 s2, s17  }
0x8e: {  	[smem:$0x3FB6] =	sst s2  }
0x8f: {  	_ = 	snop  }
0x90: {  	s2 =	sld [smem:$0x3FD0];
	(tm) =	ssettm $0x1  }
0x91: {  	s18 =	sld [smem:$0x3FFB];
	_ =	sdelay $0x3  }
0x92: {  	_ =	strace s18  }
0x93: {  	s3 =	sld [smem:$0x3FFC];
	_ =	sdelay $0x3  }
0x94: {  	_ =	strace s3  }
0x95: {  	s3 =	sld [smem:$0x3FFD];
	_ =	sdelay $0x3  }
0x96: {  	_ =	strace s3  }
0x97: {  	_ =	strace $0x8FFFFFFF  }
0x98: {  	s19 =	sld [smem:$0x3FDB];
	_ =	sdelay $0x1  }
0x99: {  	s4 =	simm.s32 $_scs_section_size  }
0x9a: {  	s5 =	simm.s32 $_size__tile_overlayer_lowered;
	s6 =	simm.s32 $_tile_overlayer_lowered  }
0x9b: {  	s22 =	simm.s32 $0x1BFF;
	s21 =	sshll.u32 s6, $0x1;
	s3 =	sadd.s32 s4, s19  }
0x9c: {  	s7 =	simm.s32 $0x0;
	s20 =	sshll.u32 s5, $0x1;
	s5 =	sadd.s32 s21, s3  }
0x9d: {  	[timem:s7], [sflag:s22] =	dma.local [hbm:s5], s20  }
0x9e: {  	_ =	swait.ge [sflag:s22], s20  }
0x9f: {  	s4 =	ssub.s32 $0x0, s20;
	[sflag:s22] =	ssyncset.done $0x0  }
0xa0: {  	[sflag:s22] =	ssyncadd.s32 s4;
	_ =	sdelay $0x1  }
0xa1: {  	s23 =	simm.s32 $0x1B8B  }
0xa2: {  	_ =	swait.ge [sflag:s23], $0x1  }
0xa3: {  	[sflag:s23] =	ssyncset.done $0x0  }
0xa4: {  	s25 =	simm.s32 $0x1B8E;
	s24 =	sld [smem:$0x3FFE];
	[sflag:s23] =	ssyncadd.s32 $0xFFFFFFFF  }
0xa5: {  	s26 =	simm.s32 $execute0_lowered;
	[smem:$0x3FD2] =	sst s25  }
0xa6: {  	s5 =	sshll.u32 s26, $0x1;
	_ =	strace $0x80000046;
	[dreg:$0x1] =	wrdreg $0xFFFFFFFF  }
0xa7: {  	s28 =	simm.s32 $_size_execute0_lowered;
	s3 =	sadd.s32 s3, s5;
	[dreg:$0x0] =	wrdreg $0x0  }
0xa8: {  	s5 =	sshll.u32 s28, $0x1;
	[dreg:$0x2] =	wrdreg s3  }
0xa9: {  	[dreg:$0x3] =	wrdreg s5  }
0xaa: {  	[dreg:$0x4] =	wrdreg $0xC0  }
0xab: {  	_ =	task [dreg:s7], $0x5FFFF  }
0xac: {  	[dreg:$0x1] =	wrdreg $0xFFFFFFFF  }
0xad: {  	[dreg:$0x0] =	wrdreg $0x60  }
0xae: {  	[dreg:$0x2] =	wrdreg s2  }
0xaf: {  	[dreg:$0x3] =	wrdreg s24  }
0xb0: {  	[dreg:$0x4] =	wrdreg $0x70000  }
0xb1: {  	[dreg:$0x5] =	wrdreg $0x133500  }
0xb2: {  	[dreg:$0x6] =	wrdreg $0x9  }
0xb3: {  	_ =	task.clear_ibuf [dreg:s7], $0x7FFFF;
	_ =	strace $0x90000046  }
0xb4: {  	s29 =	simm.s32 $0x9;
	_ =	strace $0x80000048  }
0xb5: {  	_ =	swait.ge [sflag:s29], $0x1  }
0xb6: {  	[sflag:s29] =	ssyncadd.s32 $0xFFFFFFFF  }
0xb7: {  	_ =	strace $0x90000048  }
0xb8: {  	_ =	sfence  }
0xb9: {  	s30 =	sld [smem:$0x0];
	_ =	sdelay $0x2  }
0xba: {  	s31 =	sshll.u32 s1, $0xD;
	s1 =	sshrl.u32 s1, $0x2  }
0xbb: {  	s3 =	sand.u32 $0x4000, s31;
	s1 =	sadd.s32 s1, s30  }
0xbc: {  	s0 =	sor.u32 s3, s0;
	s1 =	sshll.u32 s1, $0x11  }
0xbd: {  	s0 =	sor.u32 s1, s0  }
0xbe: {  	s0 =	sadd.s32 $0x8F2B, s0  }
0xbf: {  	[sflag:s0] =	ssyncadd.remote.s32 $0x1  }
0xc0: {  	_ =	sfence.sel $0xFFFF  }
0xc1: {  	[dreg:$0x0] =	wrdreg $0xFFFFFFFF;
	(pc) =	sbr.abs _section_cstart, $3  }
0xc2: {  	[dreg:$0x1] =	wrdreg $0xFFFFFFFF  }
0xc3: {  	_ =	task.clear_ibuf [dreg:s7], $0x2FFFF;
	_ =	strace $0x9FFFFFFF  }
0xc4: {  	(tm) =	ssettm $0x7FFFFFFF  }
0xc5: {  	_ =	shalt  }
tec
execute0_lowered:
.L_overlay_start_1:
0x0: {  	(tag) =	ssettag $0x1  }
0x1: {  	s0 =	rddreg [dreg:$0x0]  }
0x2: {  	s2 =	rddreg [dreg:$0x1]  }
0x3: {  	s14 =	stileid.u32;
	s5 =	srdreg.scid  }
0x4: {  	s1 =	rddreg [dreg:$0x2];
	s7 =	sand.u32 $0x1, s5;
	s8 =	smul.u32 $0x618, s14  }
0x5: {  	s3 =	rddreg [dreg:$0x3];
	s4 =	simm.s32 $0x0;
	s10 =	smul.u32 $0xC350, s7  }
0x6: {  	[smem:$0x7FF] =	sst s4;
	s12 =	smul.u32 $0x186A00, s7  }
0x7: {  	s11 =	sadd.s32 $0x9C800, s2;
	_ =	strace $0x80000047;
	s8 =	sadd.s32 s8, s10  }
0x8: {  	s7 =	ssub.s32 $0x2, s7;
	s12 =	sshrl.u32 s12, $0x3;
	s8 =	sshll.u32 s8, $0x2  }
0x9: {  	s15 =	sshrl.u32 s7, $0x1;
	s17 =	sadd.s32 $0x18600, s12;
	s16 =	sadd.s32 s0, s8  }
0xa: {  	s7 =	ssub.s32 s7, s15;
	s15 =	sadd.s32 s0, s17;
	[dreg:$0x5] =	wrdreg s16  }
0xb: {  	s9 =	sadd.s32 $0x198E00, s2;
	s18 =	sadd.s32 s11, s8;
	[dreg:$0x6] =	wrdreg s15  }
0xc: {  	s19 =	sadd.s32 s9, s8;
	[dreg:$0x7] =	wrdreg s18  }
0xd: {  	s6 =	smul.u32 $0xC400, s14;
	s20 =	sadd.s32 s11, s17;
	[dreg:$0x8] =	wrdreg s19  }
0xe: {  	s13 =	sadd.s32 $0x3AC00, s2;
	s21 =	sadd.s32 s9, s17;
	[dreg:$0x9] =	wrdreg s20  }
0xf: {  	s5 =	sadd.s32 $0x5C00, s2;
	s22 =	sadd.s32 s13, s8;
	[dreg:$0xa] =	wrdreg s21  }
0x10: {  	s23 =	sadd.s32 $0x30CA0, s12;
	s10 =	sadd.s32 s13, s17;
	[dreg:$0xb] =	wrdreg s22  }
0x11: {  	p0 =	sne.s32 s14, $0xF;
	s29 =	sadd.s32 s11, s23;
	[dreg:$0xc] =	wrdreg s10  }
0x12: {  	s8 =	sadd.s32 $0x186A0, s8;
	s30 =	sadd.s32 s9, s23;
	[dreg:$0x11] =	wrdreg s29  }
0x13: {  	s12 =	sshrl.u32 s6, $0x3;
	s24 =	sadd.s32 s0, s8;
	[dreg:$0x12] =	wrdreg s30  }
0x14: {  	s17 =	smul.u32 $0xC300, s14;
	s0 =	sadd.s32 s0, s23;
	[dreg:$0xd] =	wrdreg s24  }
0x15: {  	s25 =	sadd.s32 s11, s8;
	s26 =	sadd.s32 s9, s8;
	[dreg:$0xe] =	wrdreg s0  }
0x16: {  	s9 =	sadd.s32 s13, s8;
	s11 =	sadd.s32 s13, s23;
	[dreg:$0xf] =	wrdreg s25  }
0x17: {  	s22 =	sadd.s32 $0x15C00, s2;
	s23 =	sadd.s32 $0x2400, s2;
	[dreg:$0x10] =	wrdreg s26  }
0x18: {  	s13 =	sshll.u32 s14, $0x6;
	s15 =	smul.u32 $0xC80, s14;
	[dreg:$0x13] =	wrdreg s9  }
0x19: {  	s16 =	sadd.s32 s6, s3;
	s20 =	smul.u32 $0x380, s14;
	[dreg:$0x14] =	wrdreg s11  }
0x1a: {  	s29 =	sadd.s32 $0xC3000, s1;
	s10 =	smul.u32 $0x6400, s14;
	[dreg:$0x15] =	wrdreg s16  }
0x1b: {  	s30 =	sadd.s32 $0xC3000, s3;
	s0 =	sadd.s32 s12, s2;
	[dreg:$0x1e] =	wrdreg s29  }
0x1c: {  	s24 =	sadd.s32 $0x12400, s2;
	s2 =	sadd.s32 s17, s3;
	[dreg:$0x1f] =	wrdreg s30  }
0x1d: {  	s25 =	sor.u32 $0x1C0B, s13;
	s26 =	smax.u32 s7, $0x1;
	[dreg:$0x1a] =	wrdreg s2  }
0x1e: {  	s18 =	sadd.s32 s17, s1;
	s12 =	smul.u32 $0x1C00, s14;
	[dreg:$0x1d] =	wrdreg s26  }
0x1f: {  	s13 =	simm.s32 $0xB;
	s19 =	sadd.s32 s22, s15;
	[dreg:$0x19] =	wrdreg s18  }
.Ltmp0:
0x20: {  	s21 =	sadd.s32 s5, s15;
	[dreg:$0x17] =	wrdreg s19;
	(pc) =	sbr.rel .LBB2_1-.Ltmp0, $4  }
0x21: {  	s28 =	sadd.s32 $0x22400, s0;
	s0 =	sadd.s32 s23, s20;
	[dreg:$0x18] =	wrdreg s21  }
0x22: {  	s16 =	simm.s32 $0x100;
	s7 =	simm.s32 $0x0;
	[dreg:$0x1c] =	wrdreg s0  }
0x23: {  	s31 =	sadd.s32 s24, s20;
	s26 =	simm.s32 $0xA;
	[dreg:$0x16] =	wrdreg s28  }
0x24: {  	s21 =	simm.s32 $0x9;
	s0 =	simm.s32 $0x8;
	[dreg:$0x1b] =	wrdreg s31  }
.LBB2_25:
0x25: {  	s2 =	simm.s32 $0x5  }
0x26: {  	_ =	swait.ge [sflag:s2], $0x2000  }
0x27: {  	[sflag:s2] =	ssyncset.done $0x0  }
0x28: {  	s20 =	simm.s32 $0xB00;
	s6 =	simm.s32 $0x1000;
	[sflag:s2] =	ssyncadd.s32 $0xFFFFE000  }
0x29: {  	[spmem:s3] =	stream.indirect.scatter.add.f32 [tilespmem:s6], [sflag:$0x8], $0x20, s20, s16, $0xb8;
	[tilespmem:$0x1F750] =	vst v63  }
0x2a: {  	_ =	swait.ge [sflag:s21], $0x2000  }
0x2b: {  	[sflag:s21] =	ssyncset.done $0x0  }
0x2c: {  	[sflag:s21] =	ssyncadd.s32 $0xFFFFE000  }
0x2d: {  	_ =	swait.ge [sflag:s26], $0x2000  }
0x2e: {  	[sflag:s26] =	ssyncset.done $0x0  }
0x2f: {  	[sflag:s26] =	ssyncadd.s32 $0xFFFFE000  }
0x30: {  	_ =	swait.ge [sflag:s0], $0x2000  }
0x31: {  	[sflag:s0] =	ssyncset.done $0x0  }
0x32: {  	[sflag:s0] =	ssyncadd.s32 $0xFFFFE000  }
0x33: {  	[bflag:$0x0] =	sbarrier.arrive $0xFFFF  }
0x34: {  	s29 =	rddreg [dreg:$0x13]  }
0x35: {  	[hbm:s29], [sflag:s25] =	dma.local [spmem:s9], $0x1860  }
0x36: {  	_ =	swait.ge [sflag:s13], $0x1860  }
0x37: {  	[sflag:s13] =	ssyncset.done $0x0  }
0x38: {  	s2 =	rddreg [dreg:$0x14];
	[sflag:s13] =	ssyncadd.s32 $0xFFFFE7A0  }
0x39: {  	[hbm:s2], [sflag:s25] =	dma.local @!p0 [spmem:s14], $0xA0  }
0x3a: {  	s2 =	simm.s32 @!p0 $0xB  }
0x3b: {  	_ =	swait.ge @!p0 [sflag:s2], $0xA0  }
0x3c: {  	s7 =	sadd.s32 $0x1, s7;
	s30 =	rddreg [dreg:$0x1d]  }
0x3d: {  	p1 =	sne.s32 s7, s30  }
.Ltmp1:
0x3e: {  	_ = 	snop;
	(pc) =	sbr.rel @!p1 .LBB2_26-.Ltmp1, $4  }
0x3f: {  	[sflag:s2] =	ssyncset.done @!p0 $0x0  }
0x40: {  	[sflag:s2] =	ssyncadd.s32 @!p0 $0xFFFFFF60  }
0x41: {  	[bflag:$0x0] =	sbarrier.arrive $0xFFFF  }
0x42: {  	s18 =	rddreg [dreg:$0x19]  }
.LBB2_1:
0x43: {  	s2 =	sshrl.u32 s18, $0x3;
	s6 =	rddreg [dreg:$0x5]  }
0x44: {  	[spmem:s2], [sflag:s25] =	dma.local [hbm:s6], $0x1860  }
0x45: {  	_ =	swait.ge [sflag:s13], $0x1860  }
0x46: {  	[sflag:s13] =	ssyncset.done $0x0;
	s2 =	rddreg [dreg:$0x1e]  }
0x47: {  	[sflag:s13] =	ssyncadd.s32 $0xFFFFE7A0;
	s8 =	sshrl.u32 @!p0 s2, $0x3;
	s2 =	rddreg [dreg:$0x6]  }
0x48: {  	[spmem:s8], [sflag:s25] =	dma.local @!p0 [hbm:s2], $0xA0  }
0x49: {  	s2 =	simm.s32 @!p0 $0xB  }
0x4a: {  	_ =	swait.ge @!p0 [sflag:s2], $0xA0  }
0x4b: {  	[sflag:s2] =	ssyncset.done @!p0 $0x0;
	s19 =	rddreg [dreg:$0x15]  }
0x4c: {  	[sflag:s2] =	ssyncadd.s32 @!p0 $0xFFFFFF60;
	s11 =	sshrl.u32 s19, $0x3  }
0x4d: {  	[spmem:s11], [sflag:s25] =	dma.local [hbm:s28], $0x1880  }
0x4e: {  	_ =	swait.ge [sflag:s13], $0x1880  }
0x4f: {  	[sflag:s13] =	ssyncset.done $0x0  }
0x50: {  	[sflag:s13] =	ssyncadd.s32 $0xFFFFE780  }
.Ltmp2:
0x51: {  	[bflag:$0x0] =	sbarrier.arrive $0xFFFF;
	(pc) =	sbr.rel .LBB2_2-.Ltmp2, $4  }
0x52: {  	s29 =	simm.s32 $0x800;
	s20 =	rddreg [dreg:$0x17]  }
0x53: {  	[tilespmem:s29], [sflag:$0x3] =	stream.linear.gather [hbm4b:s20+s4], $0x400, $0x38;
	[tilespmem:$0x1F750] =	vst v63  }
0x54: {  	s9 =	simm.s32 $0xFFFFFC00;
	s14 =	simm.s32 $0x0;
	s30 =	rddreg [dreg:$0x18]  }
0x55: {  	[tilespmem:s4], [sflag:$0x1] =	stream.linear.gather [hbm4b:s30+s4], $0x400, $0x38;
	[tilespmem:$0x1F750] =	vst v63  }
.LBB2_3:
0x56: {  	s2 =	sadd.s32 $0x1, s2  }
0x57: {  	s6 =	sshll.u32 s2, $0xA  }
0x58: {  	s2 =	sand.u32 $0x1, s2;
	s6 =	sadd.s32 s10, s6  }
0x59: {  	s15 =	sshll.u32 s2, $0xA;
	s6 =	sshrl.u32 s6, $0x3  }
0x5a: {  	s19 =	sadd.s32 $0x3, s2;
	s17 =	sor.u32 $0x800, s15;
	s29 =	sadd.s32 s22, s6  }
0x5b: {  	[tilespmem:s17], [sflag:s19] =	stream.linear.gather [hbm4b:s29+s4], $0x400, $0x38;
	[tilespmem:$0x1F750] =	vst v63  }
0x5c: {  	s2 =	sadd.s32 $0x1, s2;
	s6 =	sadd.s32 s5, s6  }
0x5d: {  	[tilespmem:s15], [sflag:s2] =	stream.linear.gather [hbm4b:s6+s4], $0x400, $0x38;
	[tilespmem:$0x1F750] =	vst v63  }
.LBB2_5:
0x5e: {  	s2 =	sadd.s32 $0xFFFFFFFF, s14  }
0x5f: {  	s6 =	sand.u32 $0xFF, s2  }
0x60: {  	s6 =	smul.u32 $0xAB, s6;
	_ =	sdelay $0x1  }
0x61: {  	s6 =	sshrl.u32 s6, $0x9  }
0x62: {  	s6 =	smul.u32 $0x3, s6;
	_ =	sdelay $0x1  }
0x63: {  	s2 =	ssub.s32 s2, s6  }
0x64: {  	s2 =	sand.u32 $0xFF, s2  }
0x65: {  	s15 =	sand.u32 $0x1C00, s9;
	s29 =	sadd.s32 $0x5, s2  }
0x66: {  	s15 =	sshrl.u32 s15, $0x2;
	_ =	swait.ge [sflag:s29], $0x2000  }
0x67: {  	s15 =	sor.u32 $0x800, s15;
	s30 =	sshll.u32 s2, $0xD;
	[sflag:s29] =	ssyncset.done $0x0  }
0x68: {  	s2 =	sor.u32 $0x8, s2;
	s6 =	sor.u32 $0x1000, s30;
	[sflag:s29] =	ssyncadd.s32 $0xFFFFE000  }
0x69: {  	[spmem:s3] =	stream.indirect.scatter.add.f32 [tilespmem:s6], [sflag:s2], $0x20, s15, s16, $0xb8;
	[tilespmem:$0x1F750] =	vst v63  }
.LBB2_6:
0x6a: {  	s14 =	sadd.s32 $0x1, s14  }
0x6b: {  	p1 =	sne.s32 s14, $0x64  }
.Ltmp3:
0x6c: {  	_ = 	snop;
	(pc) =	sbr.rel @!p1 .LBB2_7-.Ltmp3, $2  }
0x6d: {  	_ =	sdelay $0x2  }
0x6e: {  	s9 =	sadd.s32 $0x400, s9  }
.LBB2_2:
0x6f: {  	p1 =	slt.u32 s14, $0x3  }
0x70: {  	s17 =	sand.u32 $0x3, s14;
	s6 =	sadd.s32 @!p1 $0xFFFFFFFD, s14  }
0x71: {  	s2 =	sshrl.u32 s14, $0x2;
	p2 =	sne.s32 s17, $0x0;
	s29 =	sand.u32 @!p1 $0xFF, s6  }
0x72: {  	s30 =	sand.u32 @!p2 $0x1, s2;
	s29 =	smul.u32 @!p1 $0xAB, s29  }
0x73: {  	s15 =	sadd.s32 @!p2 $0x1, s30  }
0x74: {  	_ =	swait.ge @!p2 [sflag:s15], $0x400;
	s29 =	sshrl.u32 @!p1 s29, $0x9  }
0x75: {  	[sflag:s15] =	ssyncset.done @!p2 $0x0;
	s29 =	smul.u32 @!p1 $0x3, s29  }
0x76: {  	[sflag:s15] =	ssyncadd.s32 @!p2 $0xFFFFFC00;
	s15 =	sadd.s32 @!p2 $0x3, s30  }
0x77: {  	_ =	swait.ge @!p2 [sflag:s15], $0x400;
	s6 =	ssub.s32 @!p1 s6, s29  }
0x78: {  	[sflag:s15] =	ssyncset.done @!p2 $0x0;
	s6 =	sor.u32 @!p1 $0x8, s6  }
0x79: {  	s19 =	smul.u32 $0xAB, s14;
	[sflag:s15] =	ssyncadd.s32 @!p2 $0xFFFFFC00;
	s6 =	sand.u32 @!p1 $0xFF, s6  }
0x7a: {  	_ =	swait.ge @!p1 [sflag:s6], $0x2000  }
0x7b: {  	s19 =	sshrl.u32 s19, $0x9;
	[sflag:s6] =	ssyncset.done @!p1 $0x0  }
0x7c: {  	s19 =	sand.u32 $0x7F, s19;
	[sflag:s6] =	ssyncadd.s32 @!p1 $0xFFFFE000;
	p1 =	sgt.u32 s14, $0x61  }
0x7d: {  	s30 =	smul.u32 $0x3, s19;
	p2 =	sne.s32 @!p1 s17, $0x2  }
0x7e: {  	p1 =	por p1, p2  }
.Ltmp4:
0x7f: {  	s15 =	ssub.s32 s14, s30;
	(pc) =	sbr.rel @!p1 .LBB2_3-.Ltmp4, $4  }
0x80: {  	s19 =	sshll.u32 s2, $0xA;
	s6 =	sand.u32 $0xFF, s15  }
0x81: {  	s30 =	sshll.u32 s17, $0x8;
	s15 =	sand.u32 $0x400, s19;
	s20 =	sshll.u32 s6, $0xD  }
0x82: {  	s15 =	sor.u32 s30, s15;
	s6 =	sadd.s32 $0x5, s6;
	s19 =	sor.u32 $0x1000, s20  }
0x83: {  	[tilespmem:s19], [sflag:s6] =	stream.indirect.gather [spmem:s1], $0x20, s15, s16, $0xb8;
	[tilespmem:$0x1F750] =	vst v63  }
0x84: {  	p1 =	seq.s32 s14, $0x0  }
.Ltmp5:
0x85: {  	_ = 	snop;
	(pc) =	sbr.rel @!p1 .LBB2_5-.Ltmp5, $4  }
.Ltmp6:
0x86: {  	_ = 	snop;
	(pc) =	sbr.rel @p1 .LBB2_6-.Ltmp6, $4  }
0x87: {  	_ = 	snop  }
0x88: {  	_ = 	snop  }
0x89: {  	_ = 	snop  }
0x8a: {  	_ = 	snop  }
.LBB2_7:
0x8b: {  	s2 =	simm.s32 $0x5  }
0x8c: {  	_ =	swait.ge [sflag:s2], $0x2000  }
0x8d: {  	[sflag:s2] =	ssyncset.done $0x0  }
0x8e: {  	s17 =	simm.s32 $0xB00;
	s6 =	simm.s32 $0x1000;
	[sflag:s2] =	ssyncadd.s32 $0xFFFFE000  }
0x8f: {  	[spmem:s3] =	stream.indirect.scatter.add.f32 [tilespmem:s6], [sflag:$0x8], $0x20, s17, s16, $0xb8;
	[tilespmem:$0x1F750] =	vst v63  }
0x90: {  	_ =	swait.ge [sflag:s21], $0x2000  }
0x91: {  	[sflag:s21] =	ssyncset.done $0x0  }
0x92: {  	[sflag:s21] =	ssyncadd.s32 $0xFFFFE000  }
0x93: {  	_ =	swait.ge [sflag:s26], $0x2000  }
0x94: {  	[sflag:s26] =	ssyncset.done $0x0  }
0x95: {  	[sflag:s26] =	ssyncadd.s32 $0xFFFFE000  }
0x96: {  	_ =	swait.ge [sflag:s0], $0x2000  }
0x97: {  	[sflag:s0] =	ssyncset.done $0x0  }
0x98: {  	[sflag:s0] =	ssyncadd.s32 $0xFFFFE000  }
0x99: {  	[bflag:$0x0] =	sbarrier.arrive $0xFFFF  }
0x9a: {  	s19 =	rddreg [dreg:$0x1a]  }
0x9b: {  	s20 =	rddreg [dreg:$0x7];
	s9 =	sshrl.u32 s19, $0x3  }
0x9c: {  	[hbm:s20], [sflag:s25] =	dma.local [spmem:s9], $0x1860  }
0x9d: {  	_ =	swait.ge [sflag:s13], $0x1860  }
0x9e: {  	[sflag:s13] =	ssyncset.done $0x0  }
0x9f: {  	[sflag:s13] =	ssyncadd.s32 $0xFFFFE7A0  }
0xa0: {  	[bflag:$0x0] =	sbarrier.arrive @p0 $0xFFFF  }
0xa1: {  	s2 =	simm.s32 @p0 $0xB;
	s17 =	sshrl.u32 @p0 s18, $0x3;
	s6 =	rddreg [dreg:$0x8]  }
0xa2: {  	[spmem:s17], [sflag:s25] =	dma.local @p0 [hbm:s6], $0x1860  }
0xa3: {  	_ =	swait.ge @p0 [sflag:s2], $0x1860  }
0xa4: {  	[sflag:s2] =	ssyncset.done @p0 $0x0  }
0xa5: {  	[sflag:s2] =	ssyncadd.s32 @p0 $0xFFFFE7A0;
	s2 =	rddreg [dreg:$0x1f]  }
0xa6: {  	s14 =	sshrl.u32 @!p0 s2, $0x3;
	s2 =	rddreg [dreg:$0x9]  }
0xa7: {  	[hbm:s2], [sflag:s25] =	dma.local @!p0 [spmem:s14], $0xA0  }
0xa8: {  	s2 =	simm.s32 @!p0 $0xB  }
0xa9: {  	_ =	swait.ge @!p0 [sflag:s2], $0xA0  }
0xaa: {  	[sflag:s2] =	ssyncset.done @!p0 $0x0  }
0xab: {  	[sflag:s2] =	ssyncadd.s32 @!p0 $0xFFFFFF60  }
0xac: {  	s29 =	sshrl.u32 @!p0 s18, $0x3;
	[bflag:$0x0] =	sbarrier.arrive @!p0 $0xFFFF  }
0xad: {  	[spmem:s29], [sflag:s25] =	dma.local @!p0 [hbm:s6], $0x1860  }
0xae: {  	_ =	swait.ge @!p0 [sflag:s2], $0x1860  }
0xaf: {  	[sflag:s2] =	ssyncset.done @!p0 $0x0  }
0xb0: {  	s6 =	rddreg [dreg:$0xa];
	[sflag:s2] =	ssyncadd.s32 @!p0 $0xFFFFE7A0  }
0xb1: {  	[spmem:s8], [sflag:s25] =	dma.local @!p0 [hbm:s6], $0xA0  }
0xb2: {  	_ =	swait.ge @!p0 [sflag:s2], $0xA0  }
0xb3: {  	[sflag:s2] =	ssyncset.done @!p0 $0x0  }
0xb4: {  	[sflag:s2] =	ssyncadd.s32 @!p0 $0xFFFFFF60  }
0xb5: {  	[spmem:s11], [sflag:s25] =	dma.local [hbm:s28], $0x1880  }
0xb6: {  	_ =	swait.ge [sflag:s13], $0x1880  }
0xb7: {  	[sflag:s13] =	ssyncset.done $0x0  }
.Ltmp7:
0xb8: {  	[sflag:s13] =	ssyncadd.s32 $0xFFFFE780;
	(pc) =	sbr.rel .LBB2_8-.Ltmp7, $4  }
0xb9: {  	s30 =	simm.s32 $0x0;
	s28 =	simm.s32 $0x800;
	[bflag:$0x0] =	sbarrier.arrive $0xFFFF  }
0xba: {  	[tilespmem:s28], [sflag:$0x3] =	stream.linear.gather [hbm4b:s31+s30], $0x400, $0x38;
	[tilespmem:$0x1F750] =	vst v63  }
0xbb: {  	s2 =	simm.s32 $0xFFFFFC00;
	s31 =	rddreg [dreg:$0x1c]  }
0xbc: {  	[tilespmem:s30], [sflag:$0x1] =	stream.linear.gather [hbm4b:s31+s30], $0x400, $0x38;
	[tilespmem:$0x1F750] =	vst v63  }
.LBB2_9:
0xbd: {  	s6 =	sadd.s32 $0x1, s6  }
0xbe: {  	s15 =	sshll.u32 s6, $0xA  }
0xbf: {  	s6 =	sand.u32 $0x1, s6;
	s15 =	sadd.s32 s12, s15  }
0xc0: {  	s18 =	sshll.u32 s6, $0xA;
	s15 =	sshrl.u32 s15, $0x3  }
0xc1: {  	s20 =	sadd.s32 $0x3, s6;
	s19 =	sor.u32 $0x800, s18;
	s28 =	sadd.s32 s24, s15  }
0xc2: {  	[tilespmem:s19], [sflag:s20] =	stream.linear.gather [hbm4b:s28+s4], $0x400, $0x38;
	[tilespmem:$0x1F750] =	vst v63  }
0xc3: {  	s6 =	sadd.s32 $0x1, s6;
	s15 =	sadd.s32 s23, s15  }
0xc4: {  	[tilespmem:s18], [sflag:s6] =	stream.linear.gather [hbm4b:s15+s4], $0x400, $0x38;
	[tilespmem:$0x1F750] =	vst v63  }
.LBB2_11:
0xc5: {  	s6 =	sadd.s32 $0xFFFFFFFF, s30  }
0xc6: {  	s15 =	sand.u32 $0xFF, s6  }
0xc7: {  	s15 =	smul.u32 $0xAB, s15;
	_ =	sdelay $0x1  }
0xc8: {  	s15 =	sshrl.u32 s15, $0x9  }
0xc9: {  	s15 =	smul.u32 $0x3, s15;
	_ =	sdelay $0x1  }
0xca: {  	s6 =	ssub.s32 s6, s15  }
0xcb: {  	s6 =	sand.u32 $0xFF, s6  }
0xcc: {  	s18 =	sand.u32 $0x1C00, s2;
	s28 =	sadd.s32 $0x5, s6  }
0xcd: {  	s18 =	sshrl.u32 s18, $0x2;
	_ =	swait.ge [sflag:s28], $0x2000  }
0xce: {  	s18 =	sor.u32 $0x800, s18;
	s31 =	sshll.u32 s6, $0xD;
	[sflag:s28] =	ssyncset.done $0x0  }
0xcf: {  	s6 =	sor.u32 $0x8, s6;
	s15 =	sor.u32 $0x1000, s31;
	[sflag:s28] =	ssyncadd.s32 $0xFFFFE000  }
0xd0: {  	[spmem:s3] =	stream.indirect.scatter.add.f32 [tilespmem:s15], [sflag:s6], $0x20, s18, s16, $0xb8;
	[tilespmem:$0x1F750] =	vst v63  }
.LBB2_12:
0xd1: {  	s30 =	sadd.s32 $0x1, s30  }
0xd2: {  	p1 =	sne.s32 s30, $0x1C  }
.Ltmp8:
0xd3: {  	_ = 	snop;
	(pc) =	sbr.rel @!p1 .LBB2_13-.Ltmp8, $2  }
0xd4: {  	_ =	sdelay $0x2  }
0xd5: {  	s2 =	sadd.s32 $0x400, s2  }
.LBB2_8:
0xd6: {  	p1 =	slt.u32 s30, $0x3  }
0xd7: {  	s19 =	sand.u32 $0x3, s30;
	s15 =	sadd.s32 @!p1 $0xFFFFFFFD, s30  }
0xd8: {  	s6 =	sshrl.u32 s30, $0x2;
	p2 =	sne.s32 s19, $0x0;
	s20 =	sand.u32 @!p1 $0xFF, s15  }
0xd9: {  	s31 =	sand.u32 @!p2 $0x1, s6;
	s20 =	smul.u32 @!p1 $0xAB, s20  }
0xda: {  	s28 =	sadd.s32 @!p2 $0x1, s31  }
0xdb: {  	_ =	swait.ge @!p2 [sflag:s28], $0x400;
	s20 =	sshrl.u32 @!p1 s20, $0x9  }
0xdc: {  	[sflag:s28] =	ssyncset.done @!p2 $0x0;
	s20 =	smul.u32 @!p1 $0x3, s20  }
0xdd: {  	[sflag:s28] =	ssyncadd.s32 @!p2 $0xFFFFFC00;
	s28 =	sadd.s32 @!p2 $0x3, s31  }
0xde: {  	_ =	swait.ge @!p2 [sflag:s28], $0x400;
	s15 =	ssub.s32 @!p1 s15, s20  }
0xdf: {  	[sflag:s28] =	ssyncset.done @!p2 $0x0;
	s15 =	sor.u32 @!p1 $0x8, s15  }
0xe0: {  	s18 =	smul.u32 $0xAB, s30;
	[sflag:s28] =	ssyncadd.s32 @!p2 $0xFFFFFC00;
	s15 =	sand.u32 @!p1 $0xFF, s15  }
0xe1: {  	_ =	swait.ge @!p1 [sflag:s15], $0x2000  }
0xe2: {  	s18 =	sshrl.u32 s18, $0x9;
	[sflag:s15] =	ssyncset.done @!p1 $0x0  }
0xe3: {  	s18 =	sand.u32 $0x7F, s18;
	[sflag:s15] =	ssyncadd.s32 @!p1 $0xFFFFE000;
	p1 =	sgt.u32 s30, $0x19  }
0xe4: {  	s18 =	smul.u32 $0x3, s18;
	p2 =	sne.s32 @!p1 s19, $0x2  }
0xe5: {  	p1 =	por p1, p2  }
.Ltmp9:
0xe6: {  	s18 =	ssub.s32 s30, s18;
	(pc) =	sbr.rel @!p1 .LBB2_9-.Ltmp9, $4  }
0xe7: {  	s28 =	sshll.u32 s6, $0xA;
	s15 =	sand.u32 $0xFF, s18  }
0xe8: {  	s31 =	sshll.u32 s19, $0x8;
	s18 =	sand.u32 $0x400, s28;
	s20 =	sshll.u32 s15, $0xD  }
0xe9: {  	s18 =	sor.u32 s31, s18;
	s15 =	sadd.s32 $0x5, s15;
	s20 =	sor.u32 $0x1000, s20  }
0xea: {  	[tilespmem:s20], [sflag:s15] =	stream.indirect.gather [spmem:s1], $0x20, s18, s16, $0xb8;
	[tilespmem:$0x1F750] =	vst v63  }
0xeb: {  	p1 =	seq.s32 s30, $0x0  }
.Ltmp10:
0xec: {  	_ = 	snop;
	(pc) =	sbr.rel @!p1 .LBB2_11-.Ltmp10, $4  }
.Ltmp11:
0xed: {  	_ = 	snop;
	(pc) =	sbr.rel @p1 .LBB2_12-.Ltmp11, $4  }
0xee: {  	_ = 	snop  }
0xef: {  	_ = 	snop  }
0xf0: {  	_ = 	snop  }
0xf1: {  	_ = 	snop  }
.LBB2_13:
0xf2: {  	s2 =	simm.s32 $0x5  }
0xf3: {  	_ =	swait.ge [sflag:s2], $0x2000  }
0xf4: {  	[sflag:s2] =	ssyncset.done $0x0  }
0xf5: {  	s15 =	simm.s32 $0xB00;
	s6 =	simm.s32 $0x1000;
	[sflag:s2] =	ssyncadd.s32 $0xFFFFE000  }
0xf6: {  	[spmem:s3] =	stream.indirect.scatter.add.f32 [tilespmem:s6], [sflag:$0x8], $0x20, s15, s16, $0xb8;
	[tilespmem:$0x1F750] =	vst v63  }
0xf7: {  	_ =	swait.ge [sflag:s21], $0x2000  }
0xf8: {  	[sflag:s21] =	ssyncset.done $0x0  }
0xf9: {  	[sflag:s21] =	ssyncadd.s32 $0xFFFFE000  }
0xfa: {  	_ =	swait.ge [sflag:s26], $0x2000  }
0xfb: {  	[sflag:s26] =	ssyncset.done $0x0  }
0xfc: {  	[sflag:s26] =	ssyncadd.s32 $0xFFFFE000  }
0xfd: {  	_ =	swait.ge [sflag:s0], $0x2000  }
0xfe: {  	[sflag:s0] =	ssyncset.done $0x0  }
0xff: {  	[sflag:s0] =	ssyncadd.s32 $0xFFFFE000  }
0x100: {  	[bflag:$0x0] =	sbarrier.arrive $0xFFFF  }
0x101: {  	s18 =	rddreg [dreg:$0xb]  }
0x102: {  	[hbm:s18], [sflag:s25] =	dma.local [spmem:s9], $0x1860  }
0x103: {  	_ =	swait.ge [sflag:s13], $0x1860  }
0x104: {  	[sflag:s13] =	ssyncset.done $0x0  }
0x105: {  	[sflag:s13] =	ssyncadd.s32 $0xFFFFE7A0  }
0x106: {  	[bflag:$0x0] =	sbarrier.arrive @p0 $0xFFFF  }
0x107: {  	s2 =	simm.s32 @p0 $0xB;
	s6 =	rddreg [dreg:$0xd]  }
0x108: {  	[spmem:s17], [sflag:s25] =	dma.local @p0 [hbm:s6], $0x1860  }
0x109: {  	_ =	swait.ge @p0 [sflag:s2], $0x1860  }
0x10a: {  	[sflag:s2] =	ssyncset.done @p0 $0x0  }
0x10b: {  	[sflag:s2] =	ssyncadd.s32 @p0 $0xFFFFE7A0;
	s2 =	rddreg [dreg:$0xc]  }
0x10c: {  	[hbm:s2], [sflag:s25] =	dma.local @!p0 [spmem:s14], $0xA0  }
0x10d: {  	s2 =	simm.s32 @!p0 $0xB  }
0x10e: {  	_ =	swait.ge @!p0 [sflag:s2], $0xA0  }
0x10f: {  	[sflag:s2] =	ssyncset.done @!p0 $0x0  }
0x110: {  	[sflag:s2] =	ssyncadd.s32 @!p0 $0xFFFFFF60  }
0x111: {  	[bflag:$0x0] =	sbarrier.arrive @!p0 $0xFFFF  }
0x112: {  	[spmem:s29], [sflag:s25] =	dma.local @!p0 [hbm:s6], $0x1860  }
0x113: {  	_ =	swait.ge @!p0 [sflag:s2], $0x1860  }
0x114: {  	[sflag:s2] =	ssyncset.done @!p0 $0x0  }
0x115: {  	s6 =	rddreg [dreg:$0xe];
	[sflag:s2] =	ssyncadd.s32 @!p0 $0xFFFFE7A0  }
0x116: {  	[spmem:s8], [sflag:s25] =	dma.local @!p0 [hbm:s6], $0xA0  }
0x117: {  	_ =	swait.ge @!p0 [sflag:s2], $0xA0  }
0x118: {  	[sflag:s2] =	ssyncset.done @!p0 $0x0  }
0x119: {  	s19 =	rddreg [dreg:$0x16];
	[sflag:s2] =	ssyncadd.s32 @!p0 $0xFFFFFF60  }
0x11a: {  	[spmem:s11], [sflag:s25] =	dma.local [hbm:s19], $0x1880  }
0x11b: {  	_ =	swait.ge [sflag:s13], $0x1880  }
0x11c: {  	[sflag:s13] =	ssyncset.done $0x0  }
0x11d: {  	[sflag:s13] =	ssyncadd.s32 $0xFFFFE780  }
.Ltmp12:
0x11e: {  	[bflag:$0x0] =	sbarrier.arrive $0xFFFF;
	(pc) =	sbr.rel .LBB2_14-.Ltmp12, $4  }
0x11f: {  	s30 =	simm.s32 $0x0;
	s28 =	simm.s32 $0x800;
	s20 =	rddreg [dreg:$0x17]  }
0x120: {  	[tilespmem:s28], [sflag:$0x3] =	stream.linear.gather [hbm4b:s20+s30], $0x400, $0x38;
	[tilespmem:$0x1F750] =	vst v63  }
0x121: {  	s2 =	simm.s32 $0xFFFFFC00;
	s31 =	rddreg [dreg:$0x18]  }
0x122: {  	[tilespmem:s30], [sflag:$0x1] =	stream.linear.gather [hbm4b:s31+s30], $0x400, $0x38;
	[tilespmem:$0x1F750] =	vst v63  }
.LBB2_15:
0x123: {  	s6 =	sadd.s32 $0x1, s6  }
0x124: {  	s15 =	sshll.u32 s6, $0xA  }
0x125: {  	s6 =	sand.u32 $0x1, s6;
	s15 =	sadd.s32 s10, s15  }
0x126: {  	s18 =	sshll.u32 s6, $0xA;
	s15 =	sshrl.u32 s15, $0x3  }
0x127: {  	s20 =	sadd.s32 $0x3, s6;
	s19 =	sor.u32 $0x800, s18;
	s28 =	sadd.s32 s22, s15  }
0x128: {  	[tilespmem:s19], [sflag:s20] =	stream.linear.gather [hbm4b:s28+s4], $0x400, $0x38;
	[tilespmem:$0x1F750] =	vst v63  }
0x129: {  	s6 =	sadd.s32 $0x1, s6;
	s15 =	sadd.s32 s5, s15  }
0x12a: {  	[tilespmem:s18], [sflag:s6] =	stream.linear.gather [hbm4b:s15+s4], $0x400, $0x38;
	[tilespmem:$0x1F750] =	vst v63  }
.LBB2_17:
0x12b: {  	s6 =	sadd.s32 $0xFFFFFFFF, s30  }
0x12c: {  	s15 =	sand.u32 $0xFF, s6  }
0x12d: {  	s15 =	smul.u32 $0xAB, s15;
	_ =	sdelay $0x1  }
0x12e: {  	s15 =	sshrl.u32 s15, $0x9  }
0x12f: {  	s15 =	smul.u32 $0x3, s15;
	_ =	sdelay $0x1  }
0x130: {  	s6 =	ssub.s32 s6, s15  }
0x131: {  	s6 =	sand.u32 $0xFF, s6  }
0x132: {  	s18 =	sand.u32 $0x1C00, s2;
	s28 =	sadd.s32 $0x5, s6  }
0x133: {  	s18 =	sshrl.u32 s18, $0x2;
	_ =	swait.ge [sflag:s28], $0x2000  }
0x134: {  	s18 =	sor.u32 $0x800, s18;
	s31 =	sshll.u32 s6, $0xD;
	[sflag:s28] =	ssyncset.done $0x0  }
0x135: {  	s6 =	sor.u32 $0x8, s6;
	s15 =	sor.u32 $0x1000, s31;
	[sflag:s28] =	ssyncadd.s32 $0xFFFFE000  }
0x136: {  	[spmem:s3] =	stream.indirect.scatter.add.f32 [tilespmem:s15], [sflag:s6], $0x20, s18, s16, $0xb8;
	[tilespmem:$0x1F750] =	vst v63  }
.LBB2_18:
0x137: {  	s30 =	sadd.s32 $0x1, s30  }
0x138: {  	p1 =	sne.s32 s30, $0x64  }
.Ltmp13:
0x139: {  	_ = 	snop;
	(pc) =	sbr.rel @!p1 .LBB2_19-.Ltmp13, $2  }
0x13a: {  	_ =	sdelay $0x2  }
0x13b: {  	s2 =	sadd.s32 $0x400, s2  }
.LBB2_14:
0x13c: {  	p1 =	slt.u32 s30, $0x3  }
0x13d: {  	s18 =	sand.u32 $0x3, s30;
	s15 =	sadd.s32 @!p1 $0xFFFFFFFD, s30  }
0x13e: {  	s6 =	sshrl.u32 s30, $0x2;
	p2 =	sne.s32 s18, $0x0;
	s19 =	sand.u32 @!p1 $0xFF, s15  }
0x13f: {  	s20 =	sand.u32 @!p2 $0x1, s6;
	s19 =	smul.u32 @!p1 $0xAB, s19  }
0x140: {  	s28 =	sadd.s32 @!p2 $0x1, s20  }
0x141: {  	_ =	swait.ge @!p2 [sflag:s28], $0x400;
	s19 =	sshrl.u32 @!p1 s19, $0x9  }
0x142: {  	[sflag:s28] =	ssyncset.done @!p2 $0x0;
	s19 =	smul.u32 @!p1 $0x3, s19  }
0x143: {  	s20 =	sadd.s32 @!p2 $0x3, s20;
	[sflag:s28] =	ssyncadd.s32 @!p2 $0xFFFFFC00  }
0x144: {  	_ =	swait.ge @!p2 [sflag:s20], $0x400;
	s15 =	ssub.s32 @!p1 s15, s19  }
0x145: {  	[sflag:s20] =	ssyncset.done @!p2 $0x0;
	s15 =	sor.u32 @!p1 $0x8, s15  }
0x146: {  	s31 =	smul.u32 $0xAB, s30;
	[sflag:s20] =	ssyncadd.s32 @!p2 $0xFFFFFC00;
	s15 =	sand.u32 @!p1 $0xFF, s15  }
0x147: {  	_ =	swait.ge @!p1 [sflag:s15], $0x2000  }
0x148: {  	s31 =	sshrl.u32 s31, $0x9;
	[sflag:s15] =	ssyncset.done @!p1 $0x0  }
0x149: {  	s19 =	sand.u32 $0x7F, s31;
	[sflag:s15] =	ssyncadd.s32 @!p1 $0xFFFFE000;
	p1 =	sgt.u32 s30, $0x61  }
0x14a: {  	s19 =	smul.u32 $0x3, s19;
	p2 =	sne.s32 @!p1 s18, $0x2  }
0x14b: {  	p1 =	por p1, p2  }
.Ltmp14:
0x14c: {  	s19 =	ssub.s32 s30, s19;
	(pc) =	sbr.rel @!p1 .LBB2_15-.Ltmp14, $4  }
0x14d: {  	s28 =	sshll.u32 s6, $0xA;
	s15 =	sand.u32 $0xFF, s19  }
0x14e: {  	s31 =	sshll.u32 s18, $0x8;
	s19 =	sand.u32 $0x400, s28;
	s20 =	sshll.u32 s15, $0xD  }
0x14f: {  	s19 =	sor.u32 s31, s19;
	s15 =	sadd.s32 $0x5, s15;
	s20 =	sor.u32 $0x1000, s20  }
0x150: {  	[tilespmem:s20], [sflag:s15] =	stream.indirect.gather [spmem:s1], $0x20, s19, s16, $0xb8;
	[tilespmem:$0x1F750] =	vst v63  }
0x151: {  	p1 =	seq.s32 s30, $0x0  }
.Ltmp15:
0x152: {  	_ = 	snop;
	(pc) =	sbr.rel @!p1 .LBB2_17-.Ltmp15, $4  }
.Ltmp16:
0x153: {  	_ = 	snop;
	(pc) =	sbr.rel @p1 .LBB2_18-.Ltmp16, $4  }
0x154: {  	_ = 	snop  }
0x155: {  	_ = 	snop  }
0x156: {  	_ = 	snop  }
0x157: {  	_ = 	snop  }
.LBB2_19:
0x158: {  	s2 =	simm.s32 $0x5  }
0x159: {  	_ =	swait.ge [sflag:s2], $0x2000  }
0x15a: {  	[sflag:s2] =	ssyncset.done $0x0  }
0x15b: {  	s19 =	simm.s32 $0xB00;
	s6 =	simm.s32 $0x1000;
	[sflag:s2] =	ssyncadd.s32 $0xFFFFE000  }
0x15c: {  	[spmem:s3] =	stream.indirect.scatter.add.f32 [tilespmem:s6], [sflag:$0x8], $0x20, s19, s16, $0xb8;
	[tilespmem:$0x1F750] =	vst v63  }
0x15d: {  	_ =	swait.ge [sflag:s21], $0x2000  }
0x15e: {  	[sflag:s21] =	ssyncset.done $0x0  }
0x15f: {  	[sflag:s21] =	ssyncadd.s32 $0xFFFFE000  }
0x160: {  	_ =	swait.ge [sflag:s26], $0x2000  }
0x161: {  	[sflag:s26] =	ssyncset.done $0x0  }
0x162: {  	[sflag:s26] =	ssyncadd.s32 $0xFFFFE000  }
0x163: {  	_ =	swait.ge [sflag:s0], $0x2000  }
0x164: {  	[sflag:s0] =	ssyncset.done $0x0  }
0x165: {  	[sflag:s0] =	ssyncadd.s32 $0xFFFFE000  }
0x166: {  	[bflag:$0x0] =	sbarrier.arrive $0xFFFF  }
0x167: {  	s20 =	rddreg [dreg:$0xf]  }
0x168: {  	[hbm:s20], [sflag:s25] =	dma.local [spmem:s9], $0x1860  }
0x169: {  	_ =	swait.ge [sflag:s13], $0x1860  }
0x16a: {  	[sflag:s13] =	ssyncset.done $0x0  }
0x16b: {  	[sflag:s13] =	ssyncadd.s32 $0xFFFFE7A0  }
0x16c: {  	[bflag:$0x0] =	sbarrier.arrive @p0 $0xFFFF  }
0x16d: {  	s2 =	simm.s32 @p0 $0xB;
	s6 =	rddreg [dreg:$0x10]  }
0x16e: {  	[spmem:s17], [sflag:s25] =	dma.local @p0 [hbm:s6], $0x1860  }
0x16f: {  	_ =	swait.ge @p0 [sflag:s2], $0x1860  }
0x170: {  	[sflag:s2] =	ssyncset.done @p0 $0x0  }
0x171: {  	[sflag:s2] =	ssyncadd.s32 @p0 $0xFFFFE7A0;
	s2 =	rddreg [dreg:$0x11]  }
0x172: {  	[hbm:s2], [sflag:s25] =	dma.local @!p0 [spmem:s14], $0xA0  }
0x173: {  	s2 =	simm.s32 @!p0 $0xB  }
0x174: {  	_ =	swait.ge @!p0 [sflag:s2], $0xA0  }
0x175: {  	[sflag:s2] =	ssyncset.done @!p0 $0x0  }
0x176: {  	[sflag:s2] =	ssyncadd.s32 @!p0 $0xFFFFFF60  }
0x177: {  	[bflag:$0x0] =	sbarrier.arrive @!p0 $0xFFFF  }
0x178: {  	[spmem:s29], [sflag:s25] =	dma.local @!p0 [hbm:s6], $0x1860  }
0x179: {  	_ =	swait.ge @!p0 [sflag:s2], $0x1860  }
0x17a: {  	[sflag:s2] =	ssyncset.done @!p0 $0x0  }
0x17b: {  	s6 =	rddreg [dreg:$0x12];
	[sflag:s2] =	ssyncadd.s32 @!p0 $0xFFFFE7A0  }
0x17c: {  	[spmem:s8], [sflag:s25] =	dma.local @!p0 [hbm:s6], $0xA0  }
0x17d: {  	_ =	swait.ge @!p0 [sflag:s2], $0xA0  }
0x17e: {  	[sflag:s2] =	ssyncset.done @!p0 $0x0  }
0x17f: {  	s28 =	rddreg [dreg:$0x16];
	[sflag:s2] =	ssyncadd.s32 @!p0 $0xFFFFFF60  }
0x180: {  	[spmem:s11], [sflag:s25] =	dma.local [hbm:s28], $0x1880  }
0x181: {  	_ =	swait.ge [sflag:s13], $0x1880  }
0x182: {  	[sflag:s13] =	ssyncset.done $0x0  }
0x183: {  	[sflag:s13] =	ssyncadd.s32 $0xFFFFE780  }
.Ltmp17:
0x184: {  	[bflag:$0x0] =	sbarrier.arrive $0xFFFF;
	(pc) =	sbr.rel .LBB2_20-.Ltmp17, $4  }
0x185: {  	s29 =	simm.s32 $0x800;
	s8 =	simm.s32 $0x0;
	s31 =	rddreg [dreg:$0x1b]  }
0x186: {  	[tilespmem:s29], [sflag:$0x3] =	stream.linear.gather [hbm4b:s31+s8], $0x400, $0x38;
	[tilespmem:$0x1F750] =	vst v63  }
0x187: {  	s2 =	simm.s32 $0xFFFFFC00;
	s30 =	rddreg [dreg:$0x1c]  }
0x188: {  	[tilespmem:s8], [sflag:$0x1] =	stream.linear.gather [hbm4b:s30+s8], $0x400, $0x38;
	[tilespmem:$0x1F750] =	vst v63  }
.LBB2_21:
0x189: {  	s6 =	sadd.s32 $0x1, s6  }
0x18a: {  	s11 =	sshll.u32 s6, $0xA  }
0x18b: {  	s6 =	sand.u32 $0x1, s6;
	s11 =	sadd.s32 s12, s11  }
0x18c: {  	s15 =	sshll.u32 s6, $0xA;
	s11 =	sshrl.u32 s11, $0x3  }
0x18d: {  	s18 =	sadd.s32 $0x3, s6;
	s17 =	sor.u32 $0x800, s15;
	s19 =	sadd.s32 s24, s11  }
0x18e: {  	[tilespmem:s17], [sflag:s18] =	stream.linear.gather [hbm4b:s19+s4], $0x400, $0x38;
	[tilespmem:$0x1F750] =	vst v63  }
0x18f: {  	s6 =	sadd.s32 $0x1, s6;
	s11 =	sadd.s32 s23, s11  }
0x190: {  	[tilespmem:s15], [sflag:s6] =	stream.linear.gather [hbm4b:s11+s4], $0x400, $0x38;
	[tilespmem:$0x1F750] =	vst v63  }
.LBB2_23:
0x191: {  	s6 =	sadd.s32 $0xFFFFFFFF, s8  }
0x192: {  	s11 =	sand.u32 $0xFF, s6  }
0x193: {  	s11 =	smul.u32 $0xAB, s11;
	_ =	sdelay $0x1  }
0x194: {  	s11 =	sshrl.u32 s11, $0x9  }
0x195: {  	s11 =	smul.u32 $0x3, s11;
	_ =	sdelay $0x1  }
0x196: {  	s6 =	ssub.s32 s6, s11  }
0x197: {  	s6 =	sand.u32 $0xFF, s6  }
0x198: {  	s15 =	sand.u32 $0x1C00, s2;
	s29 =	sadd.s32 $0x5, s6  }
0x199: {  	s15 =	sshrl.u32 s15, $0x2;
	_ =	swait.ge [sflag:s29], $0x2000  }
0x19a: {  	s15 =	sor.u32 $0x800, s15;
	s30 =	sshll.u32 s6, $0xD;
	[sflag:s29] =	ssyncset.done $0x0  }
0x19b: {  	s6 =	sor.u32 $0x8, s6;
	s11 =	sor.u32 $0x1000, s30;
	[sflag:s29] =	ssyncadd.s32 $0xFFFFE000  }
0x19c: {  	[spmem:s3] =	stream.indirect.scatter.add.f32 [tilespmem:s11], [sflag:s6], $0x20, s15, s16, $0xb8;
	[tilespmem:$0x1F750] =	vst v63  }
.LBB2_24:
0x19d: {  	s8 =	sadd.s32 $0x1, s8  }
0x19e: {  	p1 =	sne.s32 s8, $0x1C  }
.Ltmp18:
0x19f: {  	_ = 	snop;
	(pc) =	sbr.rel @!p1 .LBB2_25-.Ltmp18, $2  }
0x1a0: {  	_ =	sdelay $0x2  }
0x1a1: {  	s2 =	sadd.s32 $0x400, s2  }
.LBB2_20:
0x1a2: {  	p1 =	slt.u32 s8, $0x3  }
0x1a3: {  	s15 =	sand.u32 $0x3, s8;
	s11 =	sadd.s32 @!p1 $0xFFFFFFFD, s8  }
0x1a4: {  	s6 =	sshrl.u32 s8, $0x2;
	p2 =	sne.s32 s15, $0x0;
	s17 =	sand.u32 @!p1 $0xFF, s11  }
0x1a5: {  	s18 =	sand.u32 @!p2 $0x1, s6;
	s17 =	smul.u32 @!p1 $0xAB, s17  }
0x1a6: {  	s19 =	sadd.s32 @!p2 $0x1, s18  }
0x1a7: {  	_ =	swait.ge @!p2 [sflag:s19], $0x400;
	s17 =	sshrl.u32 @!p1 s17, $0x9  }
0x1a8: {  	[sflag:s19] =	ssyncset.done @!p2 $0x0;
	s17 =	smul.u32 @!p1 $0x3, s17  }
0x1a9: {  	s18 =	sadd.s32 @!p2 $0x3, s18;
	[sflag:s19] =	ssyncadd.s32 @!p2 $0xFFFFFC00  }
0x1aa: {  	_ =	swait.ge @!p2 [sflag:s18], $0x400;
	s11 =	ssub.s32 @!p1 s11, s17  }
0x1ab: {  	[sflag:s18] =	ssyncset.done @!p2 $0x0;
	s11 =	sor.u32 @!p1 $0x8, s11  }
0x1ac: {  	s20 =	smul.u32 $0xAB, s8;
	[sflag:s18] =	ssyncadd.s32 @!p2 $0xFFFFFC00;
	s11 =	sand.u32 @!p1 $0xFF, s11  }
0x1ad: {  	_ =	swait.ge @!p1 [sflag:s11], $0x2000  }
0x1ae: {  	s19 =	sshrl.u32 s20, $0x9;
	[sflag:s11] =	ssyncset.done @!p1 $0x0  }
0x1af: {  	s17 =	sand.u32 $0x7F, s19;
	[sflag:s11] =	ssyncadd.s32 @!p1 $0xFFFFE000;
	p1 =	sgt.u32 s8, $0x19  }
0x1b0: {  	s17 =	smul.u32 $0x3, s17;
	p2 =	sne.s32 @!p1 s15, $0x2  }
0x1b1: {  	p1 =	por p1, p2  }
.Ltmp19:
0x1b2: {  	s17 =	ssub.s32 s8, s17;
	(pc) =	sbr.rel @!p1 .LBB2_21-.Ltmp19, $4  }
0x1b3: {  	s20 =	sshll.u32 s6, $0xA;
	s11 =	sand.u32 $0xFF, s17  }
0x1b4: {  	s30 =	sshll.u32 s15, $0x8;
	s17 =	sand.u32 $0x400, s20;
	s29 =	sshll.u32 s11, $0xD  }
0x1b5: {  	s17 =	sor.u32 s30, s17;
	s11 =	sadd.s32 $0x5, s11;
	s18 =	sor.u32 $0x1000, s29  }
0x1b6: {  	[tilespmem:s18], [sflag:s11] =	stream.indirect.gather [spmem:s1], $0x20, s17, s16, $0xb8;
	[tilespmem:$0x1F750] =	vst v63  }
0x1b7: {  	p1 =	seq.s32 s8, $0x0  }
.Ltmp20:
0x1b8: {  	_ = 	snop;
	(pc) =	sbr.rel @!p1 .LBB2_23-.Ltmp20, $4  }
.Ltmp21:
0x1b9: {  	_ = 	snop;
	(pc) =	sbr.rel @p1 .LBB2_24-.Ltmp21, $4  }
0x1ba: {  	_ = 	snop  }
0x1bb: {  	_ = 	snop  }
0x1bc: {  	_ = 	snop  }
0x1bd: {  	_ = 	snop  }
.LBB2_26:
0x1be: {  	_ =	sfence.sel $0x180000  }
0x1bf: {  	[bflag:$0x0] =	sbarrier.arrive $0xFFFF  }
0x1c0: {  	_ =	strace $0x90000047  }
0x1c1: {  	s0 =	stileid.u32;
	[bflag:$0x2] =	sbarrier.arrive $0xFFFF  }
0x1c2: {  	p0 =	sne.s32 s0, $0x0;
	s0 =	rddreg [dreg:$0x4]  }
0x1c3: {  	s0 =	sadd.s32 @!p0 $0x100000, s0  }
0x1c4: {  	[sflag:s0] =	ssyncadd.tile.s32 @!p0 $0x1;
	_ =	shalt  }
.Lfunc_end2:
_tile_overlayer_lowered:
.L_overlay_start_2:
0x1c5: {  	(tag) =	ssettag $0x2  }
0x1c6: {  	s0 =	rddreg [dreg:$0x0];
	s2 =	stileid.u32  }
0x1c7: {  	s1 =	rddreg [dreg:$0x1];
	p0 =	sne.s32 s2, $0x0  }
0x1c8: {  	s3 =	rddreg [dreg:$0x2];
	[bflag:$0x3] =	sbarrier.arrive $0xFFFF;
	s2 =	simm.s32 @!p0 $0x1C0B  }
0x1c9: {  	[timem:s3], [sflag:s2] =	dma.local @!p0 [hbm:s0], s1  }
0x1ca: {  	s0 =	simm.s32 @!p0 $0xB  }
0x1cb: {  	_ =	swait.ge @!p0 [sflag:s0], s1  }
0x1cc: {  	s1 =	ssub.s32 @!p0 $0x0, s1;
	[sflag:s0] =	ssyncset.done @!p0 $0x0  }
0x1cd: {  	[sflag:s0] =	ssyncadd.s32 @!p0 s1  }
0x1ce: {  	[bflag:$0x3] =	sbarrier.arrive $0xFFFF  }
0x1cf: {  	_ =	shalt  }

</sc_bundles>
